<compile_context>
chip_gen: v7x
topology: tpu7x:2x2x1
jax: 0.10.2.dev20260603
libtpu: 0.0.44.dev20260713+nightly
codegen_flags: <defaults>
</compile_context>

<pallas_src>
import functools

import jax
import jax.numpy as jnp
from jax import lax
from jax.experimental import pallas as pl
from jax.experimental.pallas import tpu as pltpu
from jax.experimental.pallas import tpu_sc as plsc

B, NF, NT, V, D, L = 4096, 10, 26, 100000, 32, 20
DENSE_OUT, OVER_OUT = 32, 16

_NC = 2
_NS = 16
_NW = _NC * _NS

_PAIRS = B * NT
_PPW = _PAIRS // _NW
_CP = 64
_NCH = _PPW // _CP
_SL = 128
_RS = _CP * L // _SL
_GCH = _PAIRS // _CP

@functools.cache
def _get_sc_pool():
    mesh = plsc.VectorSubcoreMesh(core_axis_name="c", subcore_axis_name="s")
    return functools.partial(
        pl.kernel,
        mesh=mesh,
        compiler_params=pltpu.CompilerParams(use_tc_tiling_on_sc=False),
        out_type=jax.ShapeDtypeStruct((_PAIRS, D), jnp.float32),
        scratch_types=[
            pltpu.VMEM((2, _RS, _SL), jnp.int32),
            pltpu.VMEM((2, _RS, _SL, D), jnp.float32),
            pltpu.VMEM((2, _CP, D), jnp.float32),
            pltpu.SemaphoreType.DMA,
            pltpu.SemaphoreType.DMA,
        ],
    )(_sc_pool_body)


def _sc_pool_body(tables_hbm, idx_hbm, out_hbm, idx_v, rows_v, out_v, sem0, sem1):
    wid = lax.axis_index("s") * _NC + lax.axis_index("c")
    sems = (sem0, sem1)

    def start(slot, ci, sem):
        pltpu.sync_copy(idx_hbm.at[ci], idx_v.at[slot])
        for j in range(_RS):
            pltpu.async_copy(tables_hbm.at[idx_v.at[slot, j]],
                             rows_v.at[slot, j], sem)

    def drain(slot, sem):
        for j in range(_RS):
            pltpu.make_async_copy(tables_hbm.at[idx_v.at[slot, j]],
                                  rows_v.at[slot, j], sem).wait()

    def compute(slot):
        def pair_body(p, carry):
            base = p * L
            acc_a = rows_v[slot, base >> 7, base & 127, pl.ds(0, 16)]
            acc_b = rows_v[slot, base >> 7, base & 127, pl.ds(16, 16)]
            for l in range(1, L):
                r = base + l
                j = r >> 7
                k = r & 127
                acc_a = acc_a + rows_v[slot, j, k, pl.ds(0, 16)]
                acc_b = acc_b + rows_v[slot, j, k, pl.ds(16, 16)]
            out_v[slot, p, pl.ds(0, 16)] = acc_a
            out_v[slot, p, pl.ds(16, 16)] = acc_b
            return carry

        lax.fori_loop(0, _CP, pair_body, 0)

    chunk0 = wid * _NCH
    start(0, chunk0, sems[0])
    start(1, chunk0 + 1, sems[1])

    def loop_body(c2, carry):
        for slot in range(2):
            ci = c2 * 2 + slot
            drain(slot, sems[slot])
            compute(slot)
            pltpu.sync_copy(
                out_v.at[slot],
                out_hbm.at[pl.ds((chunk0 + ci) * _CP, _CP)])
            nxt = ci + 2

            @pl.when(nxt < _NCH)
            def _():
                start(slot, chunk0 + nxt, sems[slot])
        return carry

    lax.fori_loop(0, _NCH // 2, loop_body, 0)


_TV = V


_QS = 24960
_Q = 25120
_LC = 3584
_QF = 7 * _LC
_LIN_UNITS = [(a, i * _LC) for a in range(4) for i in range(7)]


def _lin_body(tin, tl, o):
    x = tin[0]
    for i in range(7):
        r0 = i * _LC
        m = jnp.concatenate(
            [x[:, a * _QS + r0:a * _QS + r0 + _LC] for a in range(4)],
            axis=0)
        o[pl.ds(r0, _LC), :] = jnp.transpose(m)
    mt = jnp.concatenate(
        [tl[0][:, a * D:(a + 1) * D] for a in range(4)], axis=0)
    o[pl.ds(_QF, 32), :] = jnp.transpose(mt)


_linearize = pl.pallas_call(
    _lin_body,
    grid=(NT,),
    in_specs=[pl.BlockSpec((1, D, _TV), lambda t: (t, 0, 0)),
              pl.BlockSpec((1, D, 128), lambda t: (t, 0, 0))],
    out_specs=pl.BlockSpec((_Q, 128), lambda t: (t, 0)),
    out_shape=jax.ShapeDtypeStruct((NT * _Q, 128), jnp.float32),
    compiler_params=pltpu.CompilerParams(vmem_limit_bytes=65011712),
)


_BM = 512


def _head_body(ff, dw, db, pooled, owd, ows, ob, o):
    dense = jnp.maximum(
        jnp.dot(ff[:], dw[:], preferred_element_type=jnp.float32) + db[:], 0.0)
    o[:] = (jnp.dot(dense, owd[:], preferred_element_type=jnp.float32)
            + jnp.dot(pooled[:], ows[:], preferred_element_type=jnp.float32)
            + ob[:])


_tc_head = pl.pallas_call(
    _head_body,
    grid=(B // _BM,),
    in_specs=[
        pl.BlockSpec((_BM, NF), lambda i: (i, 0)),
        pl.BlockSpec((NF, DENSE_OUT), lambda i: (0, 0)),
        pl.BlockSpec((1, DENSE_OUT), lambda i: (0, 0)),
        pl.BlockSpec((_BM, NT * D), lambda i: (i, 0)),
        pl.BlockSpec((DENSE_OUT, OVER_OUT), lambda i: (0, 0)),
        pl.BlockSpec((NT * D, OVER_OUT), lambda i: (0, 0)),
        pl.BlockSpec((1, OVER_OUT), lambda i: (0, 0)),
    ],
    out_specs=pl.BlockSpec((_BM, OVER_OUT), lambda i: (i, 0)),
    out_shape=jax.ShapeDtypeStruct((B, OVER_OUT), jnp.float32),
)


def kernel(float_features, indices, tables, dense_w, dense_b, over_w, over_b):
    tables_t = jnp.transpose(tables, (0, 2, 1))
    tails = jnp.concatenate(
        [tables_t[:, :, a * _QS + _QF:a * _QS + _Q] for a in range(4)], axis=2)
    tables2d = _linearize(tables_t, tails).reshape(NT * _Q * 4, D)
    idx32 = indices.astype(jnp.int32)
    a = ((idx32 >= _QS).astype(jnp.int32)
         + (idx32 >= 2 * _QS).astype(jnp.int32)
         + (idx32 >= 3 * _QS).astype(jnp.int32))
    r = idx32 - a * _QS
    toff = (jnp.arange(NT, dtype=jnp.int32) * _Q)[None, :, None]
    flat_idx = ((toff + r) << 2) + a
    idx_chunks = flat_idx.reshape(_GCH, _RS, _SL)
    pooled = _get_sc_pool()(tables2d, idx_chunks)
    pooled2 = pooled.reshape(B, NT * D)
    out = _tc_head(float_features, dense_w, dense_b.reshape(1, DENSE_OUT),
                   pooled2, over_w[:DENSE_OUT], over_w[DENSE_OUT:],
                   over_b.reshape(1, OVER_OUT))
    return out

# --- scband reference (transcript-rebuilt; emitter-appended) ---
"""Pipeline reference for scband-test-sparse-nn-75015898792210 (READ-ONLY COPY).

The authoritative reference and input builder live on the scoring server;
editing this copy changes nothing except your own understanding.
"""

import jax, jax.numpy as jnp
import numpy as np

B, NF, NT, V, D, L = 4096, 10, 26, 100000, 32, 20
DENSE_OUT, OVER_OUT = 32, 16


def setup_inputs(seed: int = 0) -> dict:
    key = jax.random.key(seed)
    ks = jax.random.split(key, 7)
    float_features = jax.random.normal(ks[0], (B, NF), dtype=jnp.float32)
    indices = jax.random.randint(ks[1], (B, NT, L), 0, V, dtype=jnp.int32)
    # Embedding tables for the EmbeddingBagCollection (one stacked table per sparse feature)
    tables = jax.random.normal(ks[2], (NT, V, D), dtype=jnp.float32) * 0.01
    # TestDenseArch: Linear(num_float_features -> dense_out) + ReLU
    dense_w = jax.random.normal(ks[3], (NF, DENSE_OUT), dtype=jnp.float32) * 0.1
    dense_b = jnp.zeros((DENSE_OUT,), dtype=jnp.float32)
    # TestOverArch: Linear(concat(dense, sparse) -> over_out)
    over_in = DENSE_OUT + NT * D
    over_w = jax.random.normal(ks[4], (over_in, OVER_OUT), dtype=jnp.float32) * 0.02
    over_b = jnp.zeros((OVER_OUT,), dtype=jnp.float32)
    return {
        "float_features": float_features,
        "indices": indices,
        "tables": tables,
        "dense_w": dense_w,
        "dense_b": dense_b,
        "over_w": over_w,
        "over_b": over_b,
    }


def reference(float_features, indices, tables, dense_w, dense_b, over_w, over_b):
    # Dense arch
    dense = jnp.maximum(float_features @ dense_w + dense_b, 0.0)  # [B, DENSE_OUT]
    # Sparse arch: EmbeddingBagCollection with sum pooling over hist_len per feature
    def pool_one(tbl, idx):
        # tbl: [V, D], idx: [B, L] -> pooled [B, D]
        return jnp.take(tbl, idx, axis=0).sum(axis=1)
    pooled = jax.vmap(pool_one, in_axes=(0, 1), out_axes=1)(tables, indices)  # [B, NT, D]
    sparse = pooled.reshape(pooled.shape[0], -1)  # [B, NT*D], equivalent to KeyedTensor.values()
    # _concat(dense, sparse_embeddings) then over arch
    feat = jnp.concatenate([dense, sparse], axis=1)
    out = feat @ over_w + over_b  # [B, OVER_OUT]
    return out

if __name__ == "__main__":
    import jax
    _d = setup_inputs()
    print(jax.jit(kernel)(*tuple(_d.values())))

</pallas_src>

<mosaic_0001>
#map = affine_map<(d0, d1) -> (0, 0)>
#map1 = affine_map<(d0, d1) -> (0, 0, 0)>
module attributes {stable_mosaic.version = 14 : i64} {
  func.func @_sc_pool_body(%arg0: i32, %arg1: i32, %arg2: memref<2612480x32xf32, #tpu.memory_space<hbm>>, %arg3: memref<1664x10x128xi32, #tpu.memory_space<hbm>>, %arg4: memref<106496x32xf32, #tpu.memory_space<hbm>>, %arg5: memref<2x10x128xi32, #tpu.memory_space<vmem>>, %arg6: memref<2x10x128x32xf32, #tpu.memory_space<vmem>>, %arg7: memref<2x64x32xf32, #tpu.memory_space<vmem>>, %arg8: memref<!tpu.dma_semaphore, #tpu.memory_space<semaphore_mem>>, %arg9: memref<!tpu.dma_semaphore, #tpu.memory_space<semaphore_mem>>) attributes {dimension_semantics = [#tpu.dimension_semantics<core_parallel>, #tpu.dimension_semantics<subcore_parallel>], iteration_bounds = array<i64: 2, 16>, scalar_prefetch = 0 : i64, scratch_operands = 5 : i64, tpu.core_type = #tpu.core_type<sc_vector_subcore>, window_params = [{transform_indices = #map}, {transform_indices = #map1}, {transform_indices = #map}]} {
    %mul3A = arith.constant 2 : i32
    %mul3A_0 = arith.muli %arg1, %mul3A : i32
    %add3A = arith.addi %mul3A_0, %arg0 : i32
    %mul3A_1 = arith.constant 52 : i32
    %mul3A_2 = arith.muli %add3A, %mul3A_1 : i32
    %run_scoped3A = arith.constant 0 : i32
    "tpu.region"() ({
      %run_scoped3A_290 = tpu.sem_alloc : memref<!tpu.dma_semaphore, #tpu.memory_space<semaphore_mem>>
      %dma_start3A_291 = arith.constant 0 : i32
      %dma_start3A_292 = arith.constant 0 : i32
      %dma_start3A_293 = tpu.memref_slice %arg5[%run_scoped3A, %dma_start3A_291, %dma_start3A_292] : memref<2x10x128xi32, #tpu.memory_space<vmem>> -> memref<1x10x128xi32, #tpu.memory_space<vmem>>
      %dma_start3A_294 = tpu.memref_squeeze %dma_start3A_293 : memref<1x10x128xi32, #tpu.memory_space<vmem>> -> memref<10x128xi32, #tpu.memory_space<vmem>>
      %dma_start3A_295 = arith.constant 0 : i32
      %dma_start3A_296 = arith.constant 0 : i32
      %dma_start3A_297 = tpu.memref_slice %arg3[%mul3A_2, %dma_start3A_295, %dma_start3A_296] : memref<1664x10x128xi32, #tpu.memory_space<hbm>> -> memref<1x10x128xi32, #tpu.memory_space<hbm>>
      %dma_start3A_298 = tpu.memref_squeeze %dma_start3A_297 : memref<1x10x128xi32, #tpu.memory_space<hbm>> -> memref<10x128xi32, #tpu.memory_space<hbm>>
      %dma_start3A_299 = arith.constant 0 : i32
      %dma_start3A_300 = arith.constant 0 : i32
      %dma_start3A_301 = tpu.memref_slice %arg5[%run_scoped3A, %dma_start3A_299, %dma_start3A_300] : memref<2x10x128xi32, #tpu.memory_space<vmem>> -> memref<1x10x128xi32, #tpu.memory_space<vmem>>
      %dma_start3A_302 = tpu.memref_squeeze %dma_start3A_301 : memref<1x10x128xi32, #tpu.memory_space<vmem>> -> memref<10x128xi32, #tpu.memory_space<vmem>>
      %dma_start3A_303 = arith.constant 0 : i32
      %dma_start3A_304 = arith.constant 0 : i32
      %dma_start3A_305 = tpu.memref_slice %arg3[%mul3A_2, %dma_start3A_303, %dma_start3A_304] : memref<1664x10x128xi32, #tpu.memory_space<hbm>> -> memref<1x10x128xi32, #tpu.memory_space<hbm>>
      %dma_start3A_306 = tpu.memref_squeeze %dma_start3A_305 : memref<1x10x128xi32, #tpu.memory_space<hbm>> -> memref<10x128xi32, #tpu.memory_space<hbm>>
      tpu.enqueue_dma source(%dma_start3A_306 : memref<10x128xi32, #tpu.memory_space<hbm>>) target(%dma_start3A_302 : memref<10x128xi32, #tpu.memory_space<vmem>>) target_semaphore(%run_scoped3A_290 : memref<!tpu.dma_semaphore, #tpu.memory_space<semaphore_mem>>)
      %dma_wait3A = arith.constant 0 : i32
      %dma_wait3A_307 = arith.constant 0 : i32
      %dma_wait3A_308 = tpu.memref_slice %arg5[%run_scoped3A, %dma_wait3A, %dma_wait3A_307] : memref<2x10x128xi32, #tpu.memory_space<vmem>> -> memref<1x10x128xi32, #tpu.memory_space<vmem>>
      %dma_wait3A_309 = tpu.memref_squeeze %dma_wait3A_308 : memref<1x10x128xi32, #tpu.memory_space<vmem>> -> memref<10x128xi32, #tpu.memory_space<vmem>>
      %dma_wait3A_310 = arith.constant 0 : i32
      %dma_wait3A_311 = arith.constant 0 : i32
      %dma_wait3A_312 = tpu.memref_slice %arg3[%mul3A_2, %dma_wait3A_310, %dma_wait3A_311] : memref<1664x10x128xi32, #tpu.memory_space<hbm>> -> memref<1x10x128xi32, #tpu.memory_space<hbm>>
      %dma_wait3A_313 = tpu.memref_squeeze %dma_wait3A_312 : memref<1x10x128xi32, #tpu.memory_space<hbm>> -> memref<10x128xi32, #tpu.memory_space<hbm>>
      %dma_wait3A_314 = arith.constant 0 : i32
      %dma_wait3A_315 = arith.constant 0 : i32
      %dma_wait3A_316 = tpu.memref_slice %arg5[%run_scoped3A, %dma_wait3A_314, %dma_wait3A_315] : memref<2x10x128xi32, #tpu.memory_space<vmem>> -> memref<1x10x128xi32, #tpu.memory_space<vmem>>
      %dma_wait3A_317 = tpu.memref_squeeze %dma_wait3A_316 : memref<1x10x128xi32, #tpu.memory_space<vmem>> -> memref<10x128xi32, #tpu.memory_space<vmem>>
      %dma_wait3A_318 = arith.constant 0 : i32
      %dma_wait3A_319 = arith.constant 0 : i32
      %dma_wait3A_320 = tpu.memref_slice %arg3[%mul3A_2, %dma_wait3A_318, %dma_wait3A_319] : memref<1664x10x128xi32, #tpu.memory_space<hbm>> -> memref<1x10x128xi32, #tpu.memory_space<hbm>>
      %dma_wait3A_321 = tpu.memref_squeeze %dma_wait3A_320 : memref<1x10x128xi32, #tpu.memory_space<hbm>> -> memref<10x128xi32, #tpu.memory_space<hbm>>
      tpu.wait_dma2 semaphore(%run_scoped3A_290 : memref<!tpu.dma_semaphore, #tpu.memory_space<semaphore_mem>>) src(%dma_wait3A_321 : memref<10x128xi32, #tpu.memory_space<hbm>>) dst(%dma_wait3A_317 : memref<10x128xi32, #tpu.memory_space<vmem>>)
      tpu.yield
    }) : () -> ()
    %dma_start3A = arith.constant 0 : i32
    %dma_start3A_3 = arith.constant 0 : i32
    %dma_start3A_4 = arith.constant 0 : i32
    %dma_start3A_5 = arith.constant 0 : i32
    %dma_start3A_6 = arith.constant 0 : i32
    %dma_start3A_7 = arith.constant 0 : i32
    %dma_start3A_8 = tpu.memref_slice %arg6[%dma_start3A_4, %dma_start3A_5, %dma_start3A_6, %dma_start3A_7] : memref<2x10x128x32xf32, #tpu.memory_space<vmem>> -> memref<1x1x128x32xf32, #tpu.memory_space<vmem>>
    %dma_start3A_9 = tpu.memref_squeeze %dma_start3A_8 : memref<1x1x128x32xf32, #tpu.memory_space<vmem>> -> memref<128x32xf32, #tpu.memory_space<vmem>>
    %dma_start3A_10 = arith.constant 0 : i32
    %dma_start3A_11 = tpu.memref_slice %arg5[%dma_start3A, %dma_start3A_3, %dma_start3A_10] : memref<2x10x128xi32, #tpu.memory_space<vmem>> -> memref<1x1x128xi32, #tpu.memory_space<vmem>>
    %dma_start3A_12 = tpu.memref_squeeze %dma_start3A_11 : memref<1x1x128xi32, #tpu.memory_space<vmem>> -> memref<128xi32, #tpu.memory_space<vmem>>
    %dma_start3A_13 = arith.constant 0 : i32
    %dma_start3A_14 = arith.constant 0 : i32
    %dma_start3A_15 = tpu.memref_slice %arg2[%dma_start3A_13, %dma_start3A_14] : memref<2612480x32xf32, #tpu.memory_space<hbm>> -> memref<2612480x32xf32, #tpu.memory_space<hbm>>
    tpu.enqueue_indirect_dma source(%dma_start3A_15 : memref<2612480x32xf32, #tpu.memory_space<hbm>>) target(%dma_start3A_9 : memref<128x32xf32, #tpu.memory_space<vmem>>) offsets(%dma_start3A_12 : memref<128xi32, #tpu.memory_space<vmem>>) semaphore(%arg8 : memref<!tpu.dma_semaphore, #tpu.memory_space<semaphore_mem>>)
    %dma_start3A_16 = arith.constant 0 : i32
    %dma_start3A_17 = arith.constant 1 : i32
    %dma_start3A_18 = arith.constant 0 : i32
    %dma_start3A_19 = arith.constant 1 : i32
    %dma_start3A_20 = arith.constant 0 : i32
    %dma_start3A_21 = arith.constant 0 : i32
    %dma_start3A_22 = tpu.memref_slice %arg6[%dma_start3A_18, %dma_start3A_19, %dma_start3A_20, %dma_start3A_21] : memref<2x10x128x32xf32, #tpu.memory_space<vmem>> -> memref<1x1x128x32xf32, #tpu.memory_space<vmem>>
    %dma_start3A_23 = tpu.memref_squeeze %dma_start3A_22 : memref<1x1x128x32xf32, #tpu.memory_space<vmem>> -> memref<128x32xf32, #tpu.memory_space<vmem>>
    %dma_start3A_24 = arith.constant 0 : i32
    %dma_start3A_25 = tpu.memref_slice %arg5[%dma_start3A_16, %dma_start3A_17, %dma_start3A_24] : memref<2x10x128xi32, #tpu.memory_space<vmem>> -> memref<1x1x128xi32, #tpu.memory_space<vmem>>
    %dma_start3A_26 = tpu.memref_squeeze %dma_start3A_25 : memref<1x1x128xi32, #tpu.memory_space<vmem>> -> memref<128xi32, #tpu.memory_space<vmem>>
    %dma_start3A_27 = arith.constant 0 : i32
    %dma_start3A_28 = arith.constant 0 : i32
    %dma_start3A_29 = tpu.memref_slice %arg2[%dma_start3A_27, %dma_start3A_28] : memref<2612480x32xf32, #tpu.memory_space<hbm>> -> memref<2612480x32xf32, #tpu.memory_space<hbm>>
    tpu.enqueue_indirect_dma source(%dma_start3A_29 : memref<2612480x32xf32, #tpu.memory_space<hbm>>) target(%dma_start3A_23 : memref<128x32xf32, #tpu.memory_space<vmem>>) offsets(%dma_start3A_26 : memref<128xi32, #tpu.memory_space<vmem>>) semaphore(%arg8 : memref<!tpu.dma_semaphore, #tpu.memory_space<semaphore_mem>>)
    %dma_start3A_30 = arith.constant 0 : i32
    %dma_start3A_31 = arith.constant 2 : i32
    %dma_start3A_32 = arith.constant 0 : i32
    %dma_start3A_33 = arith.constant 2 : i32
    %dma_start3A_34 = arith.constant 0 : i32
    %dma_start3A_35 = arith.constant 0 : i32
    %dma_start3A_36 = tpu.memref_slice %arg6[%dma_start3A_32, %dma_start3A_33, %dma_start3A_34, %dma_start3A_35] : memref<2x10x128x32xf32, #tpu.memory_space<vmem>> -> memref<1x1x128x32xf32, #tpu.memory_space<vmem>>
    %dma_start3A_37 = tpu.memref_squeeze %dma_start3A_36 : memref<1x1x128x32xf32, #tpu.memory_space<vmem>> -> memref<128x32xf32, #tpu.memory_space<vmem>>
    %dma_start3A_38 = arith.constant 0 : i32
    %dma_start3A_39 = tpu.memref_slice %arg5[%dma_start3A_30, %dma_start3A_31, %dma_start3A_38] : memref<2x10x128xi32, #tpu.memory_space<vmem>> -> memref<1x1x128xi32, #tpu.memory_space<vmem>>
    %dma_start3A_40 = tpu.memref_squeeze %dma_start3A_39 : memref<1x1x128xi32, #tpu.memory_space<vmem>> -> memref<128xi32, #tpu.memory_space<vmem>>
    %dma_start3A_41 = arith.constant 0 : i32
    %dma_start3A_42 = arith.constant 0 : i32
    %dma_start3A_43 = tpu.memref_slice %arg2[%dma_start3A_41, %dma_start3A_42] : memref<2612480x32xf32, #tpu.memory_space<hbm>> -> memref<2612480x32xf32, #tpu.memory_space<hbm>>
    tpu.enqueue_indirect_dma source(%dma_start3A_43 : memref<2612480x32xf32, #tpu.memory_space<hbm>>) target(%dma_start3A_37 : memref<128x32xf32, #tpu.memory_space<vmem>>) offsets(%dma_start3A_40 : memref<128xi32, #tpu.memory_space<vmem>>) semaphore(%arg8 : memref<!tpu.dma_semaphore, #tpu.memory_space<semaphore_mem>>)
    %dma_start3A_44 = arith.constant 0 : i32
    %dma_start3A_45 = arith.constant 3 : i32
    %dma_start3A_46 = arith.constant 0 : i32
    %dma_start3A_47 = arith.constant 3 : i32
    %dma_start3A_48 = arith.constant 0 : i32
    %dma_start3A_49 = arith.constant 0 : i32
    %dma_start3A_50 = tpu.memref_slice %arg6[%dma_start3A_46, %dma_start3A_47, %dma_start3A_48, %dma_start3A_49] : memref<2x10x128x32xf32, #tpu.memory_space<vmem>> -> memref<1x1x128x32xf32, #tpu.memory_space<vmem>>
    %dma_start3A_51 = tpu.memref_squeeze %dma_start3A_50 : memref<1x1x128x32xf32, #tpu.memory_space<vmem>> -> memref<128x32xf32, #tpu.memory_space<vmem>>
    %dma_start3A_52 = arith.constant 0 : i32
    %dma_start3A_53 = tpu.memref_slice %arg5[%dma_start3A_44, %dma_start3A_45, %dma_start3A_52] : memref<2x10x128xi32, #tpu.memory_space<vmem>> -> memref<1x1x128xi32, #tpu.memory_space<vmem>>
    %dma_start3A_54 = tpu.memref_squeeze %dma_start3A_53 : memref<1x1x128xi32, #tpu.memory_space<vmem>> -> memref<128xi32, #tpu.memory_space<vmem>>
    %dma_start3A_55 = arith.constant 0 : i32
    %dma_start3A_56 = arith.constant 0 : i32
    %dma_start3A_57 = tpu.memref_slice %arg2[%dma_start3A_55, %dma_start3A_56] : memref<2612480x32xf32, #tpu.memory_space<hbm>> -> memref<2612480x32xf32, #tpu.memory_space<hbm>>
    tpu.enqueue_indirect_dma source(%dma_start3A_57 : memref<2612480x32xf32, #tpu.memory_space<hbm>>) target(%dma_start3A_51 : memref<128x32xf32, #tpu.memory_space<vmem>>) offsets(%dma_start3A_54 : memref<128xi32, #tpu.memory_space<vmem>>) semaphore(%arg8 : memref<!tpu.dma_semaphore, #tpu.memory_space<semaphore_mem>>)
    %dma_start3A_58 = arith.constant 0 : i32
    %dma_start3A_59 = arith.constant 4 : i32
    %dma_start3A_60 = arith.constant 0 : i32
    %dma_start3A_61 = arith.constant 4 : i32
    %dma_start3A_62 = arith.constant 0 : i32
    %dma_start3A_63 = arith.constant 0 : i32
    %dma_start3A_64 = tpu.memref_slice %arg6[%dma_start3A_60, %dma_start3A_61, %dma_start3A_62, %dma_start3A_63] : memref<2x10x128x32xf32, #tpu.memory_space<vmem>> -> memref<1x1x128x32xf32, #tpu.memory_space<vmem>>
    %dma_start3A_65 = tpu.memref_squeeze %dma_start3A_64 : memref<1x1x128x32xf32, #tpu.memory_space<vmem>> -> memref<128x32xf32, #tpu.memory_space<vmem>>
    %dma_start3A_66 = arith.constant 0 : i32
    %dma_start3A_67 = tpu.memref_slice %arg5[%dma_start3A_58, %dma_start3A_59, %dma_start3A_66] : memref<2x10x128xi32, #tpu.memory_space<vmem>> -> memref<1x1x128xi32, #tpu.memory_space<vmem>>
    %dma_start3A_68 = tpu.memref_squeeze %dma_start3A_67 : memref<1x1x128xi32, #tpu.memory_space<vmem>> -> memref<128xi32, #tpu.memory_space<vmem>>
    %dma_start3A_69 = arith.constant 0 : i32
    %dma_start3A_70 = arith.constant 0 : i32
    %dma_start3A_71 = tpu.memref_slice %arg2[%dma_start3A_69, %dma_start3A_70] : memref<2612480x32xf32, #tpu.memory_space<hbm>> -> memref<2612480x32xf32, #tpu.memory_space<hbm>>
    tpu.enqueue_indirect_dma source(%dma_start3A_71 : memref<2612480x32xf32, #tpu.memory_space<hbm>>) target(%dma_start3A_65 : memref<128x32xf32, #tpu.memory_space<vmem>>) offsets(%dma_start3A_68 : memref<128xi32, #tpu.memory_space<vmem>>) semaphore(%arg8 : memref<!tpu.dma_semaphore, #tpu.memory_space<semaphore_mem>>)
    %dma_start3A_72 = arith.constant 0 : i32
    %dma_start3A_73 = arith.constant 5 : i32
    %dma_start3A_74 = arith.constant 0 : i32
    %dma_start3A_75 = arith.constant 5 : i32
    %dma_start3A_76 = arith.constant 0 : i32
    %dma_start3A_77 = arith.constant 0 : i32
    %dma_start3A_78 = tpu.memref_slice %arg6[%dma_start3A_74, %dma_start3A_75, %dma_start3A_76, %dma_start3A_77] : memref<2x10x128x32xf32, #tpu.memory_space<vmem>> -> memref<1x1x128x32xf32, #tpu.memory_space<vmem>>
    %dma_start3A_79 = tpu.memref_squeeze %dma_start3A_78 : memref<1x1x128x32xf32, #tpu.memory_space<vmem>> -> memref<128x32xf32, #tpu.memory_space<vmem>>
    %dma_start3A_80 = arith.constant 0 : i32
    %dma_start3A_81 = tpu.memref_slice %arg5[%dma_start3A_72, %dma_start3A_73, %dma_start3A_80] : memref<2x10x128xi32, #tpu.memory_space<vmem>> -> memref<1x1x128xi32, #tpu.memory_space<vmem>>
    %dma_start3A_82 = tpu.memref_squeeze %dma_start3A_81 : memref<1x1x128xi32, #tpu.memory_space<vmem>> -> memref<128xi32, #tpu.memory_space<vmem>>
    %dma_start3A_83 = arith.constant 0 : i32
    %dma_start3A_84 = arith.constant 0 : i32
    %dma_start3A_85 = tpu.memref_slice %arg2[%dma_start3A_83, %dma_start3A_84] : memref<2612480x32xf32, #tpu.memory_space<hbm>> -> memref<2612480x32xf32, #tpu.memory_space<hbm>>
    tpu.enqueue_indirect_dma source(%dma_start3A_85 : memref<2612480x32xf32, #tpu.memory_space<hbm>>) target(%dma_start3A_79 : memref<128x32xf32, #tpu.memory_space<vmem>>) offsets(%dma_start3A_82 : memref<128xi32, #tpu.memory_space<vmem>>) semaphore(%arg8 : memref<!tpu.dma_semaphore, #tpu.memory_space<semaphore_mem>>)
    %dma_start3A_86 = arith.constant 0 : i32
    %dma_start3A_87 = arith.constant 6 : i32
    %dma_start3A_88 = arith.constant 0 : i32
    %dma_start3A_89 = arith.constant 6 : i32
    %dma_start3A_90 = arith.constant 0 : i32
    %dma_start3A_91 = arith.constant 0 : i32
    %dma_start3A_92 = tpu.memref_slice %arg6[%dma_start3A_88, %dma_start3A_89, %dma_start3A_90, %dma_start3A_91] : memref<2x10x128x32xf32, #tpu.memory_space<vmem>> -> memref<1x1x128x32xf32, #tpu.memory_space<vmem>>
    %dma_start3A_93 = tpu.memref_squeeze %dma_start3A_92 : memref<1x1x128x32xf32, #tpu.memory_space<vmem>> -> memref<128x32xf32, #tpu.memory_space<vmem>>
    %dma_start3A_94 = arith.constant 0 : i32
    %dma_start3A_95 = tpu.memref_slice %arg5[%dma_start3A_86, %dma_start3A_87, %dma_start3A_94] : memref<2x10x128xi32, #tpu.memory_space<vmem>> -> memref<1x1x128xi32, #tpu.memory_space<vmem>>
    %dma_start3A_96 = tpu.memref_squeeze %dma_start3A_95 : memref<1x1x128xi32, #tpu.memory_space<vmem>> -> memref<128xi32, #tpu.memory_space<vmem>>
    %dma_start3A_97 = arith.constant 0 : i32
    %dma_start3A_98 = arith.constant 0 : i32
    %dma_start3A_99 = tpu.memref_slice %arg2[%dma_start3A_97, %dma_start3A_98] : memref<2612480x32xf32, #tpu.memory_space<hbm>> -> memref<2612480x32xf32, #tpu.memory_space<hbm>>
    tpu.enqueue_indirect_dma source(%dma_start3A_99 : memref<2612480x32xf32, #tpu.memory_space<hbm>>) target(%dma_start3A_93 : memref<128x32xf32, #tpu.memory_space<vmem>>) offsets(%dma_start3A_96 : memref<128xi32, #tpu.memory_space<vmem>>) semaphore(%arg8 : memref<!tpu.dma_semaphore, #tpu.memory_space<semaphore_mem>>)
    %dma_start3A_100 = arith.constant 0 : i32
    %dma_start3A_101 = arith.constant 7 : i32
    %dma_start3A_102 = arith.constant 0 : i32
    %dma_start3A_103 = arith.constant 7 : i32
    %dma_start3A_104 = arith.constant 0 : i32
    %dma_start3A_105 = arith.constant 0 : i32
    %dma_start3A_106 = tpu.memref_slice %arg6[%dma_start3A_102, %dma_start3A_103, %dma_start3A_104, %dma_start3A_105] : memref<2x10x128x32xf32, #tpu.memory_space<vmem>> -> memref<1x1x128x32xf32, #tpu.memory_space<vmem>>
    %dma_start3A_107 = tpu.memref_squeeze %dma_start3A_106 : memref<1x1x128x32xf32, #tpu.memory_space<vmem>> -> memref<128x32xf32, #tpu.memory_space<vmem>>
    %dma_start3A_108 = arith.constant 0 : i32
    %dma_start3A_109 = tpu.memref_slice %arg5[%dma_start3A_100, %dma_start3A_101, %dma_start3A_108] : memref<2x10x128xi32, #tpu.memory_space<vmem>> -> memref<1x1x128xi32, #tpu.memory_space<vmem>>
    %dma_start3A_110 = tpu.memref_squeeze %dma_start3A_109 : memref<1x1x128xi32, #tpu.memory_space<vmem>> -> memref<128xi32, #tpu.memory_space<vmem>>
    %dma_start3A_111 = arith.constant 0 : i32
    %dma_start3A_112 = arith.constant 0 : i32
    %dma_start3A_113 = tpu.memref_slice %arg2[%dma_start3A_111, %dma_start3A_112] : memref<2612480x32xf32, #tpu.memory_space<hbm>> -> memref<2612480x32xf32, #tpu.memory_space<hbm>>
    tpu.enqueue_indirect_dma source(%dma_start3A_113 : memref<2612480x32xf32, #tpu.memory_space<hbm>>) target(%dma_start3A_107 : memref<128x32xf32, #tpu.memory_space<vmem>>) offsets(%dma_start3A_110 : memref<128xi32, #tpu.memory_space<vmem>>) semaphore(%arg8 : memref<!tpu.dma_semaphore, #tpu.memory_space<semaphore_mem>>)
    %dma_start3A_114 = arith.constant 0 : i32
    %dma_start3A_115 = arith.constant 8 : i32
    %dma_start3A_116 = arith.constant 0 : i32
    %dma_start3A_117 = arith.constant 8 : i32
    %dma_start3A_118 = arith.constant 0 : i32
    %dma_start3A_119 = arith.constant 0 : i32
    %dma_start3A_120 = tpu.memref_slice %arg6[%dma_start3A_116, %dma_start3A_117, %dma_start3A_118, %dma_start3A_119] : memref<2x10x128x32xf32, #tpu.memory_space<vmem>> -> memref<1x1x128x32xf32, #tpu.memory_space<vmem>>
    %dma_start3A_121 = tpu.memref_squeeze %dma_start3A_120 : memref<1x1x128x32xf32, #tpu.memory_space<vmem>> -> memref<128x32xf32, #tpu.memory_space<vmem>>
    %dma_start3A_122 = arith.constant 0 : i32
    %dma_start3A_123 = tpu.memref_slice %arg5[%dma_start3A_114, %dma_start3A_115, %dma_start3A_122] : memref<2x10x128xi32, #tpu.memory_space<vmem>> -> memref<1x1x128xi32, #tpu.memory_space<vmem>>
    %dma_start3A_124 = tpu.memref_squeeze %dma_start3A_123 : memref<1x1x128xi32, #tpu.memory_space<vmem>> -> memref<128xi32, #tpu.memory_space<vmem>>
    %dma_start3A_125 = arith.constant 0 : i32
    %dma_start3A_126 = arith.constant 0 : i32
    %dma_start3A_127 = tpu.memref_slice %arg2[%dma_start3A_125, %dma_start3A_126] : memref<2612480x32xf32, #tpu.memory_space<hbm>> -> memref<2612480x32xf32, #tpu.memory_space<hbm>>
    tpu.enqueue_indirect_dma source(%dma_start3A_127 : memref<2612480x32xf32, #tpu.memory_space<hbm>>) target(%dma_start3A_121 : memref<128x32xf32, #tpu.memory_space<vmem>>) offsets(%dma_start3A_124 : memref<128xi32, #tpu.memory_space<vmem>>) semaphore(%arg8 : memref<!tpu.dma_semaphore, #tpu.memory_space<semaphore_mem>>)
    %dma_start3A_128 = arith.constant 0 : i32
    %dma_start3A_129 = arith.constant 9 : i32
    %dma_start3A_130 = arith.constant 0 : i32
    %dma_start3A_131 = arith.constant 9 : i32
    %dma_start3A_132 = arith.constant 0 : i32
    %dma_start3A_133 = arith.constant 0 : i32
    %dma_start3A_134 = tpu.memref_slice %arg6[%dma_start3A_130, %dma_start3A_131, %dma_start3A_132, %dma_start3A_133] : memref<2x10x128x32xf32, #tpu.memory_space<vmem>> -> memref<1x1x128x32xf32, #tpu.memory_space<vmem>>
    %dma_start3A_135 = tpu.memref_squeeze %dma_start3A_134 : memref<1x1x128x32xf32, #tpu.memory_space<vmem>> -> memref<128x32xf32, #tpu.memory_space<vmem>>
    %dma_start3A_136 = arith.constant 0 : i32
    %dma_start3A_137 = tpu.memref_slice %arg5[%dma_start3A_128, %dma_start3A_129, %dma_start3A_136] : memref<2x10x128xi32, #tpu.memory_space<vmem>> -> memref<1x1x128xi32, #tpu.memory_space<vmem>>
    %dma_start3A_138 = tpu.memref_squeeze %dma_start3A_137 : memref<1x1x128xi32, #tpu.memory_space<vmem>> -> memref<128xi32, #tpu.memory_space<vmem>>
    %dma_start3A_139 = arith.constant 0 : i32
    %dma_start3A_140 = arith.constant 0 : i32
    %dma_start3A_141 = tpu.memref_slice %arg2[%dma_start3A_139, %dma_start3A_140] : memref<2612480x32xf32, #tpu.memory_space<hbm>> -> memref<2612480x32xf32, #tpu.memory_space<hbm>>
    tpu.enqueue_indirect_dma source(%dma_start3A_141 : memref<2612480x32xf32, #tpu.memory_space<hbm>>) target(%dma_start3A_135 : memref<128x32xf32, #tpu.memory_space<vmem>>) offsets(%dma_start3A_138 : memref<128xi32, #tpu.memory_space<vmem>>) semaphore(%arg8 : memref<!tpu.dma_semaphore, #tpu.memory_space<semaphore_mem>>)
    %add3A_142 = arith.constant 1 : i32
    %add3A_143 = arith.addi %mul3A_2, %add3A_142 : i32
    %run_scoped3A_144 = arith.constant 1 : i32
    "tpu.region"() ({
      %run_scoped3A_290 = tpu.sem_alloc : memref<!tpu.dma_semaphore, #tpu.memory_space<semaphore_mem>>
      %dma_start3A_291 = arith.constant 0 : i32
      %dma_start3A_292 = arith.constant 0 : i32
      %dma_start3A_293 = tpu.memref_slice %arg5[%run_scoped3A_144, %dma_start3A_291, %dma_start3A_292] : memref<2x10x128xi32, #tpu.memory_space<vmem>> -> memref<1x10x128xi32, #tpu.memory_space<vmem>>
      %dma_start3A_294 = tpu.memref_squeeze %dma_start3A_293 : memref<1x10x128xi32, #tpu.memory_space<vmem>> -> memref<10x128xi32, #tpu.memory_space<vmem>>
      %dma_start3A_295 = arith.constant 0 : i32
      %dma_start3A_296 = arith.constant 0 : i32
      %dma_start3A_297 = tpu.memref_slice %arg3[%add3A_143, %dma_start3A_295, %dma_start3A_296] : memref<1664x10x128xi32, #tpu.memory_space<hbm>> -> memref<1x10x128xi32, #tpu.memory_space<hbm>>
      %dma_start3A_298 = tpu.memref_squeeze %dma_start3A_297 : memref<1x10x128xi32, #tpu.memory_space<hbm>> -> memref<10x128xi32, #tpu.memory_space<hbm>>
      %dma_start3A_299 = arith.constant 0 : i32
      %dma_start3A_300 = arith.constant 0 : i32
      %dma_start3A_301 = tpu.memref_slice %arg5[%run_scoped3A_144, %dma_start3A_299, %dma_start3A_300] : memref<2x10x128xi32, #tpu.memory_space<vmem>> -> memref<1x10x128xi32, #tpu.memory_space<vmem>>
      %dma_start3A_302 = tpu.memref_squeeze %dma_start3A_301 : memref<1x10x128xi32, #tpu.memory_space<vmem>> -> memref<10x128xi32, #tpu.memory_space<vmem>>
      %dma_start3A_303 = arith.constant 0 : i32
      %dma_start3A_304 = arith.constant 0 : i32
      %dma_start3A_305 = tpu.memref_slice %arg3[%add3A_143, %dma_start3A_303, %dma_start3A_304] : memref<1664x10x128xi32, #tpu.memory_space<hbm>> -> memref<1x10x128xi32, #tpu.memory_space<hbm>>
      %dma_start3A_306 = tpu.memref_squeeze %dma_start3A_305 : memref<1x10x128xi32, #tpu.memory_space<hbm>> -> memref<10x128xi32, #tpu.memory_space<hbm>>
      tpu.enqueue_dma source(%dma_start3A_306 : memref<10x128xi32, #tpu.memory_space<hbm>>) target(%dma_start3A_302 : memref<10x128xi32, #tpu.memory_space<vmem>>) target_semaphore(%run_scoped3A_290 : memref<!tpu.dma_semaphore, #tpu.memory_space<semaphore_mem>>)
      %dma_wait3A = arith.constant 0 : i32
      %dma_wait3A_307 = arith.constant 0 : i32
      %dma_wait3A_308 = tpu.memref_slice %arg5[%run_scoped3A_144, %dma_wait3A, %dma_wait3A_307] : memref<2x10x128xi32, #tpu.memory_space<vmem>> -> memref<1x10x128xi32, #tpu.memory_space<vmem>>
      %dma_wait3A_309 = tpu.memref_squeeze %dma_wait3A_308 : memref<1x10x128xi32, #tpu.memory_space<vmem>> -> memref<10x128xi32, #tpu.memory_space<vmem>>
      %dma_wait3A_310 = arith.constant 0 : i32
      %dma_wait3A_311 = arith.constant 0 : i32
      %dma_wait3A_312 = tpu.memref_slice %arg3[%add3A_143, %dma_wait3A_310, %dma_wait3A_311] : memref<1664x10x128xi32, #tpu.memory_space<hbm>> -> memref<1x10x128xi32, #tpu.memory_space<hbm>>
      %dma_wait3A_313 = tpu.memref_squeeze %dma_wait3A_312 : memref<1x10x128xi32, #tpu.memory_space<hbm>> -> memref<10x128xi32, #tpu.memory_space<hbm>>
      %dma_wait3A_314 = arith.constant 0 : i32
      %dma_wait3A_315 = arith.constant 0 : i32
      %dma_wait3A_316 = tpu.memref_slice %arg5[%run_scoped3A_144, %dma_wait3A_314, %dma_wait3A_315] : memref<2x10x128xi32, #tpu.memory_space<vmem>> -> memref<1x10x128xi32, #tpu.memory_space<vmem>>
      %dma_wait3A_317 = tpu.memref_squeeze %dma_wait3A_316 : memref<1x10x128xi32, #tpu.memory_space<vmem>> -> memref<10x128xi32, #tpu.memory_space<vmem>>
      %dma_wait3A_318 = arith.constant 0 : i32
      %dma_wait3A_319 = arith.constant 0 : i32
      %dma_wait3A_320 = tpu.memref_slice %arg3[%add3A_143, %dma_wait3A_318, %dma_wait3A_319] : memref<1664x10x128xi32, #tpu.memory_space<hbm>> -> memref<1x10x128xi32, #tpu.memory_space<hbm>>
      %dma_wait3A_321 = tpu.memref_squeeze %dma_wait3A_320 : memref<1x10x128xi32, #tpu.memory_space<hbm>> -> memref<10x128xi32, #tpu.memory_space<hbm>>
      tpu.wait_dma2 semaphore(%run_scoped3A_290 : memref<!tpu.dma_semaphore, #tpu.memory_space<semaphore_mem>>) src(%dma_wait3A_321 : memref<10x128xi32, #tpu.memory_space<hbm>>) dst(%dma_wait3A_317 : memref<10x128xi32, #tpu.memory_space<vmem>>)
      tpu.yield
    }) : () -> ()
    %dma_start3A_145 = arith.constant 1 : i32
    %dma_start3A_146 = arith.constant 0 : i32
    %dma_start3A_147 = arith.constant 1 : i32
    %dma_start3A_148 = arith.constant 0 : i32
    %dma_start3A_149 = arith.constant 0 : i32
    %dma_start3A_150 = arith.constant 0 : i32
    %dma_start3A_151 = tpu.memref_slice %arg6[%dma_start3A_147, %dma_start3A_148, %dma_start3A_149, %dma_start3A_150] : memref<2x10x128x32xf32, #tpu.memory_space<vmem>> -> memref<1x1x128x32xf32, #tpu.memory_space<vmem>>
    %dma_start3A_152 = tpu.memref_squeeze %dma_start3A_151 : memref<1x1x128x32xf32, #tpu.memory_space<vmem>> -> memref<128x32xf32, #tpu.memory_space<vmem>>
    %dma_start3A_153 = arith.constant 0 : i32
    %dma_start3A_154 = tpu.memref_slice %arg5[%dma_start3A_145, %dma_start3A_146, %dma_start3A_153] : memref<2x10x128xi32, #tpu.memory_space<vmem>> -> memref<1x1x128xi32, #tpu.memory_space<vmem>>
    %dma_start3A_155 = tpu.memref_squeeze %dma_start3A_154 : memref<1x1x128xi32, #tpu.memory_space<vmem>> -> memref<128xi32, #tpu.memory_space<vmem>>
    %dma_start3A_156 = arith.constant 0 : i32
    %dma_start3A_157 = arith.constant 0 : i32
    %dma_start3A_158 = tpu.memref_slice %arg2[%dma_start3A_156, %dma_start3A_157] : memref<2612480x32xf32, #tpu.memory_space<hbm>> -> memref<2612480x32xf32, #tpu.memory_space<hbm>>
    tpu.enqueue_indirect_dma source(%dma_start3A_158 : memref<2612480x32xf32, #tpu.memory_space<hbm>>) target(%dma_start3A_152 : memref<128x32xf32, #tpu.memory_space<vmem>>) offsets(%dma_start3A_155 : memref<128xi32, #tpu.memory_space<vmem>>) semaphore(%arg9 : memref<!tpu.dma_semaphore, #tpu.memory_space<semaphore_mem>>)
    %dma_start3A_159 = arith.constant 1 : i32
    %dma_start3A_160 = arith.constant 1 : i32
    %dma_start3A_161 = arith.constant 1 : i32
    %dma_start3A_162 = arith.constant 1 : i32
    %dma_start3A_163 = arith.constant 0 : i32
    %dma_start3A_164 = arith.constant 0 : i32
    %dma_start3A_165 = tpu.memref_slice %arg6[%dma_start3A_161, %dma_start3A_162, %dma_start3A_163, %dma_start3A_164] : memref<2x10x128x32xf32, #tpu.memory_space<vmem>> -> memref<1x1x128x32xf32, #tpu.memory_space<vmem>>
    %dma_start3A_166 = tpu.memref_squeeze %dma_start3A_165 : memref<1x1x128x32xf32, #tpu.memory_space<vmem>> -> memref<128x32xf32, #tpu.memory_space<vmem>>
    %dma_start3A_167 = arith.constant 0 : i32
    %dma_start3A_168 = tpu.memref_slice %arg5[%dma_start3A_159, %dma_start3A_160, %dma_start3A_167] : memref<2x10x128xi32, #tpu.memory_space<vmem>> -> memref<1x1x128xi32, #tpu.memory_space<vmem>>
    %dma_start3A_169 = tpu.memref_squeeze %dma_start3A_168 : memref<1x1x128xi32, #tpu.memory_space<vmem>> -> memref<128xi32, #tpu.memory_space<vmem>>
    %dma_start3A_170 = arith.constant 0 : i32
    %dma_start3A_171 = arith.constant 0 : i32
    %dma_start3A_172 = tpu.memref_slice %arg2[%dma_start3A_170, %dma_start3A_171] : memref<2612480x32xf32, #tpu.memory_space<hbm>> -> memref<2612480x32xf32, #tpu.memory_space<hbm>>
    tpu.enqueue_indirect_dma source(%dma_start3A_172 : memref<2612480x32xf32, #tpu.memory_space<hbm>>) target(%dma_start3A_166 : memref<128x32xf32, #tpu.memory_space<vmem>>) offsets(%dma_start3A_169 : memref<128xi32, #tpu.memory_space<vmem>>) semaphore(%arg9 : memref<!tpu.dma_semaphore, #tpu.memory_space<semaphore_mem>>)
    %dma_start3A_173 = arith.constant 1 : i32
    %dma_start3A_174 = arith.constant 2 : i32
    %dma_start3A_175 = arith.constant 1 : i32
    %dma_start3A_176 = arith.constant 2 : i32
    %dma_start3A_177 = arith.constant 0 : i32
    %dma_start3A_178 = arith.constant 0 : i32
    %dma_start3A_179 = tpu.memref_slice %arg6[%dma_start3A_175, %dma_start3A_176, %dma_start3A_177, %dma_start3A_178] : memref<2x10x128x32xf32, #tpu.memory_space<vmem>> -> memref<1x1x128x32xf32, #tpu.memory_space<vmem>>
    %dma_start3A_180 = tpu.memref_squeeze %dma_start3A_179 : memref<1x1x128x32xf32, #tpu.memory_space<vmem>> -> memref<128x32xf32, #tpu.memory_space<vmem>>
    %dma_start3A_181 = arith.constant 0 : i32
    %dma_start3A_182 = tpu.memref_slice %arg5[%dma_start3A_173, %dma_start3A_174, %dma_start3A_181] : memref<2x10x128xi32, #tpu.memory_space<vmem>> -> memref<1x1x128xi32, #tpu.memory_space<vmem>>
    %dma_start3A_183 = tpu.memref_squeeze %dma_start3A_182 : memref<1x1x128xi32, #tpu.memory_space<vmem>> -> memref<128xi32, #tpu.memory_space<vmem>>
    %dma_start3A_184 = arith.constant 0 : i32
    %dma_start3A_185 = arith.constant 0 : i32
    %dma_start3A_186 = tpu.memref_slice %arg2[%dma_start3A_184, %dma_start3A_185] : memref<2612480x32xf32, #tpu.memory_space<hbm>> -> memref<2612480x32xf32, #tpu.memory_space<hbm>>
    tpu.enqueue_indirect_dma source(%dma_start3A_186 : memref<2612480x32xf32, #tpu.memory_space<hbm>>) target(%dma_start3A_180 : memref<128x32xf32, #tpu.memory_space<vmem>>) offsets(%dma_start3A_183 : memref<128xi32, #tpu.memory_space<vmem>>) semaphore(%arg9 : memref<!tpu.dma_semaphore, #tpu.memory_space<semaphore_mem>>)
    %dma_start3A_187 = arith.constant 1 : i32
    %dma_start3A_188 = arith.constant 3 : i32
    %dma_start3A_189 = arith.constant 1 : i32
    %dma_start3A_190 = arith.constant 3 : i32
    %dma_start3A_191 = arith.constant 0 : i32
    %dma_start3A_192 = arith.constant 0 : i32
    %dma_start3A_193 = tpu.memref_slice %arg6[%dma_start3A_189, %dma_start3A_190, %dma_start3A_191, %dma_start3A_192] : memref<2x10x128x32xf32, #tpu.memory_space<vmem>> -> memref<1x1x128x32xf32, #tpu.memory_space<vmem>>
    %dma_start3A_194 = tpu.memref_squeeze %dma_start3A_193 : memref<1x1x128x32xf32, #tpu.memory_space<vmem>> -> memref<128x32xf32, #tpu.memory_space<vmem>>
    %dma_start3A_195 = arith.constant 0 : i32
    %dma_start3A_196 = tpu.memref_slice %arg5[%dma_start3A_187, %dma_start3A_188, %dma_start3A_195] : memref<2x10x128xi32, #tpu.memory_space<vmem>> -> memref<1x1x128xi32, #tpu.memory_space<vmem>>
    %dma_start3A_197 = tpu.memref_squeeze %dma_start3A_196 : memref<1x1x128xi32, #tpu.memory_space<vmem>> -> memref<128xi32, #tpu.memory_space<vmem>>
    %dma_start3A_198 = arith.constant 0 : i32
    %dma_start3A_199 = arith.constant 0 : i32
    %dma_start3A_200 = tpu.memref_slice %arg2[%dma_start3A_198, %dma_start3A_199] : memref<2612480x32xf32, #tpu.memory_space<hbm>> -> memref<2612480x32xf32, #tpu.memory_space<hbm>>
    tpu.enqueue_indirect_dma source(%dma_start3A_200 : memref<2612480x32xf32, #tpu.memory_space<hbm>>) target(%dma_start3A_194 : memref<128x32xf32, #tpu.memory_space<vmem>>) offsets(%dma_start3A_197 : memref<128xi32, #tpu.memory_space<vmem>>) semaphore(%arg9 : memref<!tpu.dma_semaphore, #tpu.memory_space<semaphore_mem>>)
    %dma_start3A_201 = arith.constant 1 : i32
    %dma_start3A_202 = arith.constant 4 : i32
    %dma_start3A_203 = arith.constant 1 : i32
    %dma_start3A_204 = arith.constant 4 : i32
    %dma_start3A_205 = arith.constant 0 : i32
    %dma_start3A_206 = arith.constant 0 : i32
    %dma_start3A_207 = tpu.memref_slice %arg6[%dma_start3A_203, %dma_start3A_204, %dma_start3A_205, %dma_start3A_206] : memref<2x10x128x32xf32, #tpu.memory_space<vmem>> -> memref<1x1x128x32xf32, #tpu.memory_space<vmem>>
    %dma_start3A_208 = tpu.memref_squeeze %dma_start3A_207 : memref<1x1x128x32xf32, #tpu.memory_space<vmem>> -> memref<128x32xf32, #tpu.memory_space<vmem>>
    %dma_start3A_209 = arith.constant 0 : i32
    %dma_start3A_210 = tpu.memref_slice %arg5[%dma_start3A_201, %dma_start3A_202, %dma_start3A_209] : memref<2x10x128xi32, #tpu.memory_space<vmem>> -> memref<1x1x128xi32, #tpu.memory_space<vmem>>
    %dma_start3A_211 = tpu.memref_squeeze %dma_start3A_210 : memref<1x1x128xi32, #tpu.memory_space<vmem>> -> memref<128xi32, #tpu.memory_space<vmem>>
    %dma_start3A_212 = arith.constant 0 : i32
    %dma_start3A_213 = arith.constant 0 : i32
    %dma_start3A_214 = tpu.memref_slice %arg2[%dma_start3A_212, %dma_start3A_213] : memref<2612480x32xf32, #tpu.memory_space<hbm>> -> memref<2612480x32xf32, #tpu.memory_space<hbm>>
    tpu.enqueue_indirect_dma source(%dma_start3A_214 : memref<2612480x32xf32, #tpu.memory_space<hbm>>) target(%dma_start3A_208 : memref<128x32xf32, #tpu.memory_space<vmem>>) offsets(%dma_start3A_211 : memref<128xi32, #tpu.memory_space<vmem>>) semaphore(%arg9 : memref<!tpu.dma_semaphore, #tpu.memory_space<semaphore_mem>>)
    %dma_start3A_215 = arith.constant 1 : i32
    %dma_start3A_216 = arith.constant 5 : i32
    %dma_start3A_217 = arith.constant 1 : i32
    %dma_start3A_218 = arith.constant 5 : i32
    %dma_start3A_219 = arith.constant 0 : i32
    %dma_start3A_220 = arith.constant 0 : i32
    %dma_start3A_221 = tpu.memref_slice %arg6[%dma_start3A_217, %dma_start3A_218, %dma_start3A_219, %dma_start3A_220] : memref<2x10x128x32xf32, #tpu.memory_space<vmem>> -> memref<1x1x128x32xf32, #tpu.memory_space<vmem>>
    %dma_start3A_222 = tpu.memref_squeeze %dma_start3A_221 : memref<1x1x128x32xf32, #tpu.memory_space<vmem>> -> memref<128x32xf32, #tpu.memory_space<vmem>>
    %dma_start3A_223 = arith.constant 0 : i32
    %dma_start3A_224 = tpu.memref_slice %arg5[%dma_start3A_215, %dma_start3A_216, %dma_start3A_223] : memref<2x10x128xi32, #tpu.memory_space<vmem>> -> memref<1x1x128xi32, #tpu.memory_space<vmem>>
    %dma_start3A_225 = tpu.memref_squeeze %dma_start3A_224 : memref<1x1x128xi32, #tpu.memory_space<vmem>> -> memref<128xi32, #tpu.memory_space<vmem>>
    %dma_start3A_226 = arith.constant 0 : i32
    %dma_start3A_227 = arith.constant 0 : i32
    %dma_start3A_228 = tpu.memref_slice %arg2[%dma_start3A_226, %dma_start3A_227] : memref<2612480x32xf32, #tpu.memory_space<hbm>> -> memref<2612480x32xf32, #tpu.memory_space<hbm>>
    tpu.enqueue_indirect_dma source(%dma_start3A_228 : memref<2612480x32xf32, #tpu.memory_space<hbm>>) target(%dma_start3A_222 : memref<128x32xf32, #tpu.memory_space<vmem>>) offsets(%dma_start3A_225 : memref<128xi32, #tpu.memory_space<vmem>>) semaphore(%arg9 : memref<!tpu.dma_semaphore, #tpu.memory_space<semaphore_mem>>)
    %dma_start3A_229 = arith.constant 1 : i32
    %dma_start3A_230 = arith.constant 6 : i32
    %dma_start3A_231 = arith.constant 1 : i32
    %dma_start3A_232 = arith.constant 6 : i32
    %dma_start3A_233 = arith.constant 0 : i32
    %dma_start3A_234 = arith.constant 0 : i32
    %dma_start3A_235 = tpu.memref_slice %arg6[%dma_start3A_231, %dma_start3A_232, %dma_start3A_233, %dma_start3A_234] : memref<2x10x128x32xf32, #tpu.memory_space<vmem>> -> memref<1x1x128x32xf32, #tpu.memory_space<vmem>>
    %dma_start3A_236 = tpu.memref_squeeze %dma_start3A_235 : memref<1x1x128x32xf32, #tpu.memory_space<vmem>> -> memref<128x32xf32, #tpu.memory_space<vmem>>
    %dma_start3A_237 = arith.constant 0 : i32
    %dma_start3A_238 = tpu.memref_slice %arg5[%dma_start3A_229, %dma_start3A_230, %dma_start3A_237] : memref<2x10x128xi32, #tpu.memory_space<vmem>> -> memref<1x1x128xi32, #tpu.memory_space<vmem>>
    %dma_start3A_239 = tpu.memref_squeeze %dma_start3A_238 : memref<1x1x128xi32, #tpu.memory_space<vmem>> -> memref<128xi32, #tpu.memory_space<vmem>>
    %dma_start3A_240 = arith.constant 0 : i32
    %dma_start3A_241 = arith.constant 0 : i32
    %dma_start3A_242 = tpu.memref_slice %arg2[%dma_start3A_240, %dma_start3A_241] : memref<2612480x32xf32, #tpu.memory_space<hbm>> -> memref<2612480x32xf32, #tpu.memory_space<hbm>>
    tpu.enqueue_indirect_dma source(%dma_start3A_242 : memref<2612480x32xf32, #tpu.memory_space<hbm>>) target(%dma_start3A_236 : memref<128x32xf32, #tpu.memory_space<vmem>>) offsets(%dma_start3A_239 : memref<128xi32, #tpu.memory_space<vmem>>) semaphore(%arg9 : memref<!tpu.dma_semaphore, #tpu.memory_space<semaphore_mem>>)
    %dma_start3A_243 = arith.constant 1 : i32
    %dma_start3A_244 = arith.constant 7 : i32
    %dma_start3A_245 = arith.constant 1 : i32
    %dma_start3A_246 = arith.constant 7 : i32
    %dma_start3A_247 = arith.constant 0 : i32
    %dma_start3A_248 = arith.constant 0 : i32
    %dma_start3A_249 = tpu.memref_slice %arg6[%dma_start3A_245, %dma_start3A_246, %dma_start3A_247, %dma_start3A_248] : memref<2x10x128x32xf32, #tpu.memory_space<vmem>> -> memref<1x1x128x32xf32, #tpu.memory_space<vmem>>
    %dma_start3A_250 = tpu.memref_squeeze %dma_start3A_249 : memref<1x1x128x32xf32, #tpu.memory_space<vmem>> -> memref<128x32xf32, #tpu.memory_space<vmem>>
    %dma_start3A_251 = arith.constant 0 : i32
    %dma_start3A_252 = tpu.memref_slice %arg5[%dma_start3A_243, %dma_start3A_244, %dma_start3A_251] : memref<2x10x128xi32, #tpu.memory_space<vmem>> -> memref<1x1x128xi32, #tpu.memory_space<vmem>>
    %dma_start3A_253 = tpu.memref_squeeze %dma_start3A_252 : memref<1x1x128xi32, #tpu.memory_space<vmem>> -> memref<128xi32, #tpu.memory_space<vmem>>
    %dma_start3A_254 = arith.constant 0 : i32
    %dma_start3A_255 = arith.constant 0 : i32
    %dma_start3A_256 = tpu.memref_slice %arg2[%dma_start3A_254, %dma_start3A_255] : memref<2612480x32xf32, #tpu.memory_space<hbm>> -> memref<2612480x32xf32, #tpu.memory_space<hbm>>
    tpu.enqueue_indirect_dma source(%dma_start3A_256 : memref<2612480x32xf32, #tpu.memory_space<hbm>>) target(%dma_start3A_250 : memref<128x32xf32, #tpu.memory_space<vmem>>) offsets(%dma_start3A_253 : memref<128xi32, #tpu.memory_space<vmem>>) semaphore(%arg9 : memref<!tpu.dma_semaphore, #tpu.memory_space<semaphore_mem>>)
    %dma_start3A_257 = arith.constant 1 : i32
    %dma_start3A_258 = arith.constant 8 : i32
    %dma_start3A_259 = arith.constant 1 : i32
    %dma_start3A_260 = arith.constant 8 : i32
    %dma_start3A_261 = arith.constant 0 : i32
    %dma_start3A_262 = arith.constant 0 : i32
    %dma_start3A_263 = tpu.memref_slice %arg6[%dma_start3A_259, %dma_start3A_260, %dma_start3A_261, %dma_start3A_262] : memref<2x10x128x32xf32, #tpu.memory_space<vmem>> -> memref<1x1x128x32xf32, #tpu.memory_space<vmem>>
    %dma_start3A_264 = tpu.memref_squeeze %dma_start3A_263 : memref<1x1x128x32xf32, #tpu.memory_space<vmem>> -> memref<128x32xf32, #tpu.memory_space<vmem>>
    %dma_start3A_265 = arith.constant 0 : i32
    %dma_start3A_266 = tpu.memref_slice %arg5[%dma_start3A_257, %dma_start3A_258, %dma_start3A_265] : memref<2x10x128xi32, #tpu.memory_space<vmem>> -> memref<1x1x128xi32, #tpu.memory_space<vmem>>
    %dma_start3A_267 = tpu.memref_squeeze %dma_start3A_266 : memref<1x1x128xi32, #tpu.memory_space<vmem>> -> memref<128xi32, #tpu.memory_space<vmem>>
    %dma_start3A_268 = arith.constant 0 : i32
    %dma_start3A_269 = arith.constant 0 : i32
    %dma_start3A_270 = tpu.memref_slice %arg2[%dma_start3A_268, %dma_start3A_269] : memref<2612480x32xf32, #tpu.memory_space<hbm>> -> memref<2612480x32xf32, #tpu.memory_space<hbm>>
    tpu.enqueue_indirect_dma source(%dma_start3A_270 : memref<2612480x32xf32, #tpu.memory_space<hbm>>) target(%dma_start3A_264 : memref<128x32xf32, #tpu.memory_space<vmem>>) offsets(%dma_start3A_267 : memref<128xi32, #tpu.memory_space<vmem>>) semaphore(%arg9 : memref<!tpu.dma_semaphore, #tpu.memory_space<semaphore_mem>>)
    %dma_start3A_271 = arith.constant 1 : i32
    %dma_start3A_272 = arith.constant 9 : i32
    %dma_start3A_273 = arith.constant 1 : i32
    %dma_start3A_274 = arith.constant 9 : i32
    %dma_start3A_275 = arith.constant 0 : i32
    %dma_start3A_276 = arith.constant 0 : i32
    %dma_start3A_277 = tpu.memref_slice %arg6[%dma_start3A_273, %dma_start3A_274, %dma_start3A_275, %dma_start3A_276] : memref<2x10x128x32xf32, #tpu.memory_space<vmem>> -> memref<1x1x128x32xf32, #tpu.memory_space<vmem>>
    %dma_start3A_278 = tpu.memref_squeeze %dma_start3A_277 : memref<1x1x128x32xf32, #tpu.memory_space<vmem>> -> memref<128x32xf32, #tpu.memory_space<vmem>>
    %dma_start3A_279 = arith.constant 0 : i32
    %dma_start3A_280 = tpu.memref_slice %arg5[%dma_start3A_271, %dma_start3A_272, %dma_start3A_279] : memref<2x10x128xi32, #tpu.memory_space<vmem>> -> memref<1x1x128xi32, #tpu.memory_space<vmem>>
    %dma_start3A_281 = tpu.memref_squeeze %dma_start3A_280 : memref<1x1x128xi32, #tpu.memory_space<vmem>> -> memref<128xi32, #tpu.memory_space<vmem>>
    %dma_start3A_282 = arith.constant 0 : i32
    %dma_start3A_283 = arith.constant 0 : i32
    %dma_start3A_284 = tpu.memref_slice %arg2[%dma_start3A_282, %dma_start3A_283] : memref<2612480x32xf32, #tpu.memory_space<hbm>> -> memref<2612480x32xf32, #tpu.memory_space<hbm>>
    tpu.enqueue_indirect_dma source(%dma_start3A_284 : memref<2612480x32xf32, #tpu.memory_space<hbm>>) target(%dma_start3A_278 : memref<128x32xf32, #tpu.memory_space<vmem>>) offsets(%dma_start3A_281 : memref<128xi32, #tpu.memory_space<vmem>>) semaphore(%arg9 : memref<!tpu.dma_semaphore, #tpu.memory_space<semaphore_mem>>)
    %scan3A = arith.constant 0 : i32
    %scan3A_285 = arith.constant 0 : i32
    %scan3A_286 = arith.constant 26 : i32
    %scan3A_287 = arith.addi %scan3A_285, %scan3A_286 : i32
    %scan3A_288 = arith.constant 1 : i32
    scf.for %scan3A_290 = %scan3A_285 to %scan3A_287 step %scan3A_288  : i32 {
      %mul3A_291 = arith.constant 2 : i32
      %mul3A_292 = arith.muli %scan3A_290, %mul3A_291 : i32
      %add3A_293 = arith.constant 0 : i32
      %add3A_294 = arith.addi %mul3A_292, %add3A_293 : i32
      %dma_wait3A = arith.constant 0 : i32
      %dma_wait3A_295 = arith.constant 0 : i32
      %dma_wait3A_296 = arith.constant 0 : i32
      %dma_wait3A_297 = arith.constant 0 : i32
      %dma_wait3A_298 = arith.constant 0 : i32
      %dma_wait3A_299 = arith.constant 0 : i32
      %dma_wait3A_300 = tpu.memref_slice %arg6[%dma_wait3A_296, %dma_wait3A_297, %dma_wait3A_298, %dma_wait3A_299] : memref<2x10x128x32xf32, #tpu.memory_space<vmem>> -> memref<1x1x128x32xf32, #tpu.memory_space<vmem>>
      %dma_wait3A_301 = tpu.memref_squeeze %dma_wait3A_300 : memref<1x1x128x32xf32, #tpu.memory_space<vmem>> -> memref<128x32xf32, #tpu.memory_space<vmem>>
      %dma_wait3A_302 = arith.constant 0 : i32
      %dma_wait3A_303 = tpu.memref_slice %arg5[%dma_wait3A, %dma_wait3A_295, %dma_wait3A_302] : memref<2x10x128xi32, #tpu.memory_space<vmem>> -> memref<1x1x128xi32, #tpu.memory_space<vmem>>
      %dma_wait3A_304 = tpu.memref_squeeze %dma_wait3A_303 : memref<1x1x128xi32, #tpu.memory_space<vmem>> -> memref<128xi32, #tpu.memory_space<vmem>>
      %dma_wait3A_305 = arith.constant 0 : i32
      %dma_wait3A_306 = arith.constant 0 : i32
      %dma_wait3A_307 = tpu.memref_slice %arg2[%dma_wait3A_305, %dma_wait3A_306] : memref<2612480x32xf32, #tpu.memory_space<hbm>> -> memref<2612480x32xf32, #tpu.memory_space<hbm>>
      tpu.wait_indirect_dma semaphore(%arg8 : memref<!tpu.dma_semaphore, #tpu.memory_space<semaphore_mem>>) src(%dma_wait3A_307 : memref<2612480x32xf32, #tpu.memory_space<hbm>>) dst(%dma_wait3A_301 : memref<128x32xf32, #tpu.memory_space<vmem>>)
      %dma_wait3A_308 = arith.constant 0 : i32
      %dma_wait3A_309 = arith.constant 1 : i32
      %dma_wait3A_310 = arith.constant 0 : i32
      %dma_wait3A_311 = arith.constant 1 : i32
      %dma_wait3A_312 = arith.constant 0 : i32
      %dma_wait3A_313 = arith.constant 0 : i32
      %dma_wait3A_314 = tpu.memref_slice %arg6[%dma_wait3A_310, %dma_wait3A_311, %dma_wait3A_312, %dma_wait3A_313] : memref<2x10x128x32xf32, #tpu.memory_space<vmem>> -> memref<1x1x128x32xf32, #tpu.memory_space<vmem>>
      %dma_wait3A_315 = tpu.memref_squeeze %dma_wait3A_314 : memref<1x1x128x32xf32, #tpu.memory_space<vmem>> -> memref<128x32xf32, #tpu.memory_space<vmem>>
      %dma_wait3A_316 = arith.constant 0 : i32
      %dma_wait3A_317 = tpu.memref_slice %arg5[%dma_wait3A_308, %dma_wait3A_309, %dma_wait3A_316] : memref<2x10x128xi32, #tpu.memory_space<vmem>> -> memref<1x1x128xi32, #tpu.memory_space<vmem>>
      %dma_wait3A_318 = tpu.memref_squeeze %dma_wait3A_317 : memref<1x1x128xi32, #tpu.memory_space<vmem>> -> memref<128xi32, #tpu.memory_space<vmem>>
      %dma_wait3A_319 = arith.constant 0 : i32
      %dma_wait3A_320 = arith.constant 0 : i32
      %dma_wait3A_321 = tpu.memref_slice %arg2[%dma_wait3A_319, %dma_wait3A_320] : memref<2612480x32xf32, #tpu.memory_space<hbm>> -> memref<2612480x32xf32, #tpu.memory_space<hbm>>
      tpu.wait_indirect_dma semaphore(%arg8 : memref<!tpu.dma_semaphore, #tpu.memory_space<semaphore_mem>>) src(%dma_wait3A_321 : memref<2612480x32xf32, #tpu.memory_space<hbm>>) dst(%dma_wait3A_315 : memref<128x32xf32, #tpu.memory_space<vmem>>)
      %dma_wait3A_322 = arith.constant 0 : i32
      %dma_wait3A_323 = arith.constant 2 : i32
      %dma_wait3A_324 = arith.constant 0 : i32
      %dma_wait3A_325 = arith.constant 2 : i32
      %dma_wait3A_326 = arith.constant 0 : i32
      %dma_wait3A_327 = arith.constant 0 : i32
      %dma_wait3A_328 = tpu.memref_slice %arg6[%dma_wait3A_324, %dma_wait3A_325, %dma_wait3A_326, %dma_wait3A_327] : memref<2x10x128x32xf32, #tpu.memory_space<vmem>> -> memref<1x1x128x32xf32, #tpu.memory_space<vmem>>
      %dma_wait3A_329 = tpu.memref_squeeze %dma_wait3A_328 : memref<1x1x128x32xf32, #tpu.memory_space<vmem>> -> memref<128x32xf32, #tpu.memory_space<vmem>>
      %dma_wait3A_330 = arith.constant 0 : i32
      %dma_wait3A_331 = tpu.memref_slice %arg5[%dma_wait3A_322, %dma_wait3A_323, %dma_wait3A_330] : memref<2x10x128xi32, #tpu.memory_space<vmem>> -> memref<1x1x128xi32, #tpu.memory_space<vmem>>
      %dma_wait3A_332 = tpu.memref_squeeze %dma_wait3A_331 : memref<1x1x128xi32, #tpu.memory_space<vmem>> -> memref<128xi32, #tpu.memory_space<vmem>>
      %dma_wait3A_333 = arith.constant 0 : i32
      %dma_wait3A_334 = arith.constant 0 : i32
      %dma_wait3A_335 = tpu.memref_slice %arg2[%dma_wait3A_333, %dma_wait3A_334] : memref<2612480x32xf32, #tpu.memory_space<hbm>> -> memref<2612480x32xf32, #tpu.memory_space<hbm>>
      tpu.wait_indirect_dma semaphore(%arg8 : memref<!tpu.dma_semaphore, #tpu.memory_space<semaphore_mem>>) src(%dma_wait3A_335 : memref<2612480x32xf32, #tpu.memory_space<hbm>>) dst(%dma_wait3A_329 : memref<128x32xf32, #tpu.memory_space<vmem>>)
      %dma_wait3A_336 = arith.constant 0 : i32
      %dma_wait3A_337 = arith.constant 3 : i32
      %dma_wait3A_338 = arith.constant 0 : i32
      %dma_wait3A_339 = arith.constant 3 : i32
      %dma_wait3A_340 = arith.constant 0 : i32
      %dma_wait3A_341 = arith.constant 0 : i32
      %dma_wait3A_342 = tpu.memref_slice %arg6[%dma_wait3A_338, %dma_wait3A_339, %dma_wait3A_340, %dma_wait3A_341] : memref<2x10x128x32xf32, #tpu.memory_space<vmem>> -> memref<1x1x128x32xf32, #tpu.memory_space<vmem>>
      %dma_wait3A_343 = tpu.memref_squeeze %dma_wait3A_342 : memref<1x1x128x32xf32, #tpu.memory_space<vmem>> -> memref<128x32xf32, #tpu.memory_space<vmem>>
      %dma_wait3A_344 = arith.constant 0 : i32
      %dma_wait3A_345 = tpu.memref_slice %arg5[%dma_wait3A_336, %dma_wait3A_337, %dma_wait3A_344] : memref<2x10x128xi32, #tpu.memory_space<vmem>> -> memref<1x1x128xi32, #tpu.memory_space<vmem>>
      %dma_wait3A_346 = tpu.memref_squeeze %dma_wait3A_345 : memref<1x1x128xi32, #tpu.memory_space<vmem>> -> memref<128xi32, #tpu.memory_space<vmem>>
      %dma_wait3A_347 = arith.constant 0 : i32
      %dma_wait3A_348 = arith.constant 0 : i32
      %dma_wait3A_349 = tpu.memref_slice %arg2[%dma_wait3A_347, %dma_wait3A_348] : memref<2612480x32xf32, #tpu.memory_space<hbm>> -> memref<2612480x32xf32, #tpu.memory_space<hbm>>
      tpu.wait_indirect_dma semaphore(%arg8 : memref<!tpu.dma_semaphore, #tpu.memory_space<semaphore_mem>>) src(%dma_wait3A_349 : memref<2612480x32xf32, #tpu.memory_space<hbm>>) dst(%dma_wait3A_343 : memref<128x32xf32, #tpu.memory_space<vmem>>)
      %dma_wait3A_350 = arith.constant 0 : i32
      %dma_wait3A_351 = arith.constant 4 : i32
      %dma_wait3A_352 = arith.constant 0 : i32
      %dma_wait3A_353 = arith.constant 4 : i32
      %dma_wait3A_354 = arith.constant 0 : i32
      %dma_wait3A_355 = arith.constant 0 : i32
      %dma_wait3A_356 = tpu.memref_slice %arg6[%dma_wait3A_352, %dma_wait3A_353, %dma_wait3A_354, %dma_wait3A_355] : memref<2x10x128x32xf32, #tpu.memory_space<vmem>> -> memref<1x1x128x32xf32, #tpu.memory_space<vmem>>
      %dma_wait3A_357 = tpu.memref_squeeze %dma_wait3A_356 : memref<1x1x128x32xf32, #tpu.memory_space<vmem>> -> memref<128x32xf32, #tpu.memory_space<vmem>>
      %dma_wait3A_358 = arith.constant 0 : i32
      %dma_wait3A_359 = tpu.memref_slice %arg5[%dma_wait3A_350, %dma_wait3A_351, %dma_wait3A_358] : memref<2x10x128xi32, #tpu.memory_space<vmem>> -> memref<1x1x128xi32, #tpu.memory_space<vmem>>
      %dma_wait3A_360 = tpu.memref_squeeze %dma_wait3A_359 : memref<1x1x128xi32, #tpu.memory_space<vmem>> -> memref<128xi32, #tpu.memory_space<vmem>>
      %dma_wait3A_361 = arith.constant 0 : i32
      %dma_wait3A_362 = arith.constant 0 : i32
      %dma_wait3A_363 = tpu.memref_slice %arg2[%dma_wait3A_361, %dma_wait3A_362] : memref<2612480x32xf32, #tpu.memory_space<hbm>> -> memref<2612480x32xf32, #tpu.memory_space<hbm>>
      tpu.wait_indirect_dma semaphore(%arg8 : memref<!tpu.dma_semaphore, #tpu.memory_space<semaphore_mem>>) src(%dma_wait3A_363 : memref<2612480x32xf32, #tpu.memory_space<hbm>>) dst(%dma_wait3A_357 : memref<128x32xf32, #tpu.memory_space<vmem>>)
      %dma_wait3A_364 = arith.constant 0 : i32
      %dma_wait3A_365 = arith.constant 5 : i32
      %dma_wait3A_366 = arith.constant 0 : i32
      %dma_wait3A_367 = arith.constant 5 : i32
      %dma_wait3A_368 = arith.constant 0 : i32
      %dma_wait3A_369 = arith.constant 0 : i32
      %dma_wait3A_370 = tpu.memref_slice %arg6[%dma_wait3A_366, %dma_wait3A_367, %dma_wait3A_368, %dma_wait3A_369] : memref<2x10x128x32xf32, #tpu.memory_space<vmem>> -> memref<1x1x128x32xf32, #tpu.memory_space<vmem>>
      %dma_wait3A_371 = tpu.memref_squeeze %dma_wait3A_370 : memref<1x1x128x32xf32, #tpu.memory_space<vmem>> -> memref<128x32xf32, #tpu.memory_space<vmem>>
      %dma_wait3A_372 = arith.constant 0 : i32
      %dma_wait3A_373 = tpu.memref_slice %arg5[%dma_wait3A_364, %dma_wait3A_365, %dma_wait3A_372] : memref<2x10x128xi32, #tpu.memory_space<vmem>> -> memref<1x1x128xi32, #tpu.memory_space<vmem>>
      %dma_wait3A_374 = tpu.memref_squeeze %dma_wait3A_373 : memref<1x1x128xi32, #tpu.memory_space<vmem>> -> memref<128xi32, #tpu.memory_space<vmem>>
      %dma_wait3A_375 = arith.constant 0 : i32
      %dma_wait3A_376 = arith.constant 0 : i32
      %dma_wait3A_377 = tpu.memref_slice %arg2[%dma_wait3A_375, %dma_wait3A_376] : memref<2612480x32xf32, #tpu.memory_space<hbm>> -> memref<2612480x32xf32, #tpu.memory_space<hbm>>
      tpu.wait_indirect_dma semaphore(%arg8 : memref<!tpu.dma_semaphore, #tpu.memory_space<semaphore_mem>>) src(%dma_wait3A_377 : memref<2612480x32xf32, #tpu.memory_space<hbm>>) dst(%dma_wait3A_371 : memref<128x32xf32, #tpu.memory_space<vmem>>)
      %dma_wait3A_378 = arith.constant 0 : i32
      %dma_wait3A_379 = arith.constant 6 : i32
      %dma_wait3A_380 = arith.constant 0 : i32
      %dma_wait3A_381 = arith.constant 6 : i32
      %dma_wait3A_382 = arith.constant 0 : i32
      %dma_wait3A_383 = arith.constant 0 : i32
      %dma_wait3A_384 = tpu.memref_slice %arg6[%dma_wait3A_380, %dma_wait3A_381, %dma_wait3A_382, %dma_wait3A_383] : memref<2x10x128x32xf32, #tpu.memory_space<vmem>> -> memref<1x1x128x32xf32, #tpu.memory_space<vmem>>
      %dma_wait3A_385 = tpu.memref_squeeze %dma_wait3A_384 : memref<1x1x128x32xf32, #tpu.memory_space<vmem>> -> memref<128x32xf32, #tpu.memory_space<vmem>>
      %dma_wait3A_386 = arith.constant 0 : i32
      %dma_wait3A_387 = tpu.memref_slice %arg5[%dma_wait3A_378, %dma_wait3A_379, %dma_wait3A_386] : memref<2x10x128xi32, #tpu.memory_space<vmem>> -> memref<1x1x128xi32, #tpu.memory_space<vmem>>
      %dma_wait3A_388 = tpu.memref_squeeze %dma_wait3A_387 : memref<1x1x128xi32, #tpu.memory_space<vmem>> -> memref<128xi32, #tpu.memory_space<vmem>>
      %dma_wait3A_389 = arith.constant 0 : i32
      %dma_wait3A_390 = arith.constant 0 : i32
      %dma_wait3A_391 = tpu.memref_slice %arg2[%dma_wait3A_389, %dma_wait3A_390] : memref<2612480x32xf32, #tpu.memory_space<hbm>> -> memref<2612480x32xf32, #tpu.memory_space<hbm>>
      tpu.wait_indirect_dma semaphore(%arg8 : memref<!tpu.dma_semaphore, #tpu.memory_space<semaphore_mem>>) src(%dma_wait3A_391 : memref<2612480x32xf32, #tpu.memory_space<hbm>>) dst(%dma_wait3A_385 : memref<128x32xf32, #tpu.memory_space<vmem>>)
      %dma_wait3A_392 = arith.constant 0 : i32
      %dma_wait3A_393 = arith.constant 7 : i32
      %dma_wait3A_394 = arith.constant 0 : i32
      %dma_wait3A_395 = arith.constant 7 : i32
      %dma_wait3A_396 = arith.constant 0 : i32
      %dma_wait3A_397 = arith.constant 0 : i32
      %dma_wait3A_398 = tpu.memref_slice %arg6[%dma_wait3A_394, %dma_wait3A_395, %dma_wait3A_396, %dma_wait3A_397] : memref<2x10x128x32xf32, #tpu.memory_space<vmem>> -> memref<1x1x128x32xf32, #tpu.memory_space<vmem>>
      %dma_wait3A_399 = tpu.memref_squeeze %dma_wait3A_398 : memref<1x1x128x32xf32, #tpu.memory_space<vmem>> -> memref<128x32xf32, #tpu.memory_space<vmem>>
      %dma_wait3A_400 = arith.constant 0 : i32
      %dma_wait3A_401 = tpu.memref_slice %arg5[%dma_wait3A_392, %dma_wait3A_393, %dma_wait3A_400] : memref<2x10x128xi32, #tpu.memory_space<vmem>> -> memref<1x1x128xi32, #tpu.memory_space<vmem>>
      %dma_wait3A_402 = tpu.memref_squeeze %dma_wait3A_401 : memref<1x1x128xi32, #tpu.memory_space<vmem>> -> memref<128xi32, #tpu.memory_space<vmem>>
      %dma_wait3A_403 = arith.constant 0 : i32
      %dma_wait3A_404 = arith.constant 0 : i32
      %dma_wait3A_405 = tpu.memref_slice %arg2[%dma_wait3A_403, %dma_wait3A_404] : memref<2612480x32xf32, #tpu.memory_space<hbm>> -> memref<2612480x32xf32, #tpu.memory_space<hbm>>
      tpu.wait_indirect_dma semaphore(%arg8 : memref<!tpu.dma_semaphore, #tpu.memory_space<semaphore_mem>>) src(%dma_wait3A_405 : memref<2612480x32xf32, #tpu.memory_space<hbm>>) dst(%dma_wait3A_399 : memref<128x32xf32, #tpu.memory_space<vmem>>)
      %dma_wait3A_406 = arith.constant 0 : i32
      %dma_wait3A_407 = arith.constant 8 : i32
      %dma_wait3A_408 = arith.constant 0 : i32
      %dma_wait3A_409 = arith.constant 8 : i32
      %dma_wait3A_410 = arith.constant 0 : i32
      %dma_wait3A_411 = arith.constant 0 : i32
      %dma_wait3A_412 = tpu.memref_slice %arg6[%dma_wait3A_408, %dma_wait3A_409, %dma_wait3A_410, %dma_wait3A_411] : memref<2x10x128x32xf32, #tpu.memory_space<vmem>> -> memref<1x1x128x32xf32, #tpu.memory_space<vmem>>
      %dma_wait3A_413 = tpu.memref_squeeze %dma_wait3A_412 : memref<1x1x128x32xf32, #tpu.memory_space<vmem>> -> memref<128x32xf32, #tpu.memory_space<vmem>>
      %dma_wait3A_414 = arith.constant 0 : i32
      %dma_wait3A_415 = tpu.memref_slice %arg5[%dma_wait3A_406, %dma_wait3A_407, %dma_wait3A_414] : memref<2x10x128xi32, #tpu.memory_space<vmem>> -> memref<1x1x128xi32, #tpu.memory_space<vmem>>
      %dma_wait3A_416 = tpu.memref_squeeze %dma_wait3A_415 : memref<1x1x128xi32, #tpu.memory_space<vmem>> -> memref<128xi32, #tpu.memory_space<vmem>>
      %dma_wait3A_417 = arith.constant 0 : i32
      %dma_wait3A_418 = arith.constant 0 : i32
      %dma_wait3A_419 = tpu.memref_slice %arg2[%dma_wait3A_417, %dma_wait3A_418] : memref<2612480x32xf32, #tpu.memory_space<hbm>> -> memref<2612480x32xf32, #tpu.memory_space<hbm>>
      tpu.wait_indirect_dma semaphore(%arg8 : memref<!tpu.dma_semaphore, #tpu.memory_space<semaphore_mem>>) src(%dma_wait3A_419 : memref<2612480x32xf32, #tpu.memory_space<hbm>>) dst(%dma_wait3A_413 : memref<128x32xf32, #tpu.memory_space<vmem>>)
      %dma_wait3A_420 = arith.constant 0 : i32
      %dma_wait3A_421 = arith.constant 9 : i32
      %dma_wait3A_422 = arith.constant 0 : i32
      %dma_wait3A_423 = arith.constant 9 : i32
      %dma_wait3A_424 = arith.constant 0 : i32
      %dma_wait3A_425 = arith.constant 0 : i32
      %dma_wait3A_426 = tpu.memref_slice %arg6[%dma_wait3A_422, %dma_wait3A_423, %dma_wait3A_424, %dma_wait3A_425] : memref<2x10x128x32xf32, #tpu.memory_space<vmem>> -> memref<1x1x128x32xf32, #tpu.memory_space<vmem>>
      %dma_wait3A_427 = tpu.memref_squeeze %dma_wait3A_426 : memref<1x1x128x32xf32, #tpu.memory_space<vmem>> -> memref<128x32xf32, #tpu.memory_space<vmem>>
      %dma_wait3A_428 = arith.constant 0 : i32
      %dma_wait3A_429 = tpu.memref_slice %arg5[%dma_wait3A_420, %dma_wait3A_421, %dma_wait3A_428] : memref<2x10x128xi32, #tpu.memory_space<vmem>> -> memref<1x1x128xi32, #tpu.memory_space<vmem>>
      %dma_wait3A_430 = tpu.memref_squeeze %dma_wait3A_429 : memref<1x1x128xi32, #tpu.memory_space<vmem>> -> memref<128xi32, #tpu.memory_space<vmem>>
      %dma_wait3A_431 = arith.constant 0 : i32
      %dma_wait3A_432 = arith.constant 0 : i32
      %dma_wait3A_433 = tpu.memref_slice %arg2[%dma_wait3A_431, %dma_wait3A_432] : memref<2612480x32xf32, #tpu.memory_space<hbm>> -> memref<2612480x32xf32, #tpu.memory_space<hbm>>
      tpu.wait_indirect_dma semaphore(%arg8 : memref<!tpu.dma_semaphore, #tpu.memory_space<semaphore_mem>>) src(%dma_wait3A_433 : memref<2612480x32xf32, #tpu.memory_space<hbm>>) dst(%dma_wait3A_427 : memref<128x32xf32, #tpu.memory_space<vmem>>)
      %scan3A_434 = arith.constant 0 : i32
      %scan3A_435 = arith.constant 0 : i32
      %scan3A_436 = arith.constant 64 : i32
      %scan3A_437 = arith.addi %scan3A_435, %scan3A_436 : i32
      %scan3A_438 = arith.constant 1 : i32
      scf.for %scan3A_609 = %scan3A_435 to %scan3A_437 step %scan3A_438  : i32 {
        %mul3A_610 = arith.constant 20 : i32
        %mul3A_611 = arith.muli %scan3A_609, %mul3A_610 : i32
        %shift_right_arithmetic3A = arith.constant 7 : i32
        %shift_right_arithmetic3A_612 = arith.shrsi %mul3A_611, %shift_right_arithmetic3A : i32
        %and3A = arith.constant 127 : i32
        %and3A_613 = arith.andi %mul3A_611, %and3A : i32
        %get3A = arith.constant 0 : i32
        %get3A_614 = arith.index_cast %get3A : i32 to index
        %get3A_615 = arith.index_cast %shift_right_arithmetic3A_612 : i32 to index
        %get3A_616 = arith.index_cast %and3A_613 : i32 to index
        %get3A_617 = arith.constant 0 : index
        %get3A_618 = tpu.vector_load %arg6[%get3A_614, %get3A_615, %get3A_616, %get3A_617] {strides = array<i32>} : memref<2x10x128x32xf32, #tpu.memory_space<vmem>>, vector<1x1x1x16xf32>,
        %get3A_619 = vector.shape_cast %get3A_618 : vector<1x1x1x16xf32> to vector<16xf32>
        %shift_right_arithmetic3A_620 = arith.constant 7 : i32
        %shift_right_arithmetic3A_621 = arith.shrsi %mul3A_611, %shift_right_arithmetic3A_620 : i32
        %and3A_622 = arith.constant 127 : i32
        %and3A_623 = arith.andi %mul3A_611, %and3A_622 : i32
        %get3A_624 = arith.constant 0 : i32
        %get3A_625 = arith.index_cast %get3A_624 : i32 to index
        %get3A_626 = arith.index_cast %shift_right_arithmetic3A_621 : i32 to index
        %get3A_627 = arith.index_cast %and3A_623 : i32 to index
        %get3A_628 = arith.constant 16 : index
        %get3A_629 = tpu.vector_load %arg6[%get3A_625, %get3A_626, %get3A_627, %get3A_628] {strides = array<i32>} : memref<2x10x128x32xf32, #tpu.memory_space<vmem>>, vector<1x1x1x16xf32>,
        %get3A_630 = vector.shape_cast %get3A_629 : vector<1x1x1x16xf32> to vector<16xf32>
        %add3A_631 = arith.constant 1 : i32
        %add3A_632 = arith.addi %mul3A_611, %add3A_631 : i32
        %shift_right_arithmetic3A_633 = arith.constant 7 : i32
        %shift_right_arithmetic3A_634 = arith.shrsi %add3A_632, %shift_right_arithmetic3A_633 : i32
        %and3A_635 = arith.constant 127 : i32
        %and3A_636 = arith.andi %add3A_632, %and3A_635 : i32
        %get3A_637 = arith.constant 0 : i32
        %get3A_638 = arith.index_cast %get3A_637 : i32 to index
        %get3A_639 = arith.index_cast %shift_right_arithmetic3A_634 : i32 to index
        %get3A_640 = arith.index_cast %and3A_636 : i32 to index
        %get3A_641 = arith.constant 0 : index
        %get3A_642 = tpu.vector_load %arg6[%get3A_638, %get3A_639, %get3A_640, %get3A_641] {strides = array<i32>} : memref<2x10x128x32xf32, #tpu.memory_space<vmem>>, vector<1x1x1x16xf32>,
        %get3A_643 = vector.shape_cast %get3A_642 : vector<1x1x1x16xf32> to vector<16xf32>
        %add3A_644 = arith.addf %get3A_619, %get3A_643 : vector<16xf32>
        %get3A_645 = arith.constant 0 : i32
        %get3A_646 = arith.index_cast %get3A_645 : i32 to index
        %get3A_647 = arith.index_cast %shift_right_arithmetic3A_634 : i32 to index
        %get3A_648 = arith.index_cast %and3A_636 : i32 to index
        %get3A_649 = arith.constant 16 : index
        %get3A_650 = tpu.vector_load %arg6[%get3A_646, %get3A_647, %get3A_648, %get3A_649] {strides = array<i32>} : memref<2x10x128x32xf32, #tpu.memory_space<vmem>>, vector<1x1x1x16xf32>,
        %get3A_651 = vector.shape_cast %get3A_650 : vector<1x1x1x16xf32> to vector<16xf32>
        %add3A_652 = arith.addf %get3A_630, %get3A_651 : vector<16xf32>
        %add3A_653 = arith.constant 2 : i32
        %add3A_654 = arith.addi %mul3A_611, %add3A_653 : i32
        %shift_right_arithmetic3A_655 = arith.constant 7 : i32
        %shift_right_arithmetic3A_656 = arith.shrsi %add3A_654, %shift_right_arithmetic3A_655 : i32
        %and3A_657 = arith.constant 127 : i32
        %and3A_658 = arith.andi %add3A_654, %and3A_657 : i32
        %get3A_659 = arith.constant 0 : i32
        %get3A_660 = arith.index_cast %get3A_659 : i32 to index
        %get3A_661 = arith.index_cast %shift_right_arithmetic3A_656 : i32 to index
        %get3A_662 = arith.index_cast %and3A_658 : i32 to index
        %get3A_663 = arith.constant 0 : index
        %get3A_664 = tpu.vector_load %arg6[%get3A_660, %get3A_661, %get3A_662, %get3A_663] {strides = array<i32>} : memref<2x10x128x32xf32, #tpu.memory_space<vmem>>, vector<1x1x1x16xf32>,
        %get3A_665 = vector.shape_cast %get3A_664 : vector<1x1x1x16xf32> to vector<16xf32>
        %add3A_666 = arith.addf %add3A_644, %get3A_665 : vector<16xf32>
        %get3A_667 = arith.constant 0 : i32
        %get3A_668 = arith.index_cast %get3A_667 : i32 to index
        %get3A_669 = arith.index_cast %shift_right_arithmetic3A_656 : i32 to index
        %get3A_670 = arith.index_cast %and3A_658 : i32 to index
        %get3A_671 = arith.constant 16 : index
        %get3A_672 = tpu.vector_load %arg6[%get3A_668, %get3A_669, %get3A_670, %get3A_671] {strides = array<i32>} : memref<2x10x128x32xf32, #tpu.memory_space<vmem>>, vector<1x1x1x16xf32>,
        %get3A_673 = vector.shape_cast %get3A_672 : vector<1x1x1x16xf32> to vector<16xf32>
        %add3A_674 = arith.addf %add3A_652, %get3A_673 : vector<16xf32>
        %add3A_675 = arith.constant 3 : i32
        %add3A_676 = arith.addi %mul3A_611, %add3A_675 : i32
        %shift_right_arithmetic3A_677 = arith.constant 7 : i32
        %shift_right_arithmetic3A_678 = arith.shrsi %add3A_676, %shift_right_arithmetic3A_677 : i32
        %and3A_679 = arith.constant 127 : i32
        %and3A_680 = arith.andi %add3A_676, %and3A_679 : i32
        %get3A_681 = arith.constant 0 : i32
        %get3A_682 = arith.index_cast %get3A_681 : i32 to index
        %get3A_683 = arith.index_cast %shift_right_arithmetic3A_678 : i32 to index
        %get3A_684 = arith.index_cast %and3A_680 : i32 to index
        %get3A_685 = arith.constant 0 : index
        %get3A_686 = tpu.vector_load %arg6[%get3A_682, %get3A_683, %get3A_684, %get3A_685] {strides = array<i32>} : memref<2x10x128x32xf32, #tpu.memory_space<vmem>>, vector<1x1x1x16xf32>,
        %get3A_687 = vector.shape_cast %get3A_686 : vector<1x1x1x16xf32> to vector<16xf32>
        %add3A_688 = arith.addf %add3A_666, %get3A_687 : vector<16xf32>
        %get3A_689 = arith.constant 0 : i32
        %get3A_690 = arith.index_cast %get3A_689 : i32 to index
        %get3A_691 = arith.index_cast %shift_right_arithmetic3A_678 : i32 to index
        %get3A_692 = arith.index_cast %and3A_680 : i32 to index
        %get3A_693 = arith.constant 16 : index
        %get3A_694 = tpu.vector_load %arg6[%get3A_690, %get3A_691, %get3A_692, %get3A_693] {strides = array<i32>} : memref<2x10x128x32xf32, #tpu.memory_space<vmem>>, vector<1x1x1x16xf32>,
        %get3A_695 = vector.shape_cast %get3A_694 : vector<1x1x1x16xf32> to vector<16xf32>
        %add3A_696 = arith.addf %add3A_674, %get3A_695 : vector<16xf32>
        %add3A_697 = arith.constant 4 : i32
        %add3A_698 = arith.addi %mul3A_611, %add3A_697 : i32
        %shift_right_arithmetic3A_699 = arith.constant 7 : i32
        %shift_right_arithmetic3A_700 = arith.shrsi %add3A_698, %shift_right_arithmetic3A_699 : i32
        %and3A_701 = arith.constant 127 : i32
        %and3A_702 = arith.andi %add3A_698, %and3A_701 : i32
        %get3A_703 = arith.constant 0 : i32
        %get3A_704 = arith.index_cast %get3A_703 : i32 to index
        %get3A_705 = arith.index_cast %shift_right_arithmetic3A_700 : i32 to index
        %get3A_706 = arith.index_cast %and3A_702 : i32 to index
        %get3A_707 = arith.constant 0 : index
        %get3A_708 = tpu.vector_load %arg6[%get3A_704, %get3A_705, %get3A_706, %get3A_707] {strides = array<i32>} : memref<2x10x128x32xf32, #tpu.memory_space<vmem>>, vector<1x1x1x16xf32>,
        %get3A_709 = vector.shape_cast %get3A_708 : vector<1x1x1x16xf32> to vector<16xf32>
        %add3A_710 = arith.addf %add3A_688, %get3A_709 : vector<16xf32>
        %get3A_711 = arith.constant 0 : i32
        %get3A_712 = arith.index_cast %get3A_711 : i32 to index
        %get3A_713 = arith.index_cast %shift_right_arithmetic3A_700 : i32 to index
        %get3A_714 = arith.index_cast %and3A_702 : i32 to index
        %get3A_715 = arith.constant 16 : index
        %get3A_716 = tpu.vector_load %arg6[%get3A_712, %get3A_713, %get3A_714, %get3A_715] {strides = array<i32>} : memref<2x10x128x32xf32, #tpu.memory_space<vmem>>, vector<1x1x1x16xf32>,
        %get3A_717 = vector.shape_cast %get3A_716 : vector<1x1x1x16xf32> to vector<16xf32>
        %add3A_718 = arith.addf %add3A_696, %get3A_717 : vector<16xf32>
        %add3A_719 = arith.constant 5 : i32
        %add3A_720 = arith.addi %mul3A_611, %add3A_719 : i32
        %shift_right_arithmetic3A_721 = arith.constant 7 : i32
        %shift_right_arithmetic3A_722 = arith.shrsi %add3A_720, %shift_right_arithmetic3A_721 : i32
        %and3A_723 = arith.constant 127 : i32
        %and3A_724 = arith.andi %add3A_720, %and3A_723 : i32
        %get3A_725 = arith.constant 0 : i32
        %get3A_726 = arith.index_cast %get3A_725 : i32 to index
        %get3A_727 = arith.index_cast %shift_right_arithmetic3A_722 : i32 to index
        %get3A_728 = arith.index_cast %and3A_724 : i32 to index
        %get3A_729 = arith.constant 0 : index
        %get3A_730 = tpu.vector_load %arg6[%get3A_726, %get3A_727, %get3A_728, %get3A_729] {strides = array<i32>} : memref<2x10x128x32xf32, #tpu.memory_space<vmem>>, vector<1x1x1x16xf32>,
        %get3A_731 = vector.shape_cast %get3A_730 : vector<1x1x1x16xf32> to vector<16xf32>
        %add3A_732 = arith.addf %add3A_710, %get3A_731 : vector<16xf32>
        %get3A_733 = arith.constant 0 : i32
        %get3A_734 = arith.index_cast %get3A_733 : i32 to index
        %get3A_735 = arith.index_cast %shift_right_arithmetic3A_722 : i32 to index
        %get3A_736 = arith.index_cast %and3A_724 : i32 to index
        %get3A_737 = arith.constant 16 : index
        %get3A_738 = tpu.vector_load %arg6[%get3A_734, %get3A_735, %get3A_736, %get3A_737] {strides = array<i32>} : memref<2x10x128x32xf32, #tpu.memory_space<vmem>>, vector<1x1x1x16xf32>,
        %get3A_739 = vector.shape_cast %get3A_738 : vector<1x1x1x16xf32> to vector<16xf32>
        %add3A_740 = arith.addf %add3A_718, %get3A_739 : vector<16xf32>
        %add3A_741 = arith.constant 6 : i32
        %add3A_742 = arith.addi %mul3A_611, %add3A_741 : i32
        %shift_right_arithmetic3A_743 = arith.constant 7 : i32
        %shift_right_arithmetic3A_744 = arith.shrsi %add3A_742, %shift_right_arithmetic3A_743 : i32
        %and3A_745 = arith.constant 127 : i32
        %and3A_746 = arith.andi %add3A_742, %and3A_745 : i32
        %get3A_747 = arith.constant 0 : i32
        %get3A_748 = arith.index_cast %get3A_747 : i32 to index
        %get3A_749 = arith.index_cast %shift_right_arithmetic3A_744 : i32 to index
        %get3A_750 = arith.index_cast %and3A_746 : i32 to index
        %get3A_751 = arith.constant 0 : index
        %get3A_752 = tpu.vector_load %arg6[%get3A_748, %get3A_749, %get3A_750, %get3A_751] {strides = array<i32>} : memref<2x10x128x32xf32, #tpu.memory_space<vmem>>, vector<1x1x1x16xf32>,
        %get3A_753 = vector.shape_cast %get3A_752 : vector<1x1x1x16xf32> to vector<16xf32>
        %add3A_754 = arith.addf %add3A_732, %get3A_753 : vector<16xf32>
        %get3A_755 = arith.constant 0 : i32
        %get3A_756 = arith.index_cast %get3A_755 : i32 to index
        %get3A_757 = arith.index_cast %shift_right_arithmetic3A_744 : i32 to index
        %get3A_758 = arith.index_cast %and3A_746 : i32 to index
        %get3A_759 = arith.constant 16 : index
        %get3A_760 = tpu.vector_load %arg6[%get3A_756, %get3A_757, %get3A_758, %get3A_759] {strides = array<i32>} : memref<2x10x128x32xf32, #tpu.memory_space<vmem>>, vector<1x1x1x16xf32>,
        %get3A_761 = vector.shape_cast %get3A_760 : vector<1x1x1x16xf32> to vector<16xf32>
        %add3A_762 = arith.addf %add3A_740, %get3A_761 : vector<16xf32>
        %add3A_763 = arith.constant 7 : i32
        %add3A_764 = arith.addi %mul3A_611, %add3A_763 : i32
        %shift_right_arithmetic3A_765 = arith.constant 7 : i32
        %shift_right_arithmetic3A_766 = arith.shrsi %add3A_764, %shift_right_arithmetic3A_765 : i32
        %and3A_767 = arith.constant 127 : i32
        %and3A_768 = arith.andi %add3A_764, %and3A_767 : i32
        %get3A_769 = arith.constant 0 : i32
        %get3A_770 = arith.index_cast %get3A_769 : i32 to index
        %get3A_771 = arith.index_cast %shift_right_arithmetic3A_766 : i32 to index
        %get3A_772 = arith.index_cast %and3A_768 : i32 to index
        %get3A_773 = arith.constant 0 : index
        %get3A_774 = tpu.vector_load %arg6[%get3A_770, %get3A_771, %get3A_772, %get3A_773] {strides = array<i32>} : memref<2x10x128x32xf32, #tpu.memory_space<vmem>>, vector<1x1x1x16xf32>,
        %get3A_775 = vector.shape_cast %get3A_774 : vector<1x1x1x16xf32> to vector<16xf32>
        %add3A_776 = arith.addf %add3A_754, %get3A_775 : vector<16xf32>
        %get3A_777 = arith.constant 0 : i32
        %get3A_778 = arith.index_cast %get3A_777 : i32 to index
        %get3A_779 = arith.index_cast %shift_right_arithmetic3A_766 : i32 to index
        %get3A_780 = arith.index_cast %and3A_768 : i32 to index
        %get3A_781 = arith.constant 16 : index
        %get3A_782 = tpu.vector_load %arg6[%get3A_778, %get3A_779, %get3A_780, %get3A_781] {strides = array<i32>} : memref<2x10x128x32xf32, #tpu.memory_space<vmem>>, vector<1x1x1x16xf32>,
        %get3A_783 = vector.shape_cast %get3A_782 : vector<1x1x1x16xf32> to vector<16xf32>
        %add3A_784 = arith.addf %add3A_762, %get3A_783 : vector<16xf32>
        %add3A_785 = arith.constant 8 : i32
        %add3A_786 = arith.addi %mul3A_611, %add3A_785 : i32
        %shift_right_arithmetic3A_787 = arith.constant 7 : i32
        %shift_right_arithmetic3A_788 = arith.shrsi %add3A_786, %shift_right_arithmetic3A_787 : i32
        %and3A_789 = arith.constant 127 : i32
        %and3A_790 = arith.andi %add3A_786, %and3A_789 : i32
        %get3A_791 = arith.constant 0 : i32
        %get3A_792 = arith.index_cast %get3A_791 : i32 to index
        %get3A_793 = arith.index_cast %shift_right_arithmetic3A_788 : i32 to index
        %get3A_794 = arith.index_cast %and3A_790 : i32 to index
        %get3A_795 = arith.constant 0 : index
        %get3A_796 = tpu.vector_load %arg6[%get3A_792, %get3A_793, %get3A_794, %get3A_795] {strides = array<i32>} : memref<2x10x128x32xf32, #tpu.memory_space<vmem>>, vector<1x1x1x16xf32>,
        %get3A_797 = vector.shape_cast %get3A_796 : vector<1x1x1x16xf32> to vector<16xf32>
        %add3A_798 = arith.addf %add3A_776, %get3A_797 : vector<16xf32>
        %get3A_799 = arith.constant 0 : i32
        %get3A_800 = arith.index_cast %get3A_799 : i32 to index
        %get3A_801 = arith.index_cast %shift_right_arithmetic3A_788 : i32 to index
        %get3A_802 = arith.index_cast %and3A_790 : i32 to index
        %get3A_803 = arith.constant 16 : index
        %get3A_804 = tpu.vector_load %arg6[%get3A_800, %get3A_801, %get3A_802, %get3A_803] {strides = array<i32>} : memref<2x10x128x32xf32, #tpu.memory_space<vmem>>, vector<1x1x1x16xf32>,
        %get3A_805 = vector.shape_cast %get3A_804 : vector<1x1x1x16xf32> to vector<16xf32>
        %add3A_806 = arith.addf %add3A_784, %get3A_805 : vector<16xf32>
        %add3A_807 = arith.constant 9 : i32
        %add3A_808 = arith.addi %mul3A_611, %add3A_807 : i32
        %shift_right_arithmetic3A_809 = arith.constant 7 : i32
        %shift_right_arithmetic3A_810 = arith.shrsi %add3A_808, %shift_right_arithmetic3A_809 : i32
        %and3A_811 = arith.constant 127 : i32
        %and3A_812 = arith.andi %add3A_808, %and3A_811 : i32
        %get3A_813 = arith.constant 0 : i32
        %get3A_814 = arith.index_cast %get3A_813 : i32 to index
        %get3A_815 = arith.index_cast %shift_right_arithmetic3A_810 : i32 to index
        %get3A_816 = arith.index_cast %and3A_812 : i32 to index
        %get3A_817 = arith.constant 0 : index
        %get3A_818 = tpu.vector_load %arg6[%get3A_814, %get3A_815, %get3A_816, %get3A_817] {strides = array<i32>} : memref<2x10x128x32xf32, #tpu.memory_space<vmem>>, vector<1x1x1x16xf32>,
        %get3A_819 = vector.shape_cast %get3A_818 : vector<1x1x1x16xf32> to vector<16xf32>
        %add3A_820 = arith.addf %add3A_798, %get3A_819 : vector<16xf32>
        %get3A_821 = arith.constant 0 : i32
        %get3A_822 = arith.index_cast %get3A_821 : i32 to index
        %get3A_823 = arith.index_cast %shift_right_arithmetic3A_810 : i32 to index
        %get3A_824 = arith.index_cast %and3A_812 : i32 to index
        %get3A_825 = arith.constant 16 : index
        %get3A_826 = tpu.vector_load %arg6[%get3A_822, %get3A_823, %get3A_824, %get3A_825] {strides = array<i32>} : memref<2x10x128x32xf32, #tpu.memory_space<vmem>>, vector<1x1x1x16xf32>,
        %get3A_827 = vector.shape_cast %get3A_826 : vector<1x1x1x16xf32> to vector<16xf32>
        %add3A_828 = arith.addf %add3A_806, %get3A_827 : vector<16xf32>
        %add3A_829 = arith.constant 10 : i32
        %add3A_830 = arith.addi %mul3A_611, %add3A_829 : i32
        %shift_right_arithmetic3A_831 = arith.constant 7 : i32
        %shift_right_arithmetic3A_832 = arith.shrsi %add3A_830, %shift_right_arithmetic3A_831 : i32
        %and3A_833 = arith.constant 127 : i32
        %and3A_834 = arith.andi %add3A_830, %and3A_833 : i32
        %get3A_835 = arith.constant 0 : i32
        %get3A_836 = arith.index_cast %get3A_835 : i32 to index
        %get3A_837 = arith.index_cast %shift_right_arithmetic3A_832 : i32 to index
        %get3A_838 = arith.index_cast %and3A_834 : i32 to index
        %get3A_839 = arith.constant 0 : index
        %get3A_840 = tpu.vector_load %arg6[%get3A_836, %get3A_837, %get3A_838, %get3A_839] {strides = array<i32>} : memref<2x10x128x32xf32, #tpu.memory_space<vmem>>, vector<1x1x1x16xf32>,
        %get3A_841 = vector.shape_cast %get3A_840 : vector<1x1x1x16xf32> to vector<16xf32>
        %add3A_842 = arith.addf %add3A_820, %get3A_841 : vector<16xf32>
        %get3A_843 = arith.constant 0 : i32
        %get3A_844 = arith.index_cast %get3A_843 : i32 to index
        %get3A_845 = arith.index_cast %shift_right_arithmetic3A_832 : i32 to index
        %get3A_846 = arith.index_cast %and3A_834 : i32 to index
        %get3A_847 = arith.constant 16 : index
        %get3A_848 = tpu.vector_load %arg6[%get3A_844, %get3A_845, %get3A_846, %get3A_847] {strides = array<i32>} : memref<2x10x128x32xf32, #tpu.memory_space<vmem>>, vector<1x1x1x16xf32>,
        %get3A_849 = vector.shape_cast %get3A_848 : vector<1x1x1x16xf32> to vector<16xf32>
        %add3A_850 = arith.addf %add3A_828, %get3A_849 : vector<16xf32>
        %add3A_851 = arith.constant 11 : i32
        %add3A_852 = arith.addi %mul3A_611, %add3A_851 : i32
        %shift_right_arithmetic3A_853 = arith.constant 7 : i32
        %shift_right_arithmetic3A_854 = arith.shrsi %add3A_852, %shift_right_arithmetic3A_853 : i32
        %and3A_855 = arith.constant 127 : i32
        %and3A_856 = arith.andi %add3A_852, %and3A_855 : i32
        %get3A_857 = arith.constant 0 : i32
        %get3A_858 = arith.index_cast %get3A_857 : i32 to index
        %get3A_859 = arith.index_cast %shift_right_arithmetic3A_854 : i32 to index
        %get3A_860 = arith.index_cast %and3A_856 : i32 to index
        %get3A_861 = arith.constant 0 : index
        %get3A_862 = tpu.vector_load %arg6[%get3A_858, %get3A_859, %get3A_860, %get3A_861] {strides = array<i32>} : memref<2x10x128x32xf32, #tpu.memory_space<vmem>>, vector<1x1x1x16xf32>,
        %get3A_863 = vector.shape_cast %get3A_862 : vector<1x1x1x16xf32> to vector<16xf32>
        %add3A_864 = arith.addf %add3A_842, %get3A_863 : vector<16xf32>
        %get3A_865 = arith.constant 0 : i32
        %get3A_866 = arith.index_cast %get3A_865 : i32 to index
        %get3A_867 = arith.index_cast %shift_right_arithmetic3A_854 : i32 to index
        %get3A_868 = arith.index_cast %and3A_856 : i32 to index
        %get3A_869 = arith.constant 16 : index
        %get3A_870 = tpu.vector_load %arg6[%get3A_866, %get3A_867, %get3A_868, %get3A_869] {strides = array<i32>} : memref<2x10x128x32xf32, #tpu.memory_space<vmem>>, vector<1x1x1x16xf32>,
        %get3A_871 = vector.shape_cast %get3A_870 : vector<1x1x1x16xf32> to vector<16xf32>
        %add3A_872 = arith.addf %add3A_850, %get3A_871 : vector<16xf32>
        %add3A_873 = arith.constant 12 : i32
        %add3A_874 = arith.addi %mul3A_611, %add3A_873 : i32
        %shift_right_arithmetic3A_875 = arith.constant 7 : i32
        %shift_right_arithmetic3A_876 = arith.shrsi %add3A_874, %shift_right_arithmetic3A_875 : i32
        %and3A_877 = arith.constant 127 : i32
        %and3A_878 = arith.andi %add3A_874, %and3A_877 : i32
        %get3A_879 = arith.constant 0 : i32
        %get3A_880 = arith.index_cast %get3A_879 : i32 to index
        %get3A_881 = arith.index_cast %shift_right_arithmetic3A_876 : i32 to index
        %get3A_882 = arith.index_cast %and3A_878 : i32 to index
        %get3A_883 = arith.constant 0 : index
        %get3A_884 = tpu.vector_load %arg6[%get3A_880, %get3A_881, %get3A_882, %get3A_883] {strides = array<i32>} : memref<2x10x128x32xf32, #tpu.memory_space<vmem>>, vector<1x1x1x16xf32>,
        %get3A_885 = vector.shape_cast %get3A_884 : vector<1x1x1x16xf32> to vector<16xf32>
        %add3A_886 = arith.addf %add3A_864, %get3A_885 : vector<16xf32>
        %get3A_887 = arith.constant 0 : i32
        %get3A_888 = arith.index_cast %get3A_887 : i32 to index
        %get3A_889 = arith.index_cast %shift_right_arithmetic3A_876 : i32 to index
        %get3A_890 = arith.index_cast %and3A_878 : i32 to index
        %get3A_891 = arith.constant 16 : index
        %get3A_892 = tpu.vector_load %arg6[%get3A_888, %get3A_889, %get3A_890, %get3A_891] {strides = array<i32>} : memref<2x10x128x32xf32, #tpu.memory_space<vmem>>, vector<1x1x1x16xf32>,
        %get3A_893 = vector.shape_cast %get3A_892 : vector<1x1x1x16xf32> to vector<16xf32>
        %add3A_894 = arith.addf %add3A_872, %get3A_893 : vector<16xf32>
        %add3A_895 = arith.constant 13 : i32
        %add3A_896 = arith.addi %mul3A_611, %add3A_895 : i32
        %shift_right_arithmetic3A_897 = arith.constant 7 : i32
        %shift_right_arithmetic3A_898 = arith.shrsi %add3A_896, %shift_right_arithmetic3A_897 : i32
        %and3A_899 = arith.constant 127 : i32
        %and3A_900 = arith.andi %add3A_896, %and3A_899 : i32
        %get3A_901 = arith.constant 0 : i32
        %get3A_902 = arith.index_cast %get3A_901 : i32 to index
        %get3A_903 = arith.index_cast %shift_right_arithmetic3A_898 : i32 to index
        %get3A_904 = arith.index_cast %and3A_900 : i32 to index
        %get3A_905 = arith.constant 0 : index
        %get3A_906 = tpu.vector_load %arg6[%get3A_902, %get3A_903, %get3A_904, %get3A_905] {strides = array<i32>} : memref<2x10x128x32xf32, #tpu.memory_space<vmem>>, vector<1x1x1x16xf32>,
        %get3A_907 = vector.shape_cast %get3A_906 : vector<1x1x1x16xf32> to vector<16xf32>
        %add3A_908 = arith.addf %add3A_886, %get3A_907 : vector<16xf32>
        %get3A_909 = arith.constant 0 : i32
        %get3A_910 = arith.index_cast %get3A_909 : i32 to index
        %get3A_911 = arith.index_cast %shift_right_arithmetic3A_898 : i32 to index
        %get3A_912 = arith.index_cast %and3A_900 : i32 to index
        %get3A_913 = arith.constant 16 : index
        %get3A_914 = tpu.vector_load %arg6[%get3A_910, %get3A_911, %get3A_912, %get3A_913] {strides = array<i32>} : memref<2x10x128x32xf32, #tpu.memory_space<vmem>>, vector<1x1x1x16xf32>,
        %get3A_915 = vector.shape_cast %get3A_914 : vector<1x1x1x16xf32> to vector<16xf32>
        %add3A_916 = arith.addf %add3A_894, %get3A_915 : vector<16xf32>
        %add3A_917 = arith.constant 14 : i32
        %add3A_918 = arith.addi %mul3A_611, %add3A_917 : i32
        %shift_right_arithmetic3A_919 = arith.constant 7 : i32
        %shift_right_arithmetic3A_920 = arith.shrsi %add3A_918, %shift_right_arithmetic3A_919 : i32
        %and3A_921 = arith.constant 127 : i32
        %and3A_922 = arith.andi %add3A_918, %and3A_921 : i32
        %get3A_923 = arith.constant 0 : i32
        %get3A_924 = arith.index_cast %get3A_923 : i32 to index
        %get3A_925 = arith.index_cast %shift_right_arithmetic3A_920 : i32 to index
        %get3A_926 = arith.index_cast %and3A_922 : i32 to index
        %get3A_927 = arith.constant 0 : index
        %get3A_928 = tpu.vector_load %arg6[%get3A_924, %get3A_925, %get3A_926, %get3A_927] {strides = array<i32>} : memref<2x10x128x32xf32, #tpu.memory_space<vmem>>, vector<1x1x1x16xf32>,
        %get3A_929 = vector.shape_cast %get3A_928 : vector<1x1x1x16xf32> to vector<16xf32>
        %add3A_930 = arith.addf %add3A_908, %get3A_929 : vector<16xf32>
        %get3A_931 = arith.constant 0 : i32
        %get3A_932 = arith.index_cast %get3A_931 : i32 to index
        %get3A_933 = arith.index_cast %shift_right_arithmetic3A_920 : i32 to index
        %get3A_934 = arith.index_cast %and3A_922 : i32 to index
        %get3A_935 = arith.constant 16 : index
        %get3A_936 = tpu.vector_load %arg6[%get3A_932, %get3A_933, %get3A_934, %get3A_935] {strides = array<i32>} : memref<2x10x128x32xf32, #tpu.memory_space<vmem>>, vector<1x1x1x16xf32>,
        %get3A_937 = vector.shape_cast %get3A_936 : vector<1x1x1x16xf32> to vector<16xf32>
        %add3A_938 = arith.addf %add3A_916, %get3A_937 : vector<16xf32>
        %add3A_939 = arith.constant 15 : i32
        %add3A_940 = arith.addi %mul3A_611, %add3A_939 : i32
        %shift_right_arithmetic3A_941 = arith.constant 7 : i32
        %shift_right_arithmetic3A_942 = arith.shrsi %add3A_940, %shift_right_arithmetic3A_941 : i32
        %and3A_943 = arith.constant 127 : i32
        %and3A_944 = arith.andi %add3A_940, %and3A_943 : i32
        %get3A_945 = arith.constant 0 : i32
        %get3A_946 = arith.index_cast %get3A_945 : i32 to index
        %get3A_947 = arith.index_cast %shift_right_arithmetic3A_942 : i32 to index
        %get3A_948 = arith.index_cast %and3A_944 : i32 to index
        %get3A_949 = arith.constant 0 : index
        %get3A_950 = tpu.vector_load %arg6[%get3A_946, %get3A_947, %get3A_948, %get3A_949] {strides = array<i32>} : memref<2x10x128x32xf32, #tpu.memory_space<vmem>>, vector<1x1x1x16xf32>,
        %get3A_951 = vector.shape_cast %get3A_950 : vector<1x1x1x16xf32> to vector<16xf32>
        %add3A_952 = arith.addf %add3A_930, %get3A_951 : vector<16xf32>
        %get3A_953 = arith.constant 0 : i32
        %get3A_954 = arith.index_cast %get3A_953 : i32 to index
        %get3A_955 = arith.index_cast %shift_right_arithmetic3A_942 : i32 to index
        %get3A_956 = arith.index_cast %and3A_944 : i32 to index
        %get3A_957 = arith.constant 16 : index
        %get3A_958 = tpu.vector_load %arg6[%get3A_954, %get3A_955, %get3A_956, %get3A_957] {strides = array<i32>} : memref<2x10x128x32xf32, #tpu.memory_space<vmem>>, vector<1x1x1x16xf32>,
        %get3A_959 = vector.shape_cast %get3A_958 : vector<1x1x1x16xf32> to vector<16xf32>
        %add3A_960 = arith.addf %add3A_938, %get3A_959 : vector<16xf32>
        %add3A_961 = arith.constant 16 : i32
        %add3A_962 = arith.addi %mul3A_611, %add3A_961 : i32
        %shift_right_arithmetic3A_963 = arith.constant 7 : i32
        %shift_right_arithmetic3A_964 = arith.shrsi %add3A_962, %shift_right_arithmetic3A_963 : i32
        %and3A_965 = arith.constant 127 : i32
        %and3A_966 = arith.andi %add3A_962, %and3A_965 : i32
        %get3A_967 = arith.constant 0 : i32
        %get3A_968 = arith.index_cast %get3A_967 : i32 to index
        %get3A_969 = arith.index_cast %shift_right_arithmetic3A_964 : i32 to index
        %get3A_970 = arith.index_cast %and3A_966 : i32 to index
        %get3A_971 = arith.constant 0 : index
        %get3A_972 = tpu.vector_load %arg6[%get3A_968, %get3A_969, %get3A_970, %get3A_971] {strides = array<i32>} : memref<2x10x128x32xf32, #tpu.memory_space<vmem>>, vector<1x1x1x16xf32>,
        %get3A_973 = vector.shape_cast %get3A_972 : vector<1x1x1x16xf32> to vector<16xf32>
        %add3A_974 = arith.addf %add3A_952, %get3A_973 : vector<16xf32>
        %get3A_975 = arith.constant 0 : i32
        %get3A_976 = arith.index_cast %get3A_975 : i32 to index
        %get3A_977 = arith.index_cast %shift_right_arithmetic3A_964 : i32 to index
        %get3A_978 = arith.index_cast %and3A_966 : i32 to index
        %get3A_979 = arith.constant 16 : index
        %get3A_980 = tpu.vector_load %arg6[%get3A_976, %get3A_977, %get3A_978, %get3A_979] {strides = array<i32>} : memref<2x10x128x32xf32, #tpu.memory_space<vmem>>, vector<1x1x1x16xf32>,
        %get3A_981 = vector.shape_cast %get3A_980 : vector<1x1x1x16xf32> to vector<16xf32>
        %add3A_982 = arith.addf %add3A_960, %get3A_981 : vector<16xf32>
        %add3A_983 = arith.constant 17 : i32
        %add3A_984 = arith.addi %mul3A_611, %add3A_983 : i32
        %shift_right_arithmetic3A_985 = arith.constant 7 : i32
        %shift_right_arithmetic3A_986 = arith.shrsi %add3A_984, %shift_right_arithmetic3A_985 : i32
        %and3A_987 = arith.constant 127 : i32
        %and3A_988 = arith.andi %add3A_984, %and3A_987 : i32
        %get3A_989 = arith.constant 0 : i32
        %get3A_990 = arith.index_cast %get3A_989 : i32 to index
        %get3A_991 = arith.index_cast %shift_right_arithmetic3A_986 : i32 to index
        %get3A_992 = arith.index_cast %and3A_988 : i32 to index
        %get3A_993 = arith.constant 0 : index
        %get3A_994 = tpu.vector_load %arg6[%get3A_990, %get3A_991, %get3A_992, %get3A_993] {strides = array<i32>} : memref<2x10x128x32xf32, #tpu.memory_space<vmem>>, vector<1x1x1x16xf32>,
        %get3A_995 = vector.shape_cast %get3A_994 : vector<1x1x1x16xf32> to vector<16xf32>
        %add3A_996 = arith.addf %add3A_974, %get3A_995 : vector<16xf32>
        %get3A_997 = arith.constant 0 : i32
        %get3A_998 = arith.index_cast %get3A_997 : i32 to index
        %get3A_999 = arith.index_cast %shift_right_arithmetic3A_986 : i32 to index
        %get3A_1000 = arith.index_cast %and3A_988 : i32 to index
        %get3A_1001 = arith.constant 16 : index
        %get3A_1002 = tpu.vector_load %arg6[%get3A_998, %get3A_999, %get3A_1000, %get3A_1001] {strides = array<i32>} : memref<2x10x128x32xf32, #tpu.memory_space<vmem>>, vector<1x1x1x16xf32>,
        %get3A_1003 = vector.shape_cast %get3A_1002 : vector<1x1x1x16xf32> to vector<16xf32>
        %add3A_1004 = arith.addf %add3A_982, %get3A_1003 : vector<16xf32>
        %add3A_1005 = arith.constant 18 : i32
        %add3A_1006 = arith.addi %mul3A_611, %add3A_1005 : i32
        %shift_right_arithmetic3A_1007 = arith.constant 7 : i32
        %shift_right_arithmetic3A_1008 = arith.shrsi %add3A_1006, %shift_right_arithmetic3A_1007 : i32
        %and3A_1009 = arith.constant 127 : i32
        %and3A_1010 = arith.andi %add3A_1006, %and3A_1009 : i32
        %get3A_1011 = arith.constant 0 : i32
        %get3A_1012 = arith.index_cast %get3A_1011 : i32 to index
        %get3A_1013 = arith.index_cast %shift_right_arithmetic3A_1008 : i32 to index
        %get3A_1014 = arith.index_cast %and3A_1010 : i32 to index
        %get3A_1015 = arith.constant 0 : index
        %get3A_1016 = tpu.vector_load %arg6[%get3A_1012, %get3A_1013, %get3A_1014, %get3A_1015] {strides = array<i32>} : memref<2x10x128x32xf32, #tpu.memory_space<vmem>>, vector<1x1x1x16xf32>,
        %get3A_1017 = vector.shape_cast %get3A_1016 : vector<1x1x1x16xf32> to vector<16xf32>
        %add3A_1018 = arith.addf %add3A_996, %get3A_1017 : vector<16xf32>
        %get3A_1019 = arith.constant 0 : i32
        %get3A_1020 = arith.index_cast %get3A_1019 : i32 to index
        %get3A_1021 = arith.index_cast %shift_right_arithmetic3A_1008 : i32 to index
        %get3A_1022 = arith.index_cast %and3A_1010 : i32 to index
        %get3A_1023 = arith.constant 16 : index
        %get3A_1024 = tpu.vector_load %arg6[%get3A_1020, %get3A_1021, %get3A_1022, %get3A_1023] {strides = array<i32>} : memref<2x10x128x32xf32, #tpu.memory_space<vmem>>, vector<1x1x1x16xf32>,
        %get3A_1025 = vector.shape_cast %get3A_1024 : vector<1x1x1x16xf32> to vector<16xf32>
        %add3A_1026 = arith.addf %add3A_1004, %get3A_1025 : vector<16xf32>
        %add3A_1027 = arith.constant 19 : i32
        %add3A_1028 = arith.addi %mul3A_611, %add3A_1027 : i32
        %shift_right_arithmetic3A_1029 = arith.constant 7 : i32
        %shift_right_arithmetic3A_1030 = arith.shrsi %add3A_1028, %shift_right_arithmetic3A_1029 : i32
        %and3A_1031 = arith.constant 127 : i32
        %and3A_1032 = arith.andi %add3A_1028, %and3A_1031 : i32
        %get3A_1033 = arith.constant 0 : i32
        %get3A_1034 = arith.index_cast %get3A_1033 : i32 to index
        %get3A_1035 = arith.index_cast %shift_right_arithmetic3A_1030 : i32 to index
        %get3A_1036 = arith.index_cast %and3A_1032 : i32 to index
        %get3A_1037 = arith.constant 0 : index
        %get3A_1038 = tpu.vector_load %arg6[%get3A_1034, %get3A_1035, %get3A_1036, %get3A_1037] {strides = array<i32>} : memref<2x10x128x32xf32, #tpu.memory_space<vmem>>, vector<1x1x1x16xf32>,
        %get3A_1039 = vector.shape_cast %get3A_1038 : vector<1x1x1x16xf32> to vector<16xf32>
        %add3A_1040 = arith.addf %add3A_1018, %get3A_1039 : vector<16xf32>
        %get3A_1041 = arith.constant 0 : i32
        %get3A_1042 = arith.index_cast %get3A_1041 : i32 to index
        %get3A_1043 = arith.index_cast %shift_right_arithmetic3A_1030 : i32 to index
        %get3A_1044 = arith.index_cast %and3A_1032 : i32 to index
        %get3A_1045 = arith.constant 16 : index
        %get3A_1046 = tpu.vector_load %arg6[%get3A_1042, %get3A_1043, %get3A_1044, %get3A_1045] {strides = array<i32>} : memref<2x10x128x32xf32, #tpu.memory_space<vmem>>, vector<1x1x1x16xf32>,
        %get3A_1047 = vector.shape_cast %get3A_1046 : vector<1x1x1x16xf32> to vector<16xf32>
        %add3A_1048 = arith.addf %add3A_1026, %get3A_1047 : vector<16xf32>
        %swap3A = arith.constant 0 : i32
        %swap3A_1049 = arith.index_cast %swap3A : i32 to index
        %swap3A_1050 = arith.index_cast %scan3A_609 : i32 to index
        %swap3A_1051 = arith.constant 0 : index
        %swap3A_1052 = tpu.vector_load %arg7[%swap3A_1049, %swap3A_1050, %swap3A_1051] {strides = array<i32>} : memref<2x64x32xf32, #tpu.memory_space<vmem>>, vector<1x1x16xf32>,
        %swap3A_1053 = vector.shape_cast %swap3A_1052 : vector<1x1x16xf32> to vector<16xf32>
        %swap3A_1054 = vector.shape_cast %add3A_1040 : vector<16xf32> to vector<1x1x16xf32>
        tpu.vector_store %arg7[%swap3A_1049, %swap3A_1050, %swap3A_1051], %swap3A_1054 {strides = array<i32>} : memref<2x64x32xf32, #tpu.memory_space<vmem>>, vector<1x1x16xf32>,
        %swap3A_1055 = arith.constant 0 : i32
        %swap3A_1056 = arith.index_cast %swap3A_1055 : i32 to index
        %swap3A_1057 = arith.index_cast %scan3A_609 : i32 to index
        %swap3A_1058 = arith.constant 16 : index
        %swap3A_1059 = tpu.vector_load %arg7[%swap3A_1056, %swap3A_1057, %swap3A_1058] {strides = array<i32>} : memref<2x64x32xf32, #tpu.memory_space<vmem>>, vector<1x1x16xf32>,
        %swap3A_1060 = vector.shape_cast %swap3A_1059 : vector<1x1x16xf32> to vector<16xf32>
        %swap3A_1061 = vector.shape_cast %add3A_1048 : vector<16xf32> to vector<1x1x16xf32>
        tpu.vector_store %arg7[%swap3A_1056, %swap3A_1057, %swap3A_1058], %swap3A_1061 {strides = array<i32>} : memref<2x64x32xf32, #tpu.memory_space<vmem>>, vector<1x1x16xf32>,
      }
      %scan3A_439 = arith.constant 64 : i32
      %add3A_440 = arith.addi %mul3A_2, %add3A_294 : i32
      %mul3A_441 = arith.constant 64 : i32
      %mul3A_442 = arith.muli %add3A_440, %mul3A_441 : i32
      %run_scoped3A_443 = arith.constant 0 : i32
      "tpu.region"() ({
        %run_scoped3A_609 = tpu.sem_alloc : memref<!tpu.dma_semaphore, #tpu.memory_space<semaphore_mem>>
        %dma_start3A_610 = arith.constant 0 : i32
        %dma_start3A_611 = arith.constant 0 : i32
        %dma_start3A_612 = tpu.memref_slice %arg7[%run_scoped3A_443, %dma_start3A_610, %dma_start3A_611] : memref<2x64x32xf32, #tpu.memory_space<vmem>> -> memref<1x64x32xf32, #tpu.memory_space<vmem>>
        %dma_start3A_613 = tpu.memref_squeeze %dma_start3A_612 : memref<1x64x32xf32, #tpu.memory_space<vmem>> -> memref<64x32xf32, #tpu.memory_space<vmem>>
        %dma_start3A_614 = arith.constant 0 : i32
        %dma_start3A_615 = tpu.memref_slice %arg4[%mul3A_442, %dma_start3A_614] : memref<106496x32xf32, #tpu.memory_space<hbm>> -> memref<64x32xf32, #tpu.memory_space<hbm>>
        %dma_start3A_616 = arith.constant 0 : i32
        %dma_start3A_617 = tpu.memref_slice %arg4[%mul3A_442, %dma_start3A_616] : memref<106496x32xf32, #tpu.memory_space<hbm>> -> memref<64x32xf32, #tpu.memory_space<hbm>>
        %dma_start3A_618 = arith.constant 0 : i32
        %dma_start3A_619 = arith.constant 0 : i32
        %dma_start3A_620 = tpu.memref_slice %arg7[%run_scoped3A_443, %dma_start3A_618, %dma_start3A_619] : memref<2x64x32xf32, #tpu.memory_space<vmem>> -> memref<1x64x32xf32, #tpu.memory_space<vmem>>
        %dma_start3A_621 = tpu.memref_squeeze %dma_start3A_620 : memref<1x64x32xf32, #tpu.memory_space<vmem>> -> memref<64x32xf32, #tpu.memory_space<vmem>>
        tpu.enqueue_dma source(%dma_start3A_621 : memref<64x32xf32, #tpu.memory_space<vmem>>) target(%dma_start3A_617 : memref<64x32xf32, #tpu.memory_space<hbm>>) target_semaphore(%run_scoped3A_609 : memref<!tpu.dma_semaphore, #tpu.memory_space<semaphore_mem>>)
        %dma_wait3A_622 = arith.constant 0 : i32
        %dma_wait3A_623 = arith.constant 0 : i32
        %dma_wait3A_624 = tpu.memref_slice %arg7[%run_scoped3A_443, %dma_wait3A_622, %dma_wait3A_623] : memref<2x64x32xf32, #tpu.memory_space<vmem>> -> memref<1x64x32xf32, #tpu.memory_space<vmem>>
        %dma_wait3A_625 = tpu.memref_squeeze %dma_wait3A_624 : memref<1x64x32xf32, #tpu.memory_space<vmem>> -> memref<64x32xf32, #tpu.memory_space<vmem>>
        %dma_wait3A_626 = arith.constant 0 : i32
        %dma_wait3A_627 = tpu.memref_slice %arg4[%mul3A_442, %dma_wait3A_626] : memref<106496x32xf32, #tpu.memory_space<hbm>> -> memref<64x32xf32, #tpu.memory_space<hbm>>
        %dma_wait3A_628 = arith.constant 0 : i32
        %dma_wait3A_629 = tpu.memref_slice %arg4[%mul3A_442, %dma_wait3A_628] : memref<106496x32xf32, #tpu.memory_space<hbm>> -> memref<64x32xf32, #tpu.memory_space<hbm>>
        %dma_wait3A_630 = arith.constant 0 : i32
        %dma_wait3A_631 = arith.constant 0 : i32
        %dma_wait3A_632 = tpu.memref_slice %arg7[%run_scoped3A_443, %dma_wait3A_630, %dma_wait3A_631] : memref<2x64x32xf32, #tpu.memory_space<vmem>> -> memref<1x64x32xf32, #tpu.memory_space<vmem>>
        %dma_wait3A_633 = tpu.memref_squeeze %dma_wait3A_632 : memref<1x64x32xf32, #tpu.memory_space<vmem>> -> memref<64x32xf32, #tpu.memory_space<vmem>>
        tpu.wait_dma2 semaphore(%run_scoped3A_609 : memref<!tpu.dma_semaphore, #tpu.memory_space<semaphore_mem>>) src(%dma_wait3A_633 : memref<64x32xf32, #tpu.memory_space<vmem>>) dst(%dma_wait3A_629 : memref<64x32xf32, #tpu.memory_space<hbm>>)
        tpu.yield
      }) : () -> ()
      %add3A_444 = arith.constant 2 : i32
      %add3A_445 = arith.addi %add3A_294, %add3A_444 : i32
      %lt3A = arith.constant 52 : i32
      %lt3A_446 = arith.cmpi slt, %add3A_445, %lt3A : i32
      %convert_element_type3A = arith.extui %lt3A_446 : i1 to i32
      %cond3A = arith.constant 0 : i32
      %cond3A_447 = arith.cmpi ne, %convert_element_type3A, %cond3A : i32
      scf.if %cond3A_447 {
        %add3A_609 = arith.addi %mul3A_2, %add3A_445 : i32
        %run_scoped3A_610 = arith.constant 0 : i32
        "tpu.region"() ({
          %run_scoped3A_751 = tpu.sem_alloc : memref<!tpu.dma_semaphore, #tpu.memory_space<semaphore_mem>>
          %dma_start3A_752 = arith.constant 0 : i32
          %dma_start3A_753 = arith.constant 0 : i32
          %dma_start3A_754 = tpu.memref_slice %arg5[%run_scoped3A_610, %dma_start3A_752, %dma_start3A_753] : memref<2x10x128xi32, #tpu.memory_space<vmem>> -> memref<1x10x128xi32, #tpu.memory_space<vmem>>
          %dma_start3A_755 = tpu.memref_squeeze %dma_start3A_754 : memref<1x10x128xi32, #tpu.memory_space<vmem>> -> memref<10x128xi32, #tpu.memory_space<vmem>>
          %dma_start3A_756 = arith.constant 0 : i32
          %dma_start3A_757 = arith.constant 0 : i32
          %dma_start3A_758 = tpu.memref_slice %arg3[%add3A_609, %dma_start3A_756, %dma_start3A_757] : memref<1664x10x128xi32, #tpu.memory_space<hbm>> -> memref<1x10x128xi32, #tpu.memory_space<hbm>>
          %dma_start3A_759 = tpu.memref_squeeze %dma_start3A_758 : memref<1x10x128xi32, #tpu.memory_space<hbm>> -> memref<10x128xi32, #tpu.memory_space<hbm>>
          %dma_start3A_760 = arith.constant 0 : i32
          %dma_start3A_761 = arith.constant 0 : i32
          %dma_start3A_762 = tpu.memref_slice %arg5[%run_scoped3A_610, %dma_start3A_760, %dma_start3A_761] : memref<2x10x128xi32, #tpu.memory_space<vmem>> -> memref<1x10x128xi32, #tpu.memory_space<vmem>>
          %dma_start3A_763 = tpu.memref_squeeze %dma_start3A_762 : memref<1x10x128xi32, #tpu.memory_space<vmem>> -> memref<10x128xi32, #tpu.memory_space<vmem>>
          %dma_start3A_764 = arith.constant 0 : i32
          %dma_start3A_765 = arith.constant 0 : i32
          %dma_start3A_766 = tpu.memref_slice %arg3[%add3A_609, %dma_start3A_764, %dma_start3A_765] : memref<1664x10x128xi32, #tpu.memory_space<hbm>> -> memref<1x10x128xi32, #tpu.memory_space<hbm>>
          %dma_start3A_767 = tpu.memref_squeeze %dma_start3A_766 : memref<1x10x128xi32, #tpu.memory_space<hbm>> -> memref<10x128xi32, #tpu.memory_space<hbm>>
          tpu.enqueue_dma source(%dma_start3A_767 : memref<10x128xi32, #tpu.memory_space<hbm>>) target(%dma_start3A_763 : memref<10x128xi32, #tpu.memory_space<vmem>>) target_semaphore(%run_scoped3A_751 : memref<!tpu.dma_semaphore, #tpu.memory_space<semaphore_mem>>)
          %dma_wait3A_768 = arith.constant 0 : i32
          %dma_wait3A_769 = arith.constant 0 : i32
          %dma_wait3A_770 = tpu.memref_slice %arg5[%run_scoped3A_610, %dma_wait3A_768, %dma_wait3A_769] : memref<2x10x128xi32, #tpu.memory_space<vmem>> -> memref<1x10x128xi32, #tpu.memory_space<vmem>>
          %dma_wait3A_771 = tpu.memref_squeeze %dma_wait3A_770 : memref<1x10x128xi32, #tpu.memory_space<vmem>> -> memref<10x128xi32, #tpu.memory_space<vmem>>
          %dma_wait3A_772 = arith.constant 0 : i32
          %dma_wait3A_773 = arith.constant 0 : i32
          %dma_wait3A_774 = tpu.memref_slice %arg3[%add3A_609, %dma_wait3A_772, %dma_wait3A_773] : memref<1664x10x128xi32, #tpu.memory_space<hbm>> -> memref<1x10x128xi32, #tpu.memory_space<hbm>>
          %dma_wait3A_775 = tpu.memref_squeeze %dma_wait3A_774 : memref<1x10x128xi32, #tpu.memory_space<hbm>> -> memref<10x128xi32, #tpu.memory_space<hbm>>
          %dma_wait3A_776 = arith.constant 0 : i32
          %dma_wait3A_777 = arith.constant 0 : i32
          %dma_wait3A_778 = tpu.memref_slice %arg5[%run_scoped3A_610, %dma_wait3A_776, %dma_wait3A_777] : memref<2x10x128xi32, #tpu.memory_space<vmem>> -> memref<1x10x128xi32, #tpu.memory_space<vmem>>
          %dma_wait3A_779 = tpu.memref_squeeze %dma_wait3A_778 : memref<1x10x128xi32, #tpu.memory_space<vmem>> -> memref<10x128xi32, #tpu.memory_space<vmem>>
          %dma_wait3A_780 = arith.constant 0 : i32
          %dma_wait3A_781 = arith.constant 0 : i32
          %dma_wait3A_782 = tpu.memref_slice %arg3[%add3A_609, %dma_wait3A_780, %dma_wait3A_781] : memref<1664x10x128xi32, #tpu.memory_space<hbm>> -> memref<1x10x128xi32, #tpu.memory_space<hbm>>
          %dma_wait3A_783 = tpu.memref_squeeze %dma_wait3A_782 : memref<1x10x128xi32, #tpu.memory_space<hbm>> -> memref<10x128xi32, #tpu.memory_space<hbm>>
          tpu.wait_dma2 semaphore(%run_scoped3A_751 : memref<!tpu.dma_semaphore, #tpu.memory_space<semaphore_mem>>) src(%dma_wait3A_783 : memref<10x128xi32, #tpu.memory_space<hbm>>) dst(%dma_wait3A_779 : memref<10x128xi32, #tpu.memory_space<vmem>>)
          tpu.yield
        }) : () -> ()
        %dma_start3A_611 = arith.constant 0 : i32
        %dma_start3A_612 = arith.constant 0 : i32
        %dma_start3A_613 = arith.constant 0 : i32
        %dma_start3A_614 = arith.constant 0 : i32
        %dma_start3A_615 = arith.constant 0 : i32
        %dma_start3A_616 = arith.constant 0 : i32
        %dma_start3A_617 = tpu.memref_slice %arg6[%dma_start3A_613, %dma_start3A_614, %dma_start3A_615, %dma_start3A_616] : memref<2x10x128x32xf32, #tpu.memory_space<vmem>> -> memref<1x1x128x32xf32, #tpu.memory_space<vmem>>
        %dma_start3A_618 = tpu.memref_squeeze %dma_start3A_617 : memref<1x1x128x32xf32, #tpu.memory_space<vmem>> -> memref<128x32xf32, #tpu.memory_space<vmem>>
        %dma_start3A_619 = arith.constant 0 : i32
        %dma_start3A_620 = tpu.memref_slice %arg5[%dma_start3A_611, %dma_start3A_612, %dma_start3A_619] : memref<2x10x128xi32, #tpu.memory_space<vmem>> -> memref<1x1x128xi32, #tpu.memory_space<vmem>>
        %dma_start3A_621 = tpu.memref_squeeze %dma_start3A_620 : memref<1x1x128xi32, #tpu.memory_space<vmem>> -> memref<128xi32, #tpu.memory_space<vmem>>
        %dma_start3A_622 = arith.constant 0 : i32
        %dma_start3A_623 = arith.constant 0 : i32
        %dma_start3A_624 = tpu.memref_slice %arg2[%dma_start3A_622, %dma_start3A_623] : memref<2612480x32xf32, #tpu.memory_space<hbm>> -> memref<2612480x32xf32, #tpu.memory_space<hbm>>
        tpu.enqueue_indirect_dma source(%dma_start3A_624 : memref<2612480x32xf32, #tpu.memory_space<hbm>>) target(%dma_start3A_618 : memref<128x32xf32, #tpu.memory_space<vmem>>) offsets(%dma_start3A_621 : memref<128xi32, #tpu.memory_space<vmem>>) semaphore(%arg8 : memref<!tpu.dma_semaphore, #tpu.memory_space<semaphore_mem>>)
        %dma_start3A_625 = arith.constant 0 : i32
        %dma_start3A_626 = arith.constant 1 : i32
        %dma_start3A_627 = arith.constant 0 : i32
        %dma_start3A_628 = arith.constant 1 : i32
        %dma_start3A_629 = arith.constant 0 : i32
        %dma_start3A_630 = arith.constant 0 : i32
        %dma_start3A_631 = tpu.memref_slice %arg6[%dma_start3A_627, %dma_start3A_628, %dma_start3A_629, %dma_start3A_630] : memref<2x10x128x32xf32, #tpu.memory_space<vmem>> -> memref<1x1x128x32xf32, #tpu.memory_space<vmem>>
        %dma_start3A_632 = tpu.memref_squeeze %dma_start3A_631 : memref<1x1x128x32xf32, #tpu.memory_space<vmem>> -> memref<128x32xf32, #tpu.memory_space<vmem>>
        %dma_start3A_633 = arith.constant 0 : i32
        %dma_start3A_634 = tpu.memref_slice %arg5[%dma_start3A_625, %dma_start3A_626, %dma_start3A_633] : memref<2x10x128xi32, #tpu.memory_space<vmem>> -> memref<1x1x128xi32, #tpu.memory_space<vmem>>
        %dma_start3A_635 = tpu.memref_squeeze %dma_start3A_634 : memref<1x1x128xi32, #tpu.memory_space<vmem>> -> memref<128xi32, #tpu.memory_space<vmem>>
        %dma_start3A_636 = arith.constant 0 : i32
        %dma_start3A_637 = arith.constant 0 : i32
        %dma_start3A_638 = tpu.memref_slice %arg2[%dma_start3A_636, %dma_start3A_637] : memref<2612480x32xf32, #tpu.memory_space<hbm>> -> memref<2612480x32xf32, #tpu.memory_space<hbm>>
        tpu.enqueue_indirect_dma source(%dma_start3A_638 : memref<2612480x32xf32, #tpu.memory_space<hbm>>) target(%dma_start3A_632 : memref<128x32xf32, #tpu.memory_space<vmem>>) offsets(%dma_start3A_635 : memref<128xi32, #tpu.memory_space<vmem>>) semaphore(%arg8 : memref<!tpu.dma_semaphore, #tpu.memory_space<semaphore_mem>>)
        %dma_start3A_639 = arith.constant 0 : i32
        %dma_start3A_640 = arith.constant 2 : i32
        %dma_start3A_641 = arith.constant 0 : i32
        %dma_start3A_642 = arith.constant 2 : i32
        %dma_start3A_643 = arith.constant 0 : i32
        %dma_start3A_644 = arith.constant 0 : i32
        %dma_start3A_645 = tpu.memref_slice %arg6[%dma_start3A_641, %dma_start3A_642, %dma_start3A_643, %dma_start3A_644] : memref<2x10x128x32xf32, #tpu.memory_space<vmem>> -> memref<1x1x128x32xf32, #tpu.memory_space<vmem>>
        %dma_start3A_646 = tpu.memref_squeeze %dma_start3A_645 : memref<1x1x128x32xf32, #tpu.memory_space<vmem>> -> memref<128x32xf32, #tpu.memory_space<vmem>>
        %dma_start3A_647 = arith.constant 0 : i32
        %dma_start3A_648 = tpu.memref_slice %arg5[%dma_start3A_639, %dma_start3A_640, %dma_start3A_647] : memref<2x10x128xi32, #tpu.memory_space<vmem>> -> memref<1x1x128xi32, #tpu.memory_space<vmem>>
        %dma_start3A_649 = tpu.memref_squeeze %dma_start3A_648 : memref<1x1x128xi32, #tpu.memory_space<vmem>> -> memref<128xi32, #tpu.memory_space<vmem>>
        %dma_start3A_650 = arith.constant 0 : i32
        %dma_start3A_651 = arith.constant 0 : i32
        %dma_start3A_652 = tpu.memref_slice %arg2[%dma_start3A_650, %dma_start3A_651] : memref<2612480x32xf32, #tpu.memory_space<hbm>> -> memref<2612480x32xf32, #tpu.memory_space<hbm>>
        tpu.enqueue_indirect_dma source(%dma_start3A_652 : memref<2612480x32xf32, #tpu.memory_space<hbm>>) target(%dma_start3A_646 : memref<128x32xf32, #tpu.memory_space<vmem>>) offsets(%dma_start3A_649 : memref<128xi32, #tpu.memory_space<vmem>>) semaphore(%arg8 : memref<!tpu.dma_semaphore, #tpu.memory_space<semaphore_mem>>)
        %dma_start3A_653 = arith.constant 0 : i32
        %dma_start3A_654 = arith.constant 3 : i32
        %dma_start3A_655 = arith.constant 0 : i32
        %dma_start3A_656 = arith.constant 3 : i32
        %dma_start3A_657 = arith.constant 0 : i32
        %dma_start3A_658 = arith.constant 0 : i32
        %dma_start3A_659 = tpu.memref_slice %arg6[%dma_start3A_655, %dma_start3A_656, %dma_start3A_657, %dma_start3A_658] : memref<2x10x128x32xf32, #tpu.memory_space<vmem>> -> memref<1x1x128x32xf32, #tpu.memory_space<vmem>>
        %dma_start3A_660 = tpu.memref_squeeze %dma_start3A_659 : memref<1x1x128x32xf32, #tpu.memory_space<vmem>> -> memref<128x32xf32, #tpu.memory_space<vmem>>
        %dma_start3A_661 = arith.constant 0 : i32
        %dma_start3A_662 = tpu.memref_slice %arg5[%dma_start3A_653, %dma_start3A_654, %dma_start3A_661] : memref<2x10x128xi32, #tpu.memory_space<vmem>> -> memref<1x1x128xi32, #tpu.memory_space<vmem>>
        %dma_start3A_663 = tpu.memref_squeeze %dma_start3A_662 : memref<1x1x128xi32, #tpu.memory_space<vmem>> -> memref<128xi32, #tpu.memory_space<vmem>>
        %dma_start3A_664 = arith.constant 0 : i32
        %dma_start3A_665 = arith.constant 0 : i32
        %dma_start3A_666 = tpu.memref_slice %arg2[%dma_start3A_664, %dma_start3A_665] : memref<2612480x32xf32, #tpu.memory_space<hbm>> -> memref<2612480x32xf32, #tpu.memory_space<hbm>>
        tpu.enqueue_indirect_dma source(%dma_start3A_666 : memref<2612480x32xf32, #tpu.memory_space<hbm>>) target(%dma_start3A_660 : memref<128x32xf32, #tpu.memory_space<vmem>>) offsets(%dma_start3A_663 : memref<128xi32, #tpu.memory_space<vmem>>) semaphore(%arg8 : memref<!tpu.dma_semaphore, #tpu.memory_space<semaphore_mem>>)
        %dma_start3A_667 = arith.constant 0 : i32
        %dma_start3A_668 = arith.constant 4 : i32
        %dma_start3A_669 = arith.constant 0 : i32
        %dma_start3A_670 = arith.constant 4 : i32
        %dma_start3A_671 = arith.constant 0 : i32
        %dma_start3A_672 = arith.constant 0 : i32
        %dma_start3A_673 = tpu.memref_slice %arg6[%dma_start3A_669, %dma_start3A_670, %dma_start3A_671, %dma_start3A_672] : memref<2x10x128x32xf32, #tpu.memory_space<vmem>> -> memref<1x1x128x32xf32, #tpu.memory_space<vmem>>
        %dma_start3A_674 = tpu.memref_squeeze %dma_start3A_673 : memref<1x1x128x32xf32, #tpu.memory_space<vmem>> -> memref<128x32xf32, #tpu.memory_space<vmem>>
        %dma_start3A_675 = arith.constant 0 : i32
        %dma_start3A_676 = tpu.memref_slice %arg5[%dma_start3A_667, %dma_start3A_668, %dma_start3A_675] : memref<2x10x128xi32, #tpu.memory_space<vmem>> -> memref<1x1x128xi32, #tpu.memory_space<vmem>>
        %dma_start3A_677 = tpu.memref_squeeze %dma_start3A_676 : memref<1x1x128xi32, #tpu.memory_space<vmem>> -> memref<128xi32, #tpu.memory_space<vmem>>
        %dma_start3A_678 = arith.constant 0 : i32
        %dma_start3A_679 = arith.constant 0 : i32
        %dma_start3A_680 = tpu.memref_slice %arg2[%dma_start3A_678, %dma_start3A_679] : memref<2612480x32xf32, #tpu.memory_space<hbm>> -> memref<2612480x32xf32, #tpu.memory_space<hbm>>
        tpu.enqueue_indirect_dma source(%dma_start3A_680 : memref<2612480x32xf32, #tpu.memory_space<hbm>>) target(%dma_start3A_674 : memref<128x32xf32, #tpu.memory_space<vmem>>) offsets(%dma_start3A_677 : memref<128xi32, #tpu.memory_space<vmem>>) semaphore(%arg8 : memref<!tpu.dma_semaphore, #tpu.memory_space<semaphore_mem>>)
        %dma_start3A_681 = arith.constant 0 : i32
        %dma_start3A_682 = arith.constant 5 : i32
        %dma_start3A_683 = arith.constant 0 : i32
        %dma_start3A_684 = arith.constant 5 : i32
        %dma_start3A_685 = arith.constant 0 : i32
        %dma_start3A_686 = arith.constant 0 : i32
        %dma_start3A_687 = tpu.memref_slice %arg6[%dma_start3A_683, %dma_start3A_684, %dma_start3A_685, %dma_start3A_686] : memref<2x10x128x32xf32, #tpu.memory_space<vmem>> -> memref<1x1x128x32xf32, #tpu.memory_space<vmem>>
        %dma_start3A_688 = tpu.memref_squeeze %dma_start3A_687 : memref<1x1x128x32xf32, #tpu.memory_space<vmem>> -> memref<128x32xf32, #tpu.memory_space<vmem>>
        %dma_start3A_689 = arith.constant 0 : i32
        %dma_start3A_690 = tpu.memref_slice %arg5[%dma_start3A_681, %dma_start3A_682, %dma_start3A_689] : memref<2x10x128xi32, #tpu.memory_space<vmem>> -> memref<1x1x128xi32, #tpu.memory_space<vmem>>
        %dma_start3A_691 = tpu.memref_squeeze %dma_start3A_690 : memref<1x1x128xi32, #tpu.memory_space<vmem>> -> memref<128xi32, #tpu.memory_space<vmem>>
        %dma_start3A_692 = arith.constant 0 : i32
        %dma_start3A_693 = arith.constant 0 : i32
        %dma_start3A_694 = tpu.memref_slice %arg2[%dma_start3A_692, %dma_start3A_693] : memref<2612480x32xf32, #tpu.memory_space<hbm>> -> memref<2612480x32xf32, #tpu.memory_space<hbm>>
        tpu.enqueue_indirect_dma source(%dma_start3A_694 : memref<2612480x32xf32, #tpu.memory_space<hbm>>) target(%dma_start3A_688 : memref<128x32xf32, #tpu.memory_space<vmem>>) offsets(%dma_start3A_691 : memref<128xi32, #tpu.memory_space<vmem>>) semaphore(%arg8 : memref<!tpu.dma_semaphore, #tpu.memory_space<semaphore_mem>>)
        %dma_start3A_695 = arith.constant 0 : i32
        %dma_start3A_696 = arith.constant 6 : i32
        %dma_start3A_697 = arith.constant 0 : i32
        %dma_start3A_698 = arith.constant 6 : i32
        %dma_start3A_699 = arith.constant 0 : i32
        %dma_start3A_700 = arith.constant 0 : i32
        %dma_start3A_701 = tpu.memref_slice %arg6[%dma_start3A_697, %dma_start3A_698, %dma_start3A_699, %dma_start3A_700] : memref<2x10x128x32xf32, #tpu.memory_space<vmem>> -> memref<1x1x128x32xf32, #tpu.memory_space<vmem>>
        %dma_start3A_702 = tpu.memref_squeeze %dma_start3A_701 : memref<1x1x128x32xf32, #tpu.memory_space<vmem>> -> memref<128x32xf32, #tpu.memory_space<vmem>>
        %dma_start3A_703 = arith.constant 0 : i32
        %dma_start3A_704 = tpu.memref_slice %arg5[%dma_start3A_695, %dma_start3A_696, %dma_start3A_703] : memref<2x10x128xi32, #tpu.memory_space<vmem>> -> memref<1x1x128xi32, #tpu.memory_space<vmem>>
        %dma_start3A_705 = tpu.memref_squeeze %dma_start3A_704 : memref<1x1x128xi32, #tpu.memory_space<vmem>> -> memref<128xi32, #tpu.memory_space<vmem>>
        %dma_start3A_706 = arith.constant 0 : i32
        %dma_start3A_707 = arith.constant 0 : i32
        %dma_start3A_708 = tpu.memref_slice %arg2[%dma_start3A_706, %dma_start3A_707] : memref<2612480x32xf32, #tpu.memory_space<hbm>> -> memref<2612480x32xf32, #tpu.memory_space<hbm>>
        tpu.enqueue_indirect_dma source(%dma_start3A_708 : memref<2612480x32xf32, #tpu.memory_space<hbm>>) target(%dma_start3A_702 : memref<128x32xf32, #tpu.memory_space<vmem>>) offsets(%dma_start3A_705 : memref<128xi32, #tpu.memory_space<vmem>>) semaphore(%arg8 : memref<!tpu.dma_semaphore, #tpu.memory_space<semaphore_mem>>)
        %dma_start3A_709 = arith.constant 0 : i32
        %dma_start3A_710 = arith.constant 7 : i32
        %dma_start3A_711 = arith.constant 0 : i32
        %dma_start3A_712 = arith.constant 7 : i32
        %dma_start3A_713 = arith.constant 0 : i32
        %dma_start3A_714 = arith.constant 0 : i32
        %dma_start3A_715 = tpu.memref_slice %arg6[%dma_start3A_711, %dma_start3A_712, %dma_start3A_713, %dma_start3A_714] : memref<2x10x128x32xf32, #tpu.memory_space<vmem>> -> memref<1x1x128x32xf32, #tpu.memory_space<vmem>>
        %dma_start3A_716 = tpu.memref_squeeze %dma_start3A_715 : memref<1x1x128x32xf32, #tpu.memory_space<vmem>> -> memref<128x32xf32, #tpu.memory_space<vmem>>
        %dma_start3A_717 = arith.constant 0 : i32
        %dma_start3A_718 = tpu.memref_slice %arg5[%dma_start3A_709, %dma_start3A_710, %dma_start3A_717] : memref<2x10x128xi32, #tpu.memory_space<vmem>> -> memref<1x1x128xi32, #tpu.memory_space<vmem>>
        %dma_start3A_719 = tpu.memref_squeeze %dma_start3A_718 : memref<1x1x128xi32, #tpu.memory_space<vmem>> -> memref<128xi32, #tpu.memory_space<vmem>>
        %dma_start3A_720 = arith.constant 0 : i32
        %dma_start3A_721 = arith.constant 0 : i32
        %dma_start3A_722 = tpu.memref_slice %arg2[%dma_start3A_720, %dma_start3A_721] : memref<2612480x32xf32, #tpu.memory_space<hbm>> -> memref<2612480x32xf32, #tpu.memory_space<hbm>>
        tpu.enqueue_indirect_dma source(%dma_start3A_722 : memref<2612480x32xf32, #tpu.memory_space<hbm>>) target(%dma_start3A_716 : memref<128x32xf32, #tpu.memory_space<vmem>>) offsets(%dma_start3A_719 : memref<128xi32, #tpu.memory_space<vmem>>) semaphore(%arg8 : memref<!tpu.dma_semaphore, #tpu.memory_space<semaphore_mem>>)
        %dma_start3A_723 = arith.constant 0 : i32
        %dma_start3A_724 = arith.constant 8 : i32
        %dma_start3A_725 = arith.constant 0 : i32
        %dma_start3A_726 = arith.constant 8 : i32
        %dma_start3A_727 = arith.constant 0 : i32
        %dma_start3A_728 = arith.constant 0 : i32
        %dma_start3A_729 = tpu.memref_slice %arg6[%dma_start3A_725, %dma_start3A_726, %dma_start3A_727, %dma_start3A_728] : memref<2x10x128x32xf32, #tpu.memory_space<vmem>> -> memref<1x1x128x32xf32, #tpu.memory_space<vmem>>
        %dma_start3A_730 = tpu.memref_squeeze %dma_start3A_729 : memref<1x1x128x32xf32, #tpu.memory_space<vmem>> -> memref<128x32xf32, #tpu.memory_space<vmem>>
        %dma_start3A_731 = arith.constant 0 : i32
        %dma_start3A_732 = tpu.memref_slice %arg5[%dma_start3A_723, %dma_start3A_724, %dma_start3A_731] : memref<2x10x128xi32, #tpu.memory_space<vmem>> -> memref<1x1x128xi32, #tpu.memory_space<vmem>>
        %dma_start3A_733 = tpu.memref_squeeze %dma_start3A_732 : memref<1x1x128xi32, #tpu.memory_space<vmem>> -> memref<128xi32, #tpu.memory_space<vmem>>
        %dma_start3A_734 = arith.constant 0 : i32
        %dma_start3A_735 = arith.constant 0 : i32
        %dma_start3A_736 = tpu.memref_slice %arg2[%dma_start3A_734, %dma_start3A_735] : memref<2612480x32xf32, #tpu.memory_space<hbm>> -> memref<2612480x32xf32, #tpu.memory_space<hbm>>
        tpu.enqueue_indirect_dma source(%dma_start3A_736 : memref<2612480x32xf32, #tpu.memory_space<hbm>>) target(%dma_start3A_730 : memref<128x32xf32, #tpu.memory_space<vmem>>) offsets(%dma_start3A_733 : memref<128xi32, #tpu.memory_space<vmem>>) semaphore(%arg8 : memref<!tpu.dma_semaphore, #tpu.memory_space<semaphore_mem>>)
        %dma_start3A_737 = arith.constant 0 : i32
        %dma_start3A_738 = arith.constant 9 : i32
        %dma_start3A_739 = arith.constant 0 : i32
        %dma_start3A_740 = arith.constant 9 : i32
        %dma_start3A_741 = arith.constant 0 : i32
        %dma_start3A_742 = arith.constant 0 : i32
        %dma_start3A_743 = tpu.memref_slice %arg6[%dma_start3A_739, %dma_start3A_740, %dma_start3A_741, %dma_start3A_742] : memref<2x10x128x32xf32, #tpu.memory_space<vmem>> -> memref<1x1x128x32xf32, #tpu.memory_space<vmem>>
        %dma_start3A_744 = tpu.memref_squeeze %dma_start3A_743 : memref<1x1x128x32xf32, #tpu.memory_space<vmem>> -> memref<128x32xf32, #tpu.memory_space<vmem>>
        %dma_start3A_745 = arith.constant 0 : i32
        %dma_start3A_746 = tpu.memref_slice %arg5[%dma_start3A_737, %dma_start3A_738, %dma_start3A_745] : memref<2x10x128xi32, #tpu.memory_space<vmem>> -> memref<1x1x128xi32, #tpu.memory_space<vmem>>
        %dma_start3A_747 = tpu.memref_squeeze %dma_start3A_746 : memref<1x1x128xi32, #tpu.memory_space<vmem>> -> memref<128xi32, #tpu.memory_space<vmem>>
        %dma_start3A_748 = arith.constant 0 : i32
        %dma_start3A_749 = arith.constant 0 : i32
        %dma_start3A_750 = tpu.memref_slice %arg2[%dma_start3A_748, %dma_start3A_749] : memref<2612480x32xf32, #tpu.memory_space<hbm>> -> memref<2612480x32xf32, #tpu.memory_space<hbm>>
        tpu.enqueue_indirect_dma source(%dma_start3A_750 : memref<2612480x32xf32, #tpu.memory_space<hbm>>) target(%dma_start3A_744 : memref<128x32xf32, #tpu.memory_space<vmem>>) offsets(%dma_start3A_747 : memref<128xi32, #tpu.memory_space<vmem>>) semaphore(%arg8 : memref<!tpu.dma_semaphore, #tpu.memory_space<semaphore_mem>>)
      } else {
      }
      %mul3A_448 = arith.constant 2 : i32
      %mul3A_449 = arith.muli %scan3A_290, %mul3A_448 : i32
      %add3A_450 = arith.constant 1 : i32
      %add3A_451 = arith.addi %mul3A_449, %add3A_450 : i32
      %dma_wait3A_452 = arith.constant 1 : i32
      %dma_wait3A_453 = arith.constant 0 : i32
      %dma_wait3A_454 = arith.constant 1 : i32
      %dma_wait3A_455 = arith.constant 0 : i32
      %dma_wait3A_456 = arith.constant 0 : i32
      %dma_wait3A_457 = arith.constant 0 : i32
      %dma_wait3A_458 = tpu.memref_slice %arg6[%dma_wait3A_454, %dma_wait3A_455, %dma_wait3A_456, %dma_wait3A_457] : memref<2x10x128x32xf32, #tpu.memory_space<vmem>> -> memref<1x1x128x32xf32, #tpu.memory_space<vmem>>
      %dma_wait3A_459 = tpu.memref_squeeze %dma_wait3A_458 : memref<1x1x128x32xf32, #tpu.memory_space<vmem>> -> memref<128x32xf32, #tpu.memory_space<vmem>>
      %dma_wait3A_460 = arith.constant 0 : i32
      %dma_wait3A_461 = tpu.memref_slice %arg5[%dma_wait3A_452, %dma_wait3A_453, %dma_wait3A_460] : memref<2x10x128xi32, #tpu.memory_space<vmem>> -> memref<1x1x128xi32, #tpu.memory_space<vmem>>
      %dma_wait3A_462 = tpu.memref_squeeze %dma_wait3A_461 : memref<1x1x128xi32, #tpu.memory_space<vmem>> -> memref<128xi32, #tpu.memory_space<vmem>>
      %dma_wait3A_463 = arith.constant 0 : i32
      %dma_wait3A_464 = arith.constant 0 : i32
      %dma_wait3A_465 = tpu.memref_slice %arg2[%dma_wait3A_463, %dma_wait3A_464] : memref<2612480x32xf32, #tpu.memory_space<hbm>> -> memref<2612480x32xf32, #tpu.memory_space<hbm>>
      tpu.wait_indirect_dma semaphore(%arg9 : memref<!tpu.dma_semaphore, #tpu.memory_space<semaphore_mem>>) src(%dma_wait3A_465 : memref<2612480x32xf32, #tpu.memory_space<hbm>>) dst(%dma_wait3A_459 : memref<128x32xf32, #tpu.memory_space<vmem>>)
      %dma_wait3A_466 = arith.constant 1 : i32
      %dma_wait3A_467 = arith.constant 1 : i32
      %dma_wait3A_468 = arith.constant 1 : i32
      %dma_wait3A_469 = arith.constant 1 : i32
      %dma_wait3A_470 = arith.constant 0 : i32
      %dma_wait3A_471 = arith.constant 0 : i32
      %dma_wait3A_472 = tpu.memref_slice %arg6[%dma_wait3A_468, %dma_wait3A_469, %dma_wait3A_470, %dma_wait3A_471] : memref<2x10x128x32xf32, #tpu.memory_space<vmem>> -> memref<1x1x128x32xf32, #tpu.memory_space<vmem>>
      %dma_wait3A_473 = tpu.memref_squeeze %dma_wait3A_472 : memref<1x1x128x32xf32, #tpu.memory_space<vmem>> -> memref<128x32xf32, #tpu.memory_space<vmem>>
      %dma_wait3A_474 = arith.constant 0 : i32
      %dma_wait3A_475 = tpu.memref_slice %arg5[%dma_wait3A_466, %dma_wait3A_467, %dma_wait3A_474] : memref<2x10x128xi32, #tpu.memory_space<vmem>> -> memref<1x1x128xi32, #tpu.memory_space<vmem>>
      %dma_wait3A_476 = tpu.memref_squeeze %dma_wait3A_475 : memref<1x1x128xi32, #tpu.memory_space<vmem>> -> memref<128xi32, #tpu.memory_space<vmem>>
      %dma_wait3A_477 = arith.constant 0 : i32
      %dma_wait3A_478 = arith.constant 0 : i32
      %dma_wait3A_479 = tpu.memref_slice %arg2[%dma_wait3A_477, %dma_wait3A_478] : memref<2612480x32xf32, #tpu.memory_space<hbm>> -> memref<2612480x32xf32, #tpu.memory_space<hbm>>
      tpu.wait_indirect_dma semaphore(%arg9 : memref<!tpu.dma_semaphore, #tpu.memory_space<semaphore_mem>>) src(%dma_wait3A_479 : memref<2612480x32xf32, #tpu.memory_space<hbm>>) dst(%dma_wait3A_473 : memref<128x32xf32, #tpu.memory_space<vmem>>)
      %dma_wait3A_480 = arith.constant 1 : i32
      %dma_wait3A_481 = arith.constant 2 : i32
      %dma_wait3A_482 = arith.constant 1 : i32
      %dma_wait3A_483 = arith.constant 2 : i32
      %dma_wait3A_484 = arith.constant 0 : i32
      %dma_wait3A_485 = arith.constant 0 : i32
      %dma_wait3A_486 = tpu.memref_slice %arg6[%dma_wait3A_482, %dma_wait3A_483, %dma_wait3A_484, %dma_wait3A_485] : memref<2x10x128x32xf32, #tpu.memory_space<vmem>> -> memref<1x1x128x32xf32, #tpu.memory_space<vmem>>
      %dma_wait3A_487 = tpu.memref_squeeze %dma_wait3A_486 : memref<1x1x128x32xf32, #tpu.memory_space<vmem>> -> memref<128x32xf32, #tpu.memory_space<vmem>>
      %dma_wait3A_488 = arith.constant 0 : i32
      %dma_wait3A_489 = tpu.memref_slice %arg5[%dma_wait3A_480, %dma_wait3A_481, %dma_wait3A_488] : memref<2x10x128xi32, #tpu.memory_space<vmem>> -> memref<1x1x128xi32, #tpu.memory_space<vmem>>
      %dma_wait3A_490 = tpu.memref_squeeze %dma_wait3A_489 : memref<1x1x128xi32, #tpu.memory_space<vmem>> -> memref<128xi32, #tpu.memory_space<vmem>>
      %dma_wait3A_491 = arith.constant 0 : i32
      %dma_wait3A_492 = arith.constant 0 : i32
      %dma_wait3A_493 = tpu.memref_slice %arg2[%dma_wait3A_491, %dma_wait3A_492] : memref<2612480x32xf32, #tpu.memory_space<hbm>> -> memref<2612480x32xf32, #tpu.memory_space<hbm>>
      tpu.wait_indirect_dma semaphore(%arg9 : memref<!tpu.dma_semaphore, #tpu.memory_space<semaphore_mem>>) src(%dma_wait3A_493 : memref<2612480x32xf32, #tpu.memory_space<hbm>>) dst(%dma_wait3A_487 : memref<128x32xf32, #tpu.memory_space<vmem>>)
      %dma_wait3A_494 = arith.constant 1 : i32
      %dma_wait3A_495 = arith.constant 3 : i32
      %dma_wait3A_496 = arith.constant 1 : i32
      %dma_wait3A_497 = arith.constant 3 : i32
      %dma_wait3A_498 = arith.constant 0 : i32
      %dma_wait3A_499 = arith.constant 0 : i32
      %dma_wait3A_500 = tpu.memref_slice %arg6[%dma_wait3A_496, %dma_wait3A_497, %dma_wait3A_498, %dma_wait3A_499] : memref<2x10x128x32xf32, #tpu.memory_space<vmem>> -> memref<1x1x128x32xf32, #tpu.memory_space<vmem>>
      %dma_wait3A_501 = tpu.memref_squeeze %dma_wait3A_500 : memref<1x1x128x32xf32, #tpu.memory_space<vmem>> -> memref<128x32xf32, #tpu.memory_space<vmem>>
      %dma_wait3A_502 = arith.constant 0 : i32
      %dma_wait3A_503 = tpu.memref_slice %arg5[%dma_wait3A_494, %dma_wait3A_495, %dma_wait3A_502] : memref<2x10x128xi32, #tpu.memory_space<vmem>> -> memref<1x1x128xi32, #tpu.memory_space<vmem>>
      %dma_wait3A_504 = tpu.memref_squeeze %dma_wait3A_503 : memref<1x1x128xi32, #tpu.memory_space<vmem>> -> memref<128xi32, #tpu.memory_space<vmem>>
      %dma_wait3A_505 = arith.constant 0 : i32
      %dma_wait3A_506 = arith.constant 0 : i32
      %dma_wait3A_507 = tpu.memref_slice %arg2[%dma_wait3A_505, %dma_wait3A_506] : memref<2612480x32xf32, #tpu.memory_space<hbm>> -> memref<2612480x32xf32, #tpu.memory_space<hbm>>
      tpu.wait_indirect_dma semaphore(%arg9 : memref<!tpu.dma_semaphore, #tpu.memory_space<semaphore_mem>>) src(%dma_wait3A_507 : memref<2612480x32xf32, #tpu.memory_space<hbm>>) dst(%dma_wait3A_501 : memref<128x32xf32, #tpu.memory_space<vmem>>)
      %dma_wait3A_508 = arith.constant 1 : i32
      %dma_wait3A_509 = arith.constant 4 : i32
      %dma_wait3A_510 = arith.constant 1 : i32
      %dma_wait3A_511 = arith.constant 4 : i32
      %dma_wait3A_512 = arith.constant 0 : i32
      %dma_wait3A_513 = arith.constant 0 : i32
      %dma_wait3A_514 = tpu.memref_slice %arg6[%dma_wait3A_510, %dma_wait3A_511, %dma_wait3A_512, %dma_wait3A_513] : memref<2x10x128x32xf32, #tpu.memory_space<vmem>> -> memref<1x1x128x32xf32, #tpu.memory_space<vmem>>
      %dma_wait3A_515 = tpu.memref_squeeze %dma_wait3A_514 : memref<1x1x128x32xf32, #tpu.memory_space<vmem>> -> memref<128x32xf32, #tpu.memory_space<vmem>>
      %dma_wait3A_516 = arith.constant 0 : i32
      %dma_wait3A_517 = tpu.memref_slice %arg5[%dma_wait3A_508, %dma_wait3A_509, %dma_wait3A_516] : memref<2x10x128xi32, #tpu.memory_space<vmem>> -> memref<1x1x128xi32, #tpu.memory_space<vmem>>
      %dma_wait3A_518 = tpu.memref_squeeze %dma_wait3A_517 : memref<1x1x128xi32, #tpu.memory_space<vmem>> -> memref<128xi32, #tpu.memory_space<vmem>>
      %dma_wait3A_519 = arith.constant 0 : i32
      %dma_wait3A_520 = arith.constant 0 : i32
      %dma_wait3A_521 = tpu.memref_slice %arg2[%dma_wait3A_519, %dma_wait3A_520] : memref<2612480x32xf32, #tpu.memory_space<hbm>> -> memref<2612480x32xf32, #tpu.memory_space<hbm>>
      tpu.wait_indirect_dma semaphore(%arg9 : memref<!tpu.dma_semaphore, #tpu.memory_space<semaphore_mem>>) src(%dma_wait3A_521 : memref<2612480x32xf32, #tpu.memory_space<hbm>>) dst(%dma_wait3A_515 : memref<128x32xf32, #tpu.memory_space<vmem>>)
      %dma_wait3A_522 = arith.constant 1 : i32
      %dma_wait3A_523 = arith.constant 5 : i32
      %dma_wait3A_524 = arith.constant 1 : i32
      %dma_wait3A_525 = arith.constant 5 : i32
      %dma_wait3A_526 = arith.constant 0 : i32
      %dma_wait3A_527 = arith.constant 0 : i32
      %dma_wait3A_528 = tpu.memref_slice %arg6[%dma_wait3A_524, %dma_wait3A_525, %dma_wait3A_526, %dma_wait3A_527] : memref<2x10x128x32xf32, #tpu.memory_space<vmem>> -> memref<1x1x128x32xf32, #tpu.memory_space<vmem>>
      %dma_wait3A_529 = tpu.memref_squeeze %dma_wait3A_528 : memref<1x1x128x32xf32, #tpu.memory_space<vmem>> -> memref<128x32xf32, #tpu.memory_space<vmem>>
      %dma_wait3A_530 = arith.constant 0 : i32
      %dma_wait3A_531 = tpu.memref_slice %arg5[%dma_wait3A_522, %dma_wait3A_523, %dma_wait3A_530] : memref<2x10x128xi32, #tpu.memory_space<vmem>> -> memref<1x1x128xi32, #tpu.memory_space<vmem>>
      %dma_wait3A_532 = tpu.memref_squeeze %dma_wait3A_531 : memref<1x1x128xi32, #tpu.memory_space<vmem>> -> memref<128xi32, #tpu.memory_space<vmem>>
      %dma_wait3A_533 = arith.constant 0 : i32
      %dma_wait3A_534 = arith.constant 0 : i32
      %dma_wait3A_535 = tpu.memref_slice %arg2[%dma_wait3A_533, %dma_wait3A_534] : memref<2612480x32xf32, #tpu.memory_space<hbm>> -> memref<2612480x32xf32, #tpu.memory_space<hbm>>
      tpu.wait_indirect_dma semaphore(%arg9 : memref<!tpu.dma_semaphore, #tpu.memory_space<semaphore_mem>>) src(%dma_wait3A_535 : memref<2612480x32xf32, #tpu.memory_space<hbm>>) dst(%dma_wait3A_529 : memref<128x32xf32, #tpu.memory_space<vmem>>)
      %dma_wait3A_536 = arith.constant 1 : i32
      %dma_wait3A_537 = arith.constant 6 : i32
      %dma_wait3A_538 = arith.constant 1 : i32
      %dma_wait3A_539 = arith.constant 6 : i32
      %dma_wait3A_540 = arith.constant 0 : i32
      %dma_wait3A_541 = arith.constant 0 : i32
      %dma_wait3A_542 = tpu.memref_slice %arg6[%dma_wait3A_538, %dma_wait3A_539, %dma_wait3A_540, %dma_wait3A_541] : memref<2x10x128x32xf32, #tpu.memory_space<vmem>> -> memref<1x1x128x32xf32, #tpu.memory_space<vmem>>
      %dma_wait3A_543 = tpu.memref_squeeze %dma_wait3A_542 : memref<1x1x128x32xf32, #tpu.memory_space<vmem>> -> memref<128x32xf32, #tpu.memory_space<vmem>>
      %dma_wait3A_544 = arith.constant 0 : i32
      %dma_wait3A_545 = tpu.memref_slice %arg5[%dma_wait3A_536, %dma_wait3A_537, %dma_wait3A_544] : memref<2x10x128xi32, #tpu.memory_space<vmem>> -> memref<1x1x128xi32, #tpu.memory_space<vmem>>
      %dma_wait3A_546 = tpu.memref_squeeze %dma_wait3A_545 : memref<1x1x128xi32, #tpu.memory_space<vmem>> -> memref<128xi32, #tpu.memory_space<vmem>>
      %dma_wait3A_547 = arith.constant 0 : i32
      %dma_wait3A_548 = arith.constant 0 : i32
      %dma_wait3A_549 = tpu.memref_slice %arg2[%dma_wait3A_547, %dma_wait3A_548] : memref<2612480x32xf32, #tpu.memory_space<hbm>> -> memref<2612480x32xf32, #tpu.memory_space<hbm>>
      tpu.wait_indirect_dma semaphore(%arg9 : memref<!tpu.dma_semaphore, #tpu.memory_space<semaphore_mem>>) src(%dma_wait3A_549 : memref<2612480x32xf32, #tpu.memory_space<hbm>>) dst(%dma_wait3A_543 : memref<128x32xf32, #tpu.memory_space<vmem>>)
      %dma_wait3A_550 = arith.constant 1 : i32
      %dma_wait3A_551 = arith.constant 7 : i32
      %dma_wait3A_552 = arith.constant 1 : i32
      %dma_wait3A_553 = arith.constant 7 : i32
      %dma_wait3A_554 = arith.constant 0 : i32
      %dma_wait3A_555 = arith.constant 0 : i32
      %dma_wait3A_556 = tpu.memref_slice %arg6[%dma_wait3A_552, %dma_wait3A_553, %dma_wait3A_554, %dma_wait3A_555] : memref<2x10x128x32xf32, #tpu.memory_space<vmem>> -> memref<1x1x128x32xf32, #tpu.memory_space<vmem>>
      %dma_wait3A_557 = tpu.memref_squeeze %dma_wait3A_556 : memref<1x1x128x32xf32, #tpu.memory_space<vmem>> -> memref<128x32xf32, #tpu.memory_space<vmem>>
      %dma_wait3A_558 = arith.constant 0 : i32
      %dma_wait3A_559 = tpu.memref_slice %arg5[%dma_wait3A_550, %dma_wait3A_551, %dma_wait3A_558] : memref<2x10x128xi32, #tpu.memory_space<vmem>> -> memref<1x1x128xi32, #tpu.memory_space<vmem>>
      %dma_wait3A_560 = tpu.memref_squeeze %dma_wait3A_559 : memref<1x1x128xi32, #tpu.memory_space<vmem>> -> memref<128xi32, #tpu.memory_space<vmem>>
      %dma_wait3A_561 = arith.constant 0 : i32
      %dma_wait3A_562 = arith.constant 0 : i32
      %dma_wait3A_563 = tpu.memref_slice %arg2[%dma_wait3A_561, %dma_wait3A_562] : memref<2612480x32xf32, #tpu.memory_space<hbm>> -> memref<2612480x32xf32, #tpu.memory_space<hbm>>
      tpu.wait_indirect_dma semaphore(%arg9 : memref<!tpu.dma_semaphore, #tpu.memory_space<semaphore_mem>>) src(%dma_wait3A_563 : memref<2612480x32xf32, #tpu.memory_space<hbm>>) dst(%dma_wait3A_557 : memref<128x32xf32, #tpu.memory_space<vmem>>)
      %dma_wait3A_564 = arith.constant 1 : i32
      %dma_wait3A_565 = arith.constant 8 : i32
      %dma_wait3A_566 = arith.constant 1 : i32
      %dma_wait3A_567 = arith.constant 8 : i32
      %dma_wait3A_568 = arith.constant 0 : i32
      %dma_wait3A_569 = arith.constant 0 : i32
      %dma_wait3A_570 = tpu.memref_slice %arg6[%dma_wait3A_566, %dma_wait3A_567, %dma_wait3A_568, %dma_wait3A_569] : memref<2x10x128x32xf32, #tpu.memory_space<vmem>> -> memref<1x1x128x32xf32, #tpu.memory_space<vmem>>
      %dma_wait3A_571 = tpu.memref_squeeze %dma_wait3A_570 : memref<1x1x128x32xf32, #tpu.memory_space<vmem>> -> memref<128x32xf32, #tpu.memory_space<vmem>>
      %dma_wait3A_572 = arith.constant 0 : i32
      %dma_wait3A_573 = tpu.memref_slice %arg5[%dma_wait3A_564, %dma_wait3A_565, %dma_wait3A_572] : memref<2x10x128xi32, #tpu.memory_space<vmem>> -> memref<1x1x128xi32, #tpu.memory_space<vmem>>
      %dma_wait3A_574 = tpu.memref_squeeze %dma_wait3A_573 : memref<1x1x128xi32, #tpu.memory_space<vmem>> -> memref<128xi32, #tpu.memory_space<vmem>>
      %dma_wait3A_575 = arith.constant 0 : i32
      %dma_wait3A_576 = arith.constant 0 : i32
      %dma_wait3A_577 = tpu.memref_slice %arg2[%dma_wait3A_575, %dma_wait3A_576] : memref<2612480x32xf32, #tpu.memory_space<hbm>> -> memref<2612480x32xf32, #tpu.memory_space<hbm>>
      tpu.wait_indirect_dma semaphore(%arg9 : memref<!tpu.dma_semaphore, #tpu.memory_space<semaphore_mem>>) src(%dma_wait3A_577 : memref<2612480x32xf32, #tpu.memory_space<hbm>>) dst(%dma_wait3A_571 : memref<128x32xf32, #tpu.memory_space<vmem>>)
      %dma_wait3A_578 = arith.constant 1 : i32
      %dma_wait3A_579 = arith.constant 9 : i32
      %dma_wait3A_580 = arith.constant 1 : i32
      %dma_wait3A_581 = arith.constant 9 : i32
      %dma_wait3A_582 = arith.constant 0 : i32
      %dma_wait3A_583 = arith.constant 0 : i32
      %dma_wait3A_584 = tpu.memref_slice %arg6[%dma_wait3A_580, %dma_wait3A_581, %dma_wait3A_582, %dma_wait3A_583] : memref<2x10x128x32xf32, #tpu.memory_space<vmem>> -> memref<1x1x128x32xf32, #tpu.memory_space<vmem>>
      %dma_wait3A_585 = tpu.memref_squeeze %dma_wait3A_584 : memref<1x1x128x32xf32, #tpu.memory_space<vmem>> -> memref<128x32xf32, #tpu.memory_space<vmem>>
      %dma_wait3A_586 = arith.constant 0 : i32
      %dma_wait3A_587 = tpu.memref_slice %arg5[%dma_wait3A_578, %dma_wait3A_579, %dma_wait3A_586] : memref<2x10x128xi32, #tpu.memory_space<vmem>> -> memref<1x1x128xi32, #tpu.memory_space<vmem>>
      %dma_wait3A_588 = tpu.memref_squeeze %dma_wait3A_587 : memref<1x1x128xi32, #tpu.memory_space<vmem>> -> memref<128xi32, #tpu.memory_space<vmem>>
      %dma_wait3A_589 = arith.constant 0 : i32
      %dma_wait3A_590 = arith.constant 0 : i32
      %dma_wait3A_591 = tpu.memref_slice %arg2[%dma_wait3A_589, %dma_wait3A_590] : memref<2612480x32xf32, #tpu.memory_space<hbm>> -> memref<2612480x32xf32, #tpu.memory_space<hbm>>
      tpu.wait_indirect_dma semaphore(%arg9 : memref<!tpu.dma_semaphore, #tpu.memory_space<semaphore_mem>>) src(%dma_wait3A_591 : memref<2612480x32xf32, #tpu.memory_space<hbm>>) dst(%dma_wait3A_585 : memref<128x32xf32, #tpu.memory_space<vmem>>)
      %scan3A_592 = arith.constant 0 : i32
      %scan3A_593 = arith.constant 0 : i32
      %scan3A_594 = arith.constant 64 : i32
      %scan3A_595 = arith.addi %scan3A_593, %scan3A_594 : i32
      %scan3A_596 = arith.constant 1 : i32
      scf.for %scan3A_609 = %scan3A_593 to %scan3A_595 step %scan3A_596  : i32 {
        %mul3A_610 = arith.constant 20 : i32
        %mul3A_611 = arith.muli %scan3A_609, %mul3A_610 : i32
        %shift_right_arithmetic3A = arith.constant 7 : i32
        %shift_right_arithmetic3A_612 = arith.shrsi %mul3A_611, %shift_right_arithmetic3A : i32
        %and3A = arith.constant 127 : i32
        %and3A_613 = arith.andi %mul3A_611, %and3A : i32
        %get3A = arith.constant 1 : i32
        %get3A_614 = arith.index_cast %get3A : i32 to index
        %get3A_615 = arith.index_cast %shift_right_arithmetic3A_612 : i32 to index
        %get3A_616 = arith.index_cast %and3A_613 : i32 to index
        %get3A_617 = arith.constant 0 : index
        %get3A_618 = tpu.vector_load %arg6[%get3A_614, %get3A_615, %get3A_616, %get3A_617] {strides = array<i32>} : memref<2x10x128x32xf32, #tpu.memory_space<vmem>>, vector<1x1x1x16xf32>,
        %get3A_619 = vector.shape_cast %get3A_618 : vector<1x1x1x16xf32> to vector<16xf32>
        %shift_right_arithmetic3A_620 = arith.constant 7 : i32
        %shift_right_arithmetic3A_621 = arith.shrsi %mul3A_611, %shift_right_arithmetic3A_620 : i32
        %and3A_622 = arith.constant 127 : i32
        %and3A_623 = arith.andi %mul3A_611, %and3A_622 : i32
        %get3A_624 = arith.constant 1 : i32
        %get3A_625 = arith.index_cast %get3A_624 : i32 to index
        %get3A_626 = arith.index_cast %shift_right_arithmetic3A_621 : i32 to index
        %get3A_627 = arith.index_cast %and3A_623 : i32 to index
        %get3A_628 = arith.constant 16 : index
        %get3A_629 = tpu.vector_load %arg6[%get3A_625, %get3A_626, %get3A_627, %get3A_628] {strides = array<i32>} : memref<2x10x128x32xf32, #tpu.memory_space<vmem>>, vector<1x1x1x16xf32>,
        %get3A_630 = vector.shape_cast %get3A_629 : vector<1x1x1x16xf32> to vector<16xf32>
        %add3A_631 = arith.constant 1 : i32
        %add3A_632 = arith.addi %mul3A_611, %add3A_631 : i32
        %shift_right_arithmetic3A_633 = arith.constant 7 : i32
        %shift_right_arithmetic3A_634 = arith.shrsi %add3A_632, %shift_right_arithmetic3A_633 : i32
        %and3A_635 = arith.constant 127 : i32
        %and3A_636 = arith.andi %add3A_632, %and3A_635 : i32
        %get3A_637 = arith.constant 1 : i32
        %get3A_638 = arith.index_cast %get3A_637 : i32 to index
        %get3A_639 = arith.index_cast %shift_right_arithmetic3A_634 : i32 to index
        %get3A_640 = arith.index_cast %and3A_636 : i32 to index
        %get3A_641 = arith.constant 0 : index
        %get3A_642 = tpu.vector_load %arg6[%get3A_638, %get3A_639, %get3A_640, %get3A_641] {strides = array<i32>} : memref<2x10x128x32xf32, #tpu.memory_space<vmem>>, vector<1x1x1x16xf32>,
        %get3A_643 = vector.shape_cast %get3A_642 : vector<1x1x1x16xf32> to vector<16xf32>
        %add3A_644 = arith.addf %get3A_619, %get3A_643 : vector<16xf32>
        %get3A_645 = arith.constant 1 : i32
        %get3A_646 = arith.index_cast %get3A_645 : i32 to index
        %get3A_647 = arith.index_cast %shift_right_arithmetic3A_634 : i32 to index
        %get3A_648 = arith.index_cast %and3A_636 : i32 to index
        %get3A_649 = arith.constant 16 : index
        %get3A_650 = tpu.vector_load %arg6[%get3A_646, %get3A_647, %get3A_648, %get3A_649] {strides = array<i32>} : memref<2x10x128x32xf32, #tpu.memory_space<vmem>>, vector<1x1x1x16xf32>,
        %get3A_651 = vector.shape_cast %get3A_650 : vector<1x1x1x16xf32> to vector<16xf32>
        %add3A_652 = arith.addf %get3A_630, %get3A_651 : vector<16xf32>
        %add3A_653 = arith.constant 2 : i32
        %add3A_654 = arith.addi %mul3A_611, %add3A_653 : i32
        %shift_right_arithmetic3A_655 = arith.constant 7 : i32
        %shift_right_arithmetic3A_656 = arith.shrsi %add3A_654, %shift_right_arithmetic3A_655 : i32
        %and3A_657 = arith.constant 127 : i32
        %and3A_658 = arith.andi %add3A_654, %and3A_657 : i32
        %get3A_659 = arith.constant 1 : i32
        %get3A_660 = arith.index_cast %get3A_659 : i32 to index
        %get3A_661 = arith.index_cast %shift_right_arithmetic3A_656 : i32 to index
        %get3A_662 = arith.index_cast %and3A_658 : i32 to index
        %get3A_663 = arith.constant 0 : index
        %get3A_664 = tpu.vector_load %arg6[%get3A_660, %get3A_661, %get3A_662, %get3A_663] {strides = array<i32>} : memref<2x10x128x32xf32, #tpu.memory_space<vmem>>, vector<1x1x1x16xf32>,
        %get3A_665 = vector.shape_cast %get3A_664 : vector<1x1x1x16xf32> to vector<16xf32>
        %add3A_666 = arith.addf %add3A_644, %get3A_665 : vector<16xf32>
        %get3A_667 = arith.constant 1 : i32
        %get3A_668 = arith.index_cast %get3A_667 : i32 to index
        %get3A_669 = arith.index_cast %shift_right_arithmetic3A_656 : i32 to index
        %get3A_670 = arith.index_cast %and3A_658 : i32 to index
        %get3A_671 = arith.constant 16 : index
        %get3A_672 = tpu.vector_load %arg6[%get3A_668, %get3A_669, %get3A_670, %get3A_671] {strides = array<i32>} : memref<2x10x128x32xf32, #tpu.memory_space<vmem>>, vector<1x1x1x16xf32>,
        %get3A_673 = vector.shape_cast %get3A_672 : vector<1x1x1x16xf32> to vector<16xf32>
        %add3A_674 = arith.addf %add3A_652, %get3A_673 : vector<16xf32>
        %add3A_675 = arith.constant 3 : i32
        %add3A_676 = arith.addi %mul3A_611, %add3A_675 : i32
        %shift_right_arithmetic3A_677 = arith.constant 7 : i32
        %shift_right_arithmetic3A_678 = arith.shrsi %add3A_676, %shift_right_arithmetic3A_677 : i32
        %and3A_679 = arith.constant 127 : i32
        %and3A_680 = arith.andi %add3A_676, %and3A_679 : i32
        %get3A_681 = arith.constant 1 : i32
        %get3A_682 = arith.index_cast %get3A_681 : i32 to index
        %get3A_683 = arith.index_cast %shift_right_arithmetic3A_678 : i32 to index
        %get3A_684 = arith.index_cast %and3A_680 : i32 to index
        %get3A_685 = arith.constant 0 : index
        %get3A_686 = tpu.vector_load %arg6[%get3A_682, %get3A_683, %get3A_684, %get3A_685] {strides = array<i32>} : memref<2x10x128x32xf32, #tpu.memory_space<vmem>>, vector<1x1x1x16xf32>,
        %get3A_687 = vector.shape_cast %get3A_686 : vector<1x1x1x16xf32> to vector<16xf32>
        %add3A_688 = arith.addf %add3A_666, %get3A_687 : vector<16xf32>
        %get3A_689 = arith.constant 1 : i32
        %get3A_690 = arith.index_cast %get3A_689 : i32 to index
        %get3A_691 = arith.index_cast %shift_right_arithmetic3A_678 : i32 to index
        %get3A_692 = arith.index_cast %and3A_680 : i32 to index
        %get3A_693 = arith.constant 16 : index
        %get3A_694 = tpu.vector_load %arg6[%get3A_690, %get3A_691, %get3A_692, %get3A_693] {strides = array<i32>} : memref<2x10x128x32xf32, #tpu.memory_space<vmem>>, vector<1x1x1x16xf32>,
        %get3A_695 = vector.shape_cast %get3A_694 : vector<1x1x1x16xf32> to vector<16xf32>
        %add3A_696 = arith.addf %add3A_674, %get3A_695 : vector<16xf32>
        %add3A_697 = arith.constant 4 : i32
        %add3A_698 = arith.addi %mul3A_611, %add3A_697 : i32
        %shift_right_arithmetic3A_699 = arith.constant 7 : i32
        %shift_right_arithmetic3A_700 = arith.shrsi %add3A_698, %shift_right_arithmetic3A_699 : i32
        %and3A_701 = arith.constant 127 : i32
        %and3A_702 = arith.andi %add3A_698, %and3A_701 : i32
        %get3A_703 = arith.constant 1 : i32
        %get3A_704 = arith.index_cast %get3A_703 : i32 to index
        %get3A_705 = arith.index_cast %shift_right_arithmetic3A_700 : i32 to index
        %get3A_706 = arith.index_cast %and3A_702 : i32 to index
        %get3A_707 = arith.constant 0 : index
        %get3A_708 = tpu.vector_load %arg6[%get3A_704, %get3A_705, %get3A_706, %get3A_707] {strides = array<i32>} : memref<2x10x128x32xf32, #tpu.memory_space<vmem>>, vector<1x1x1x16xf32>,
        %get3A_709 = vector.shape_cast %get3A_708 : vector<1x1x1x16xf32> to vector<16xf32>
        %add3A_710 = arith.addf %add3A_688, %get3A_709 : vector<16xf32>
        %get3A_711 = arith.constant 1 : i32
        %get3A_712 = arith.index_cast %get3A_711 : i32 to index
        %get3A_713 = arith.index_cast %shift_right_arithmetic3A_700 : i32 to index
        %get3A_714 = arith.index_cast %and3A_702 : i32 to index
        %get3A_715 = arith.constant 16 : index
        %get3A_716 = tpu.vector_load %arg6[%get3A_712, %get3A_713, %get3A_714, %get3A_715] {strides = array<i32>} : memref<2x10x128x32xf32, #tpu.memory_space<vmem>>, vector<1x1x1x16xf32>,
        %get3A_717 = vector.shape_cast %get3A_716 : vector<1x1x1x16xf32> to vector<16xf32>
        %add3A_718 = arith.addf %add3A_696, %get3A_717 : vector<16xf32>
        %add3A_719 = arith.constant 5 : i32
        %add3A_720 = arith.addi %mul3A_611, %add3A_719 : i32
        %shift_right_arithmetic3A_721 = arith.constant 7 : i32
        %shift_right_arithmetic3A_722 = arith.shrsi %add3A_720, %shift_right_arithmetic3A_721 : i32
        %and3A_723 = arith.constant 127 : i32
        %and3A_724 = arith.andi %add3A_720, %and3A_723 : i32
        %get3A_725 = arith.constant 1 : i32
        %get3A_726 = arith.index_cast %get3A_725 : i32 to index
        %get3A_727 = arith.index_cast %shift_right_arithmetic3A_722 : i32 to index
        %get3A_728 = arith.index_cast %and3A_724 : i32 to index
        %get3A_729 = arith.constant 0 : index
        %get3A_730 = tpu.vector_load %arg6[%get3A_726, %get3A_727, %get3A_728, %get3A_729] {strides = array<i32>} : memref<2x10x128x32xf32, #tpu.memory_space<vmem>>, vector<1x1x1x16xf32>,
        %get3A_731 = vector.shape_cast %get3A_730 : vector<1x1x1x16xf32> to vector<16xf32>
        %add3A_732 = arith.addf %add3A_710, %get3A_731 : vector<16xf32>
        %get3A_733 = arith.constant 1 : i32
        %get3A_734 = arith.index_cast %get3A_733 : i32 to index
        %get3A_735 = arith.index_cast %shift_right_arithmetic3A_722 : i32 to index
        %get3A_736 = arith.index_cast %and3A_724 : i32 to index
        %get3A_737 = arith.constant 16 : index
        %get3A_738 = tpu.vector_load %arg6[%get3A_734, %get3A_735, %get3A_736, %get3A_737] {strides = array<i32>} : memref<2x10x128x32xf32, #tpu.memory_space<vmem>>, vector<1x1x1x16xf32>,
        %get3A_739 = vector.shape_cast %get3A_738 : vector<1x1x1x16xf32> to vector<16xf32>
        %add3A_740 = arith.addf %add3A_718, %get3A_739 : vector<16xf32>
        %add3A_741 = arith.constant 6 : i32
        %add3A_742 = arith.addi %mul3A_611, %add3A_741 : i32
        %shift_right_arithmetic3A_743 = arith.constant 7 : i32
        %shift_right_arithmetic3A_744 = arith.shrsi %add3A_742, %shift_right_arithmetic3A_743 : i32
        %and3A_745 = arith.constant 127 : i32
        %and3A_746 = arith.andi %add3A_742, %and3A_745 : i32
        %get3A_747 = arith.constant 1 : i32
        %get3A_748 = arith.index_cast %get3A_747 : i32 to index
        %get3A_749 = arith.index_cast %shift_right_arithmetic3A_744 : i32 to index
        %get3A_750 = arith.index_cast %and3A_746 : i32 to index
        %get3A_751 = arith.constant 0 : index
        %get3A_752 = tpu.vector_load %arg6[%get3A_748, %get3A_749, %get3A_750, %get3A_751] {strides = array<i32>} : memref<2x10x128x32xf32, #tpu.memory_space<vmem>>, vector<1x1x1x16xf32>,
        %get3A_753 = vector.shape_cast %get3A_752 : vector<1x1x1x16xf32> to vector<16xf32>
        %add3A_754 = arith.addf %add3A_732, %get3A_753 : vector<16xf32>
        %get3A_755 = arith.constant 1 : i32
        %get3A_756 = arith.index_cast %get3A_755 : i32 to index
        %get3A_757 = arith.index_cast %shift_right_arithmetic3A_744 : i32 to index
        %get3A_758 = arith.index_cast %and3A_746 : i32 to index
        %get3A_759 = arith.constant 16 : index
        %get3A_760 = tpu.vector_load %arg6[%get3A_756, %get3A_757, %get3A_758, %get3A_759] {strides = array<i32>} : memref<2x10x128x32xf32, #tpu.memory_space<vmem>>, vector<1x1x1x16xf32>,
        %get3A_761 = vector.shape_cast %get3A_760 : vector<1x1x1x16xf32> to vector<16xf32>
        %add3A_762 = arith.addf %add3A_740, %get3A_761 : vector<16xf32>
        %add3A_763 = arith.constant 7 : i32
        %add3A_764 = arith.addi %mul3A_611, %add3A_763 : i32
        %shift_right_arithmetic3A_765 = arith.constant 7 : i32
        %shift_right_arithmetic3A_766 = arith.shrsi %add3A_764, %shift_right_arithmetic3A_765 : i32
        %and3A_767 = arith.constant 127 : i32
        %and3A_768 = arith.andi %add3A_764, %and3A_767 : i32
        %get3A_769 = arith.constant 1 : i32
        %get3A_770 = arith.index_cast %get3A_769 : i32 to index
        %get3A_771 = arith.index_cast %shift_right_arithmetic3A_766 : i32 to index
        %get3A_772 = arith.index_cast %and3A_768 : i32 to index
        %get3A_773 = arith.constant 0 : index
        %get3A_774 = tpu.vector_load %arg6[%get3A_770, %get3A_771, %get3A_772, %get3A_773] {strides = array<i32>} : memref<2x10x128x32xf32, #tpu.memory_space<vmem>>, vector<1x1x1x16xf32>,
        %get3A_775 = vector.shape_cast %get3A_774 : vector<1x1x1x16xf32> to vector<16xf32>
        %add3A_776 = arith.addf %add3A_754, %get3A_775 : vector<16xf32>
        %get3A_777 = arith.constant 1 : i32
        %get3A_778 = arith.index_cast %get3A_777 : i32 to index
        %get3A_779 = arith.index_cast %shift_right_arithmetic3A_766 : i32 to index
        %get3A_780 = arith.index_cast %and3A_768 : i32 to index
        %get3A_781 = arith.constant 16 : index
        %get3A_782 = tpu.vector_load %arg6[%get3A_778, %get3A_779, %get3A_780, %get3A_781] {strides = array<i32>} : memref<2x10x128x32xf32, #tpu.memory_space<vmem>>, vector<1x1x1x16xf32>,
        %get3A_783 = vector.shape_cast %get3A_782 : vector<1x1x1x16xf32> to vector<16xf32>
        %add3A_784 = arith.addf %add3A_762, %get3A_783 : vector<16xf32>
        %add3A_785 = arith.constant 8 : i32
        %add3A_786 = arith.addi %mul3A_611, %add3A_785 : i32
        %shift_right_arithmetic3A_787 = arith.constant 7 : i32
        %shift_right_arithmetic3A_788 = arith.shrsi %add3A_786, %shift_right_arithmetic3A_787 : i32
        %and3A_789 = arith.constant 127 : i32
        %and3A_790 = arith.andi %add3A_786, %and3A_789 : i32
        %get3A_791 = arith.constant 1 : i32
        %get3A_792 = arith.index_cast %get3A_791 : i32 to index
        %get3A_793 = arith.index_cast %shift_right_arithmetic3A_788 : i32 to index
        %get3A_794 = arith.index_cast %and3A_790 : i32 to index
        %get3A_795 = arith.constant 0 : index
        %get3A_796 = tpu.vector_load %arg6[%get3A_792, %get3A_793, %get3A_794, %get3A_795] {strides = array<i32>} : memref<2x10x128x32xf32, #tpu.memory_space<vmem>>, vector<1x1x1x16xf32>,
        %get3A_797 = vector.shape_cast %get3A_796 : vector<1x1x1x16xf32> to vector<16xf32>
        %add3A_798 = arith.addf %add3A_776, %get3A_797 : vector<16xf32>
        %get3A_799 = arith.constant 1 : i32
        %get3A_800 = arith.index_cast %get3A_799 : i32 to index
        %get3A_801 = arith.index_cast %shift_right_arithmetic3A_788 : i32 to index
        %get3A_802 = arith.index_cast %and3A_790 : i32 to index
        %get3A_803 = arith.constant 16 : index
        %get3A_804 = tpu.vector_load %arg6[%get3A_800, %get3A_801, %get3A_802, %get3A_803] {strides = array<i32>} : memref<2x10x128x32xf32, #tpu.memory_space<vmem>>, vector<1x1x1x16xf32>,
        %get3A_805 = vector.shape_cast %get3A_804 : vector<1x1x1x16xf32> to vector<16xf32>
        %add3A_806 = arith.addf %add3A_784, %get3A_805 : vector<16xf32>
        %add3A_807 = arith.constant 9 : i32
        %add3A_808 = arith.addi %mul3A_611, %add3A_807 : i32
        %shift_right_arithmetic3A_809 = arith.constant 7 : i32
        %shift_right_arithmetic3A_810 = arith.shrsi %add3A_808, %shift_right_arithmetic3A_809 : i32
        %and3A_811 = arith.constant 127 : i32
        %and3A_812 = arith.andi %add3A_808, %and3A_811 : i32
        %get3A_813 = arith.constant 1 : i32
        %get3A_814 = arith.index_cast %get3A_813 : i32 to index
        %get3A_815 = arith.index_cast %shift_right_arithmetic3A_810 : i32 to index
        %get3A_816 = arith.index_cast %and3A_812 : i32 to index
        %get3A_817 = arith.constant 0 : index
        %get3A_818 = tpu.vector_load %arg6[%get3A_814, %get3A_815, %get3A_816, %get3A_817] {strides = array<i32>} : memref<2x10x128x32xf32, #tpu.memory_space<vmem>>, vector<1x1x1x16xf32>,
        %get3A_819 = vector.shape_cast %get3A_818 : vector<1x1x1x16xf32> to vector<16xf32>
        %add3A_820 = arith.addf %add3A_798, %get3A_819 : vector<16xf32>
        %get3A_821 = arith.constant 1 : i32
        %get3A_822 = arith.index_cast %get3A_821 : i32 to index
        %get3A_823 = arith.index_cast %shift_right_arithmetic3A_810 : i32 to index
        %get3A_824 = arith.index_cast %and3A_812 : i32 to index
        %get3A_825 = arith.constant 16 : index
        %get3A_826 = tpu.vector_load %arg6[%get3A_822, %get3A_823, %get3A_824, %get3A_825] {strides = array<i32>} : memref<2x10x128x32xf32, #tpu.memory_space<vmem>>, vector<1x1x1x16xf32>,
        %get3A_827 = vector.shape_cast %get3A_826 : vector<1x1x1x16xf32> to vector<16xf32>
        %add3A_828 = arith.addf %add3A_806, %get3A_827 : vector<16xf32>
        %add3A_829 = arith.constant 10 : i32
        %add3A_830 = arith.addi %mul3A_611, %add3A_829 : i32
        %shift_right_arithmetic3A_831 = arith.constant 7 : i32
        %shift_right_arithmetic3A_832 = arith.shrsi %add3A_830, %shift_right_arithmetic3A_831 : i32
        %and3A_833 = arith.constant 127 : i32
        %and3A_834 = arith.andi %add3A_830, %and3A_833 : i32
        %get3A_835 = arith.constant 1 : i32
        %get3A_836 = arith.index_cast %get3A_835 : i32 to index
        %get3A_837 = arith.index_cast %shift_right_arithmetic3A_832 : i32 to index
        %get3A_838 = arith.index_cast %and3A_834 : i32 to index
        %get3A_839 = arith.constant 0 : index
        %get3A_840 = tpu.vector_load %arg6[%get3A_836, %get3A_837, %get3A_838, %get3A_839] {strides = array<i32>} : memref<2x10x128x32xf32, #tpu.memory_space<vmem>>, vector<1x1x1x16xf32>,
        %get3A_841 = vector.shape_cast %get3A_840 : vector<1x1x1x16xf32> to vector<16xf32>
        %add3A_842 = arith.addf %add3A_820, %get3A_841 : vector<16xf32>
        %get3A_843 = arith.constant 1 : i32
        %get3A_844 = arith.index_cast %get3A_843 : i32 to index
        %get3A_845 = arith.index_cast %shift_right_arithmetic3A_832 : i32 to index
        %get3A_846 = arith.index_cast %and3A_834 : i32 to index
        %get3A_847 = arith.constant 16 : index
        %get3A_848 = tpu.vector_load %arg6[%get3A_844, %get3A_845, %get3A_846, %get3A_847] {strides = array<i32>} : memref<2x10x128x32xf32, #tpu.memory_space<vmem>>, vector<1x1x1x16xf32>,
        %get3A_849 = vector.shape_cast %get3A_848 : vector<1x1x1x16xf32> to vector<16xf32>
        %add3A_850 = arith.addf %add3A_828, %get3A_849 : vector<16xf32>
        %add3A_851 = arith.constant 11 : i32
        %add3A_852 = arith.addi %mul3A_611, %add3A_851 : i32
        %shift_right_arithmetic3A_853 = arith.constant 7 : i32
        %shift_right_arithmetic3A_854 = arith.shrsi %add3A_852, %shift_right_arithmetic3A_853 : i32
        %and3A_855 = arith.constant 127 : i32
        %and3A_856 = arith.andi %add3A_852, %and3A_855 : i32
        %get3A_857 = arith.constant 1 : i32
        %get3A_858 = arith.index_cast %get3A_857 : i32 to index
        %get3A_859 = arith.index_cast %shift_right_arithmetic3A_854 : i32 to index
        %get3A_860 = arith.index_cast %and3A_856 : i32 to index
        %get3A_861 = arith.constant 0 : index
        %get3A_862 = tpu.vector_load %arg6[%get3A_858, %get3A_859, %get3A_860, %get3A_861] {strides = array<i32>} : memref<2x10x128x32xf32, #tpu.memory_space<vmem>>, vector<1x1x1x16xf32>,
        %get3A_863 = vector.shape_cast %get3A_862 : vector<1x1x1x16xf32> to vector<16xf32>
        %add3A_864 = arith.addf %add3A_842, %get3A_863 : vector<16xf32>
        %get3A_865 = arith.constant 1 : i32
        %get3A_866 = arith.index_cast %get3A_865 : i32 to index
        %get3A_867 = arith.index_cast %shift_right_arithmetic3A_854 : i32 to index
        %get3A_868 = arith.index_cast %and3A_856 : i32 to index
        %get3A_869 = arith.constant 16 : index
        %get3A_870 = tpu.vector_load %arg6[%get3A_866, %get3A_867, %get3A_868, %get3A_869] {strides = array<i32>} : memref<2x10x128x32xf32, #tpu.memory_space<vmem>>, vector<1x1x1x16xf32>,
        %get3A_871 = vector.shape_cast %get3A_870 : vector<1x1x1x16xf32> to vector<16xf32>
        %add3A_872 = arith.addf %add3A_850, %get3A_871 : vector<16xf32>
        %add3A_873 = arith.constant 12 : i32
        %add3A_874 = arith.addi %mul3A_611, %add3A_873 : i32
        %shift_right_arithmetic3A_875 = arith.constant 7 : i32
        %shift_right_arithmetic3A_876 = arith.shrsi %add3A_874, %shift_right_arithmetic3A_875 : i32
        %and3A_877 = arith.constant 127 : i32
        %and3A_878 = arith.andi %add3A_874, %and3A_877 : i32
        %get3A_879 = arith.constant 1 : i32
        %get3A_880 = arith.index_cast %get3A_879 : i32 to index
        %get3A_881 = arith.index_cast %shift_right_arithmetic3A_876 : i32 to index
        %get3A_882 = arith.index_cast %and3A_878 : i32 to index
        %get3A_883 = arith.constant 0 : index
        %get3A_884 = tpu.vector_load %arg6[%get3A_880, %get3A_881, %get3A_882, %get3A_883] {strides = array<i32>} : memref<2x10x128x32xf32, #tpu.memory_space<vmem>>, vector<1x1x1x16xf32>,
        %get3A_885 = vector.shape_cast %get3A_884 : vector<1x1x1x16xf32> to vector<16xf32>
        %add3A_886 = arith.addf %add3A_864, %get3A_885 : vector<16xf32>
        %get3A_887 = arith.constant 1 : i32
        %get3A_888 = arith.index_cast %get3A_887 : i32 to index
        %get3A_889 = arith.index_cast %shift_right_arithmetic3A_876 : i32 to index
        %get3A_890 = arith.index_cast %and3A_878 : i32 to index
        %get3A_891 = arith.constant 16 : index
        %get3A_892 = tpu.vector_load %arg6[%get3A_888, %get3A_889, %get3A_890, %get3A_891] {strides = array<i32>} : memref<2x10x128x32xf32, #tpu.memory_space<vmem>>, vector<1x1x1x16xf32>,
        %get3A_893 = vector.shape_cast %get3A_892 : vector<1x1x1x16xf32> to vector<16xf32>
        %add3A_894 = arith.addf %add3A_872, %get3A_893 : vector<16xf32>
        %add3A_895 = arith.constant 13 : i32
        %add3A_896 = arith.addi %mul3A_611, %add3A_895 : i32
        %shift_right_arithmetic3A_897 = arith.constant 7 : i32
        %shift_right_arithmetic3A_898 = arith.shrsi %add3A_896, %shift_right_arithmetic3A_897 : i32
        %and3A_899 = arith.constant 127 : i32
        %and3A_900 = arith.andi %add3A_896, %and3A_899 : i32
        %get3A_901 = arith.constant 1 : i32
        %get3A_902 = arith.index_cast %get3A_901 : i32 to index
        %get3A_903 = arith.index_cast %shift_right_arithmetic3A_898 : i32 to index
        %get3A_904 = arith.index_cast %and3A_900 : i32 to index
        %get3A_905 = arith.constant 0 : index
        %get3A_906 = tpu.vector_load %arg6[%get3A_902, %get3A_903, %get3A_904, %get3A_905] {strides = array<i32>} : memref<2x10x128x32xf32, #tpu.memory_space<vmem>>, vector<1x1x1x16xf32>,
        %get3A_907 = vector.shape_cast %get3A_906 : vector<1x1x1x16xf32> to vector<16xf32>
        %add3A_908 = arith.addf %add3A_886, %get3A_907 : vector<16xf32>
        %get3A_909 = arith.constant 1 : i32
        %get3A_910 = arith.index_cast %get3A_909 : i32 to index
        %get3A_911 = arith.index_cast %shift_right_arithmetic3A_898 : i32 to index
        %get3A_912 = arith.index_cast %and3A_900 : i32 to index
        %get3A_913 = arith.constant 16 : index
        %get3A_914 = tpu.vector_load %arg6[%get3A_910, %get3A_911, %get3A_912, %get3A_913] {strides = array<i32>} : memref<2x10x128x32xf32, #tpu.memory_space<vmem>>, vector<1x1x1x16xf32>,
        %get3A_915 = vector.shape_cast %get3A_914 : vector<1x1x1x16xf32> to vector<16xf32>
        %add3A_916 = arith.addf %add3A_894, %get3A_915 : vector<16xf32>
        %add3A_917 = arith.constant 14 : i32
        %add3A_918 = arith.addi %mul3A_611, %add3A_917 : i32
        %shift_right_arithmetic3A_919 = arith.constant 7 : i32
        %shift_right_arithmetic3A_920 = arith.shrsi %add3A_918, %shift_right_arithmetic3A_919 : i32
        %and3A_921 = arith.constant 127 : i32
        %and3A_922 = arith.andi %add3A_918, %and3A_921 : i32
        %get3A_923 = arith.constant 1 : i32
        %get3A_924 = arith.index_cast %get3A_923 : i32 to index
        %get3A_925 = arith.index_cast %shift_right_arithmetic3A_920 : i32 to index
        %get3A_926 = arith.index_cast %and3A_922 : i32 to index
        %get3A_927 = arith.constant 0 : index
        %get3A_928 = tpu.vector_load %arg6[%get3A_924, %get3A_925, %get3A_926, %get3A_927] {strides = array<i32>} : memref<2x10x128x32xf32, #tpu.memory_space<vmem>>, vector<1x1x1x16xf32>,
        %get3A_929 = vector.shape_cast %get3A_928 : vector<1x1x1x16xf32> to vector<16xf32>
        %add3A_930 = arith.addf %add3A_908, %get3A_929 : vector<16xf32>
        %get3A_931 = arith.constant 1 : i32
        %get3A_932 = arith.index_cast %get3A_931 : i32 to index
        %get3A_933 = arith.index_cast %shift_right_arithmetic3A_920 : i32 to index
        %get3A_934 = arith.index_cast %and3A_922 : i32 to index
        %get3A_935 = arith.constant 16 : index
        %get3A_936 = tpu.vector_load %arg6[%get3A_932, %get3A_933, %get3A_934, %get3A_935] {strides = array<i32>} : memref<2x10x128x32xf32, #tpu.memory_space<vmem>>, vector<1x1x1x16xf32>,
        %get3A_937 = vector.shape_cast %get3A_936 : vector<1x1x1x16xf32> to vector<16xf32>
        %add3A_938 = arith.addf %add3A_916, %get3A_937 : vector<16xf32>
        %add3A_939 = arith.constant 15 : i32
        %add3A_940 = arith.addi %mul3A_611, %add3A_939 : i32
        %shift_right_arithmetic3A_941 = arith.constant 7 : i32
        %shift_right_arithmetic3A_942 = arith.shrsi %add3A_940, %shift_right_arithmetic3A_941 : i32
        %and3A_943 = arith.constant 127 : i32
        %and3A_944 = arith.andi %add3A_940, %and3A_943 : i32
        %get3A_945 = arith.constant 1 : i32
        %get3A_946 = arith.index_cast %get3A_945 : i32 to index
        %get3A_947 = arith.index_cast %shift_right_arithmetic3A_942 : i32 to index
        %get3A_948 = arith.index_cast %and3A_944 : i32 to index
        %get3A_949 = arith.constant 0 : index
        %get3A_950 = tpu.vector_load %arg6[%get3A_946, %get3A_947, %get3A_948, %get3A_949] {strides = array<i32>} : memref<2x10x128x32xf32, #tpu.memory_space<vmem>>, vector<1x1x1x16xf32>,
        %get3A_951 = vector.shape_cast %get3A_950 : vector<1x1x1x16xf32> to vector<16xf32>
        %add3A_952 = arith.addf %add3A_930, %get3A_951 : vector<16xf32>
        %get3A_953 = arith.constant 1 : i32
        %get3A_954 = arith.index_cast %get3A_953 : i32 to index
        %get3A_955 = arith.index_cast %shift_right_arithmetic3A_942 : i32 to index
        %get3A_956 = arith.index_cast %and3A_944 : i32 to index
        %get3A_957 = arith.constant 16 : index
        %get3A_958 = tpu.vector_load %arg6[%get3A_954, %get3A_955, %get3A_956, %get3A_957] {strides = array<i32>} : memref<2x10x128x32xf32, #tpu.memory_space<vmem>>, vector<1x1x1x16xf32>,
        %get3A_959 = vector.shape_cast %get3A_958 : vector<1x1x1x16xf32> to vector<16xf32>
        %add3A_960 = arith.addf %add3A_938, %get3A_959 : vector<16xf32>
        %add3A_961 = arith.constant 16 : i32
        %add3A_962 = arith.addi %mul3A_611, %add3A_961 : i32
        %shift_right_arithmetic3A_963 = arith.constant 7 : i32
        %shift_right_arithmetic3A_964 = arith.shrsi %add3A_962, %shift_right_arithmetic3A_963 : i32
        %and3A_965 = arith.constant 127 : i32
        %and3A_966 = arith.andi %add3A_962, %and3A_965 : i32
        %get3A_967 = arith.constant 1 : i32
        %get3A_968 = arith.index_cast %get3A_967 : i32 to index
        %get3A_969 = arith.index_cast %shift_right_arithmetic3A_964 : i32 to index
        %get3A_970 = arith.index_cast %and3A_966 : i32 to index
        %get3A_971 = arith.constant 0 : index
        %get3A_972 = tpu.vector_load %arg6[%get3A_968, %get3A_969, %get3A_970, %get3A_971] {strides = array<i32>} : memref<2x10x128x32xf32, #tpu.memory_space<vmem>>, vector<1x1x1x16xf32>,
        %get3A_973 = vector.shape_cast %get3A_972 : vector<1x1x1x16xf32> to vector<16xf32>
        %add3A_974 = arith.addf %add3A_952, %get3A_973 : vector<16xf32>
        %get3A_975 = arith.constant 1 : i32
        %get3A_976 = arith.index_cast %get3A_975 : i32 to index
        %get3A_977 = arith.index_cast %shift_right_arithmetic3A_964 : i32 to index
        %get3A_978 = arith.index_cast %and3A_966 : i32 to index
        %get3A_979 = arith.constant 16 : index
        %get3A_980 = tpu.vector_load %arg6[%get3A_976, %get3A_977, %get3A_978, %get3A_979] {strides = array<i32>} : memref<2x10x128x32xf32, #tpu.memory_space<vmem>>, vector<1x1x1x16xf32>,
        %get3A_981 = vector.shape_cast %get3A_980 : vector<1x1x1x16xf32> to vector<16xf32>
        %add3A_982 = arith.addf %add3A_960, %get3A_981 : vector<16xf32>
        %add3A_983 = arith.constant 17 : i32
        %add3A_984 = arith.addi %mul3A_611, %add3A_983 : i32
        %shift_right_arithmetic3A_985 = arith.constant 7 : i32
        %shift_right_arithmetic3A_986 = arith.shrsi %add3A_984, %shift_right_arithmetic3A_985 : i32
        %and3A_987 = arith.constant 127 : i32
        %and3A_988 = arith.andi %add3A_984, %and3A_987 : i32
        %get3A_989 = arith.constant 1 : i32
        %get3A_990 = arith.index_cast %get3A_989 : i32 to index
        %get3A_991 = arith.index_cast %shift_right_arithmetic3A_986 : i32 to index
        %get3A_992 = arith.index_cast %and3A_988 : i32 to index
        %get3A_993 = arith.constant 0 : index
        %get3A_994 = tpu.vector_load %arg6[%get3A_990, %get3A_991, %get3A_992, %get3A_993] {strides = array<i32>} : memref<2x10x128x32xf32, #tpu.memory_space<vmem>>, vector<1x1x1x16xf32>,
        %get3A_995 = vector.shape_cast %get3A_994 : vector<1x1x1x16xf32> to vector<16xf32>
        %add3A_996 = arith.addf %add3A_974, %get3A_995 : vector<16xf32>
        %get3A_997 = arith.constant 1 : i32
        %get3A_998 = arith.index_cast %get3A_997 : i32 to index
        %get3A_999 = arith.index_cast %shift_right_arithmetic3A_986 : i32 to index
        %get3A_1000 = arith.index_cast %and3A_988 : i32 to index
        %get3A_1001 = arith.constant 16 : index
        %get3A_1002 = tpu.vector_load %arg6[%get3A_998, %get3A_999, %get3A_1000, %get3A_1001] {strides = array<i32>} : memref<2x10x128x32xf32, #tpu.memory_space<vmem>>, vector<1x1x1x16xf32>,
        %get3A_1003 = vector.shape_cast %get3A_1002 : vector<1x1x1x16xf32> to vector<16xf32>
        %add3A_1004 = arith.addf %add3A_982, %get3A_1003 : vector<16xf32>
        %add3A_1005 = arith.constant 18 : i32
        %add3A_1006 = arith.addi %mul3A_611, %add3A_1005 : i32
        %shift_right_arithmetic3A_1007 = arith.constant 7 : i32
        %shift_right_arithmetic3A_1008 = arith.shrsi %add3A_1006, %shift_right_arithmetic3A_1007 : i32
        %and3A_1009 = arith.constant 127 : i32
        %and3A_1010 = arith.andi %add3A_1006, %and3A_1009 : i32
        %get3A_1011 = arith.constant 1 : i32
        %get3A_1012 = arith.index_cast %get3A_1011 : i32 to index
        %get3A_1013 = arith.index_cast %shift_right_arithmetic3A_1008 : i32 to index
        %get3A_1014 = arith.index_cast %and3A_1010 : i32 to index
        %get3A_1015 = arith.constant 0 : index
        %get3A_1016 = tpu.vector_load %arg6[%get3A_1012, %get3A_1013, %get3A_1014, %get3A_1015] {strides = array<i32>} : memref<2x10x128x32xf32, #tpu.memory_space<vmem>>, vector<1x1x1x16xf32>,
        %get3A_1017 = vector.shape_cast %get3A_1016 : vector<1x1x1x16xf32> to vector<16xf32>
        %add3A_1018 = arith.addf %add3A_996, %get3A_1017 : vector<16xf32>
        %get3A_1019 = arith.constant 1 : i32
        %get3A_1020 = arith.index_cast %get3A_1019 : i32 to index
        %get3A_1021 = arith.index_cast %shift_right_arithmetic3A_1008 : i32 to index
        %get3A_1022 = arith.index_cast %and3A_1010 : i32 to index
        %get3A_1023 = arith.constant 16 : index
        %get3A_1024 = tpu.vector_load %arg6[%get3A_1020, %get3A_1021, %get3A_1022, %get3A_1023] {strides = array<i32>} : memref<2x10x128x32xf32, #tpu.memory_space<vmem>>, vector<1x1x1x16xf32>,
        %get3A_1025 = vector.shape_cast %get3A_1024 : vector<1x1x1x16xf32> to vector<16xf32>
        %add3A_1026 = arith.addf %add3A_1004, %get3A_1025 : vector<16xf32>
        %add3A_1027 = arith.constant 19 : i32
        %add3A_1028 = arith.addi %mul3A_611, %add3A_1027 : i32
        %shift_right_arithmetic3A_1029 = arith.constant 7 : i32
        %shift_right_arithmetic3A_1030 = arith.shrsi %add3A_1028, %shift_right_arithmetic3A_1029 : i32
        %and3A_1031 = arith.constant 127 : i32
        %and3A_1032 = arith.andi %add3A_1028, %and3A_1031 : i32
        %get3A_1033 = arith.constant 1 : i32
        %get3A_1034 = arith.index_cast %get3A_1033 : i32 to index
        %get3A_1035 = arith.index_cast %shift_right_arithmetic3A_1030 : i32 to index
        %get3A_1036 = arith.index_cast %and3A_1032 : i32 to index
        %get3A_1037 = arith.constant 0 : index
        %get3A_1038 = tpu.vector_load %arg6[%get3A_1034, %get3A_1035, %get3A_1036, %get3A_1037] {strides = array<i32>} : memref<2x10x128x32xf32, #tpu.memory_space<vmem>>, vector<1x1x1x16xf32>,
        %get3A_1039 = vector.shape_cast %get3A_1038 : vector<1x1x1x16xf32> to vector<16xf32>
        %add3A_1040 = arith.addf %add3A_1018, %get3A_1039 : vector<16xf32>
        %get3A_1041 = arith.constant 1 : i32
        %get3A_1042 = arith.index_cast %get3A_1041 : i32 to index
        %get3A_1043 = arith.index_cast %shift_right_arithmetic3A_1030 : i32 to index
        %get3A_1044 = arith.index_cast %and3A_1032 : i32 to index
        %get3A_1045 = arith.constant 16 : index
        %get3A_1046 = tpu.vector_load %arg6[%get3A_1042, %get3A_1043, %get3A_1044, %get3A_1045] {strides = array<i32>} : memref<2x10x128x32xf32, #tpu.memory_space<vmem>>, vector<1x1x1x16xf32>,
        %get3A_1047 = vector.shape_cast %get3A_1046 : vector<1x1x1x16xf32> to vector<16xf32>
        %add3A_1048 = arith.addf %add3A_1026, %get3A_1047 : vector<16xf32>
        %swap3A = arith.constant 1 : i32
        %swap3A_1049 = arith.index_cast %swap3A : i32 to index
        %swap3A_1050 = arith.index_cast %scan3A_609 : i32 to index
        %swap3A_1051 = arith.constant 0 : index
        %swap3A_1052 = tpu.vector_load %arg7[%swap3A_1049, %swap3A_1050, %swap3A_1051] {strides = array<i32>} : memref<2x64x32xf32, #tpu.memory_space<vmem>>, vector<1x1x16xf32>,
        %swap3A_1053 = vector.shape_cast %swap3A_1052 : vector<1x1x16xf32> to vector<16xf32>
        %swap3A_1054 = vector.shape_cast %add3A_1040 : vector<16xf32> to vector<1x1x16xf32>
        tpu.vector_store %arg7[%swap3A_1049, %swap3A_1050, %swap3A_1051], %swap3A_1054 {strides = array<i32>} : memref<2x64x32xf32, #tpu.memory_space<vmem>>, vector<1x1x16xf32>,
        %swap3A_1055 = arith.constant 1 : i32
        %swap3A_1056 = arith.index_cast %swap3A_1055 : i32 to index
        %swap3A_1057 = arith.index_cast %scan3A_609 : i32 to index
        %swap3A_1058 = arith.constant 16 : index
        %swap3A_1059 = tpu.vector_load %arg7[%swap3A_1056, %swap3A_1057, %swap3A_1058] {strides = array<i32>} : memref<2x64x32xf32, #tpu.memory_space<vmem>>, vector<1x1x16xf32>,
        %swap3A_1060 = vector.shape_cast %swap3A_1059 : vector<1x1x16xf32> to vector<16xf32>
        %swap3A_1061 = vector.shape_cast %add3A_1048 : vector<16xf32> to vector<1x1x16xf32>
        tpu.vector_store %arg7[%swap3A_1056, %swap3A_1057, %swap3A_1058], %swap3A_1061 {strides = array<i32>} : memref<2x64x32xf32, #tpu.memory_space<vmem>>, vector<1x1x16xf32>,
      }
      %scan3A_597 = arith.constant 64 : i32
      %add3A_598 = arith.addi %mul3A_2, %add3A_451 : i32
      %mul3A_599 = arith.constant 64 : i32
      %mul3A_600 = arith.muli %add3A_598, %mul3A_599 : i32
      %run_scoped3A_601 = arith.constant 1 : i32
      "tpu.region"() ({
        %run_scoped3A_609 = tpu.sem_alloc : memref<!tpu.dma_semaphore, #tpu.memory_space<semaphore_mem>>
        %dma_start3A_610 = arith.constant 0 : i32
        %dma_start3A_611 = arith.constant 0 : i32
        %dma_start3A_612 = tpu.memref_slice %arg7[%run_scoped3A_601, %dma_start3A_610, %dma_start3A_611] : memref<2x64x32xf32, #tpu.memory_space<vmem>> -> memref<1x64x32xf32, #tpu.memory_space<vmem>>
        %dma_start3A_613 = tpu.memref_squeeze %dma_start3A_612 : memref<1x64x32xf32, #tpu.memory_space<vmem>> -> memref<64x32xf32, #tpu.memory_space<vmem>>
        %dma_start3A_614 = arith.constant 0 : i32
        %dma_start3A_615 = tpu.memref_slice %arg4[%mul3A_600, %dma_start3A_614] : memref<106496x32xf32, #tpu.memory_space<hbm>> -> memref<64x32xf32, #tpu.memory_space<hbm>>
        %dma_start3A_616 = arith.constant 0 : i32
        %dma_start3A_617 = tpu.memref_slice %arg4[%mul3A_600, %dma_start3A_616] : memref<106496x32xf32, #tpu.memory_space<hbm>> -> memref<64x32xf32, #tpu.memory_space<hbm>>
        %dma_start3A_618 = arith.constant 0 : i32
        %dma_start3A_619 = arith.constant 0 : i32
        %dma_start3A_620 = tpu.memref_slice %arg7[%run_scoped3A_601, %dma_start3A_618, %dma_start3A_619] : memref<2x64x32xf32, #tpu.memory_space<vmem>> -> memref<1x64x32xf32, #tpu.memory_space<vmem>>
        %dma_start3A_621 = tpu.memref_squeeze %dma_start3A_620 : memref<1x64x32xf32, #tpu.memory_space<vmem>> -> memref<64x32xf32, #tpu.memory_space<vmem>>
        tpu.enqueue_dma source(%dma_start3A_621 : memref<64x32xf32, #tpu.memory_space<vmem>>) target(%dma_start3A_617 : memref<64x32xf32, #tpu.memory_space<hbm>>) target_semaphore(%run_scoped3A_609 : memref<!tpu.dma_semaphore, #tpu.memory_space<semaphore_mem>>)
        %dma_wait3A_622 = arith.constant 0 : i32
        %dma_wait3A_623 = arith.constant 0 : i32
        %dma_wait3A_624 = tpu.memref_slice %arg7[%run_scoped3A_601, %dma_wait3A_622, %dma_wait3A_623] : memref<2x64x32xf32, #tpu.memory_space<vmem>> -> memref<1x64x32xf32, #tpu.memory_space<vmem>>
        %dma_wait3A_625 = tpu.memref_squeeze %dma_wait3A_624 : memref<1x64x32xf32, #tpu.memory_space<vmem>> -> memref<64x32xf32, #tpu.memory_space<vmem>>
        %dma_wait3A_626 = arith.constant 0 : i32
        %dma_wait3A_627 = tpu.memref_slice %arg4[%mul3A_600, %dma_wait3A_626] : memref<106496x32xf32, #tpu.memory_space<hbm>> -> memref<64x32xf32, #tpu.memory_space<hbm>>
        %dma_wait3A_628 = arith.constant 0 : i32
        %dma_wait3A_629 = tpu.memref_slice %arg4[%mul3A_600, %dma_wait3A_628] : memref<106496x32xf32, #tpu.memory_space<hbm>> -> memref<64x32xf32, #tpu.memory_space<hbm>>
        %dma_wait3A_630 = arith.constant 0 : i32
        %dma_wait3A_631 = arith.constant 0 : i32
        %dma_wait3A_632 = tpu.memref_slice %arg7[%run_scoped3A_601, %dma_wait3A_630, %dma_wait3A_631] : memref<2x64x32xf32, #tpu.memory_space<vmem>> -> memref<1x64x32xf32, #tpu.memory_space<vmem>>
        %dma_wait3A_633 = tpu.memref_squeeze %dma_wait3A_632 : memref<1x64x32xf32, #tpu.memory_space<vmem>> -> memref<64x32xf32, #tpu.memory_space<vmem>>
        tpu.wait_dma2 semaphore(%run_scoped3A_609 : memref<!tpu.dma_semaphore, #tpu.memory_space<semaphore_mem>>) src(%dma_wait3A_633 : memref<64x32xf32, #tpu.memory_space<vmem>>) dst(%dma_wait3A_629 : memref<64x32xf32, #tpu.memory_space<hbm>>)
        tpu.yield
      }) : () -> ()
      %add3A_602 = arith.constant 2 : i32
      %add3A_603 = arith.addi %add3A_451, %add3A_602 : i32
      %lt3A_604 = arith.constant 52 : i32
      %lt3A_605 = arith.cmpi slt, %add3A_603, %lt3A_604 : i32
      %convert_element_type3A_606 = arith.extui %lt3A_605 : i1 to i32
      %cond3A_607 = arith.constant 0 : i32
      %cond3A_608 = arith.cmpi ne, %convert_element_type3A_606, %cond3A_607 : i32
      scf.if %cond3A_608 {
        %add3A_609 = arith.addi %mul3A_2, %add3A_603 : i32
        %run_scoped3A_610 = arith.constant 1 : i32
        "tpu.region"() ({
          %run_scoped3A_751 = tpu.sem_alloc : memref<!tpu.dma_semaphore, #tpu.memory_space<semaphore_mem>>
          %dma_start3A_752 = arith.constant 0 : i32
          %dma_start3A_753 = arith.constant 0 : i32
          %dma_start3A_754 = tpu.memref_slice %arg5[%run_scoped3A_610, %dma_start3A_752, %dma_start3A_753] : memref<2x10x128xi32, #tpu.memory_space<vmem>> -> memref<1x10x128xi32, #tpu.memory_space<vmem>>
          %dma_start3A_755 = tpu.memref_squeeze %dma_start3A_754 : memref<1x10x128xi32, #tpu.memory_space<vmem>> -> memref<10x128xi32, #tpu.memory_space<vmem>>
          %dma_start3A_756 = arith.constant 0 : i32
          %dma_start3A_757 = arith.constant 0 : i32
          %dma_start3A_758 = tpu.memref_slice %arg3[%add3A_609, %dma_start3A_756, %dma_start3A_757] : memref<1664x10x128xi32, #tpu.memory_space<hbm>> -> memref<1x10x128xi32, #tpu.memory_space<hbm>>
          %dma_start3A_759 = tpu.memref_squeeze %dma_start3A_758 : memref<1x10x128xi32, #tpu.memory_space<hbm>> -> memref<10x128xi32, #tpu.memory_space<hbm>>
          %dma_start3A_760 = arith.constant 0 : i32
          %dma_start3A_761 = arith.constant 0 : i32
          %dma_start3A_762 = tpu.memref_slice %arg5[%run_scoped3A_610, %dma_start3A_760, %dma_start3A_761] : memref<2x10x128xi32, #tpu.memory_space<vmem>> -> memref<1x10x128xi32, #tpu.memory_space<vmem>>
          %dma_start3A_763 = tpu.memref_squeeze %dma_start3A_762 : memref<1x10x128xi32, #tpu.memory_space<vmem>> -> memref<10x128xi32, #tpu.memory_space<vmem>>
          %dma_start3A_764 = arith.constant 0 : i32
          %dma_start3A_765 = arith.constant 0 : i32
          %dma_start3A_766 = tpu.memref_slice %arg3[%add3A_609, %dma_start3A_764, %dma_start3A_765] : memref<1664x10x128xi32, #tpu.memory_space<hbm>> -> memref<1x10x128xi32, #tpu.memory_space<hbm>>
          %dma_start3A_767 = tpu.memref_squeeze %dma_start3A_766 : memref<1x10x128xi32, #tpu.memory_space<hbm>> -> memref<10x128xi32, #tpu.memory_space<hbm>>
          tpu.enqueue_dma source(%dma_start3A_767 : memref<10x128xi32, #tpu.memory_space<hbm>>) target(%dma_start3A_763 : memref<10x128xi32, #tpu.memory_space<vmem>>) target_semaphore(%run_scoped3A_751 : memref<!tpu.dma_semaphore, #tpu.memory_space<semaphore_mem>>)
          %dma_wait3A_768 = arith.constant 0 : i32
          %dma_wait3A_769 = arith.constant 0 : i32
          %dma_wait3A_770 = tpu.memref_slice %arg5[%run_scoped3A_610, %dma_wait3A_768, %dma_wait3A_769] : memref<2x10x128xi32, #tpu.memory_space<vmem>> -> memref<1x10x128xi32, #tpu.memory_space<vmem>>
          %dma_wait3A_771 = tpu.memref_squeeze %dma_wait3A_770 : memref<1x10x128xi32, #tpu.memory_space<vmem>> -> memref<10x128xi32, #tpu.memory_space<vmem>>
          %dma_wait3A_772 = arith.constant 0 : i32
          %dma_wait3A_773 = arith.constant 0 : i32
          %dma_wait3A_774 = tpu.memref_slice %arg3[%add3A_609, %dma_wait3A_772, %dma_wait3A_773] : memref<1664x10x128xi32, #tpu.memory_space<hbm>> -> memref<1x10x128xi32, #tpu.memory_space<hbm>>
          %dma_wait3A_775 = tpu.memref_squeeze %dma_wait3A_774 : memref<1x10x128xi32, #tpu.memory_space<hbm>> -> memref<10x128xi32, #tpu.memory_space<hbm>>
          %dma_wait3A_776 = arith.constant 0 : i32
          %dma_wait3A_777 = arith.constant 0 : i32
          %dma_wait3A_778 = tpu.memref_slice %arg5[%run_scoped3A_610, %dma_wait3A_776, %dma_wait3A_777] : memref<2x10x128xi32, #tpu.memory_space<vmem>> -> memref<1x10x128xi32, #tpu.memory_space<vmem>>
          %dma_wait3A_779 = tpu.memref_squeeze %dma_wait3A_778 : memref<1x10x128xi32, #tpu.memory_space<vmem>> -> memref<10x128xi32, #tpu.memory_space<vmem>>
          %dma_wait3A_780 = arith.constant 0 : i32
          %dma_wait3A_781 = arith.constant 0 : i32
          %dma_wait3A_782 = tpu.memref_slice %arg3[%add3A_609, %dma_wait3A_780, %dma_wait3A_781] : memref<1664x10x128xi32, #tpu.memory_space<hbm>> -> memref<1x10x128xi32, #tpu.memory_space<hbm>>
          %dma_wait3A_783 = tpu.memref_squeeze %dma_wait3A_782 : memref<1x10x128xi32, #tpu.memory_space<hbm>> -> memref<10x128xi32, #tpu.memory_space<hbm>>
          tpu.wait_dma2 semaphore(%run_scoped3A_751 : memref<!tpu.dma_semaphore, #tpu.memory_space<semaphore_mem>>) src(%dma_wait3A_783 : memref<10x128xi32, #tpu.memory_space<hbm>>) dst(%dma_wait3A_779 : memref<10x128xi32, #tpu.memory_space<vmem>>)
          tpu.yield
        }) : () -> ()
        %dma_start3A_611 = arith.constant 1 : i32
        %dma_start3A_612 = arith.constant 0 : i32
        %dma_start3A_613 = arith.constant 1 : i32
        %dma_start3A_614 = arith.constant 0 : i32
        %dma_start3A_615 = arith.constant 0 : i32
        %dma_start3A_616 = arith.constant 0 : i32
        %dma_start3A_617 = tpu.memref_slice %arg6[%dma_start3A_613, %dma_start3A_614, %dma_start3A_615, %dma_start3A_616] : memref<2x10x128x32xf32, #tpu.memory_space<vmem>> -> memref<1x1x128x32xf32, #tpu.memory_space<vmem>>
        %dma_start3A_618 = tpu.memref_squeeze %dma_start3A_617 : memref<1x1x128x32xf32, #tpu.memory_space<vmem>> -> memref<128x32xf32, #tpu.memory_space<vmem>>
        %dma_start3A_619 = arith.constant 0 : i32
        %dma_start3A_620 = tpu.memref_slice %arg5[%dma_start3A_611, %dma_start3A_612, %dma_start3A_619] : memref<2x10x128xi32, #tpu.memory_space<vmem>> -> memref<1x1x128xi32, #tpu.memory_space<vmem>>
        %dma_start3A_621 = tpu.memref_squeeze %dma_start3A_620 : memref<1x1x128xi32, #tpu.memory_space<vmem>> -> memref<128xi32, #tpu.memory_space<vmem>>
        %dma_start3A_622 = arith.constant 0 : i32
        %dma_start3A_623 = arith.constant 0 : i32
        %dma_start3A_624 = tpu.memref_slice %arg2[%dma_start3A_622, %dma_start3A_623] : memref<2612480x32xf32, #tpu.memory_space<hbm>> -> memref<2612480x32xf32, #tpu.memory_space<hbm>>
        tpu.enqueue_indirect_dma source(%dma_start3A_624 : memref<2612480x32xf32, #tpu.memory_space<hbm>>) target(%dma_start3A_618 : memref<128x32xf32, #tpu.memory_space<vmem>>) offsets(%dma_start3A_621 : memref<128xi32, #tpu.memory_space<vmem>>) semaphore(%arg9 : memref<!tpu.dma_semaphore, #tpu.memory_space<semaphore_mem>>)
        %dma_start3A_625 = arith.constant 1 : i32
        %dma_start3A_626 = arith.constant 1 : i32
        %dma_start3A_627 = arith.constant 1 : i32
        %dma_start3A_628 = arith.constant 1 : i32
        %dma_start3A_629 = arith.constant 0 : i32
        %dma_start3A_630 = arith.constant 0 : i32
        %dma_start3A_631 = tpu.memref_slice %arg6[%dma_start3A_627, %dma_start3A_628, %dma_start3A_629, %dma_start3A_630] : memref<2x10x128x32xf32, #tpu.memory_space<vmem>> -> memref<1x1x128x32xf32, #tpu.memory_space<vmem>>
        %dma_start3A_632 = tpu.memref_squeeze %dma_start3A_631 : memref<1x1x128x32xf32, #tpu.memory_space<vmem>> -> memref<128x32xf32, #tpu.memory_space<vmem>>
        %dma_start3A_633 = arith.constant 0 : i32
        %dma_start3A_634 = tpu.memref_slice %arg5[%dma_start3A_625, %dma_start3A_626, %dma_start3A_633] : memref<2x10x128xi32, #tpu.memory_space<vmem>> -> memref<1x1x128xi32, #tpu.memory_space<vmem>>
        %dma_start3A_635 = tpu.memref_squeeze %dma_start3A_634 : memref<1x1x128xi32, #tpu.memory_space<vmem>> -> memref<128xi32, #tpu.memory_space<vmem>>
        %dma_start3A_636 = arith.constant 0 : i32
        %dma_start3A_637 = arith.constant 0 : i32
        %dma_start3A_638 = tpu.memref_slice %arg2[%dma_start3A_636, %dma_start3A_637] : memref<2612480x32xf32, #tpu.memory_space<hbm>> -> memref<2612480x32xf32, #tpu.memory_space<hbm>>
        tpu.enqueue_indirect_dma source(%dma_start3A_638 : memref<2612480x32xf32, #tpu.memory_space<hbm>>) target(%dma_start3A_632 : memref<128x32xf32, #tpu.memory_space<vmem>>) offsets(%dma_start3A_635 : memref<128xi32, #tpu.memory_space<vmem>>) semaphore(%arg9 : memref<!tpu.dma_semaphore, #tpu.memory_space<semaphore_mem>>)
        %dma_start3A_639 = arith.constant 1 : i32
        %dma_start3A_640 = arith.constant 2 : i32
        %dma_start3A_641 = arith.constant 1 : i32
        %dma_start3A_642 = arith.constant 2 : i32
        %dma_start3A_643 = arith.constant 0 : i32
        %dma_start3A_644 = arith.constant 0 : i32
        %dma_start3A_645 = tpu.memref_slice %arg6[%dma_start3A_641, %dma_start3A_642, %dma_start3A_643, %dma_start3A_644] : memref<2x10x128x32xf32, #tpu.memory_space<vmem>> -> memref<1x1x128x32xf32, #tpu.memory_space<vmem>>
        %dma_start3A_646 = tpu.memref_squeeze %dma_start3A_645 : memref<1x1x128x32xf32, #tpu.memory_space<vmem>> -> memref<128x32xf32, #tpu.memory_space<vmem>>
        %dma_start3A_647 = arith.constant 0 : i32
        %dma_start3A_648 = tpu.memref_slice %arg5[%dma_start3A_639, %dma_start3A_640, %dma_start3A_647] : memref<2x10x128xi32, #tpu.memory_space<vmem>> -> memref<1x1x128xi32, #tpu.memory_space<vmem>>
        %dma_start3A_649 = tpu.memref_squeeze %dma_start3A_648 : memref<1x1x128xi32, #tpu.memory_space<vmem>> -> memref<128xi32, #tpu.memory_space<vmem>>
        %dma_start3A_650 = arith.constant 0 : i32
        %dma_start3A_651 = arith.constant 0 : i32
        %dma_start3A_652 = tpu.memref_slice %arg2[%dma_start3A_650, %dma_start3A_651] : memref<2612480x32xf32, #tpu.memory_space<hbm>> -> memref<2612480x32xf32, #tpu.memory_space<hbm>>
        tpu.enqueue_indirect_dma source(%dma_start3A_652 : memref<2612480x32xf32, #tpu.memory_space<hbm>>) target(%dma_start3A_646 : memref<128x32xf32, #tpu.memory_space<vmem>>) offsets(%dma_start3A_649 : memref<128xi32, #tpu.memory_space<vmem>>) semaphore(%arg9 : memref<!tpu.dma_semaphore, #tpu.memory_space<semaphore_mem>>)
        %dma_start3A_653 = arith.constant 1 : i32
        %dma_start3A_654 = arith.constant 3 : i32
        %dma_start3A_655 = arith.constant 1 : i32
        %dma_start3A_656 = arith.constant 3 : i32
        %dma_start3A_657 = arith.constant 0 : i32
        %dma_start3A_658 = arith.constant 0 : i32
        %dma_start3A_659 = tpu.memref_slice %arg6[%dma_start3A_655, %dma_start3A_656, %dma_start3A_657, %dma_start3A_658] : memref<2x10x128x32xf32, #tpu.memory_space<vmem>> -> memref<1x1x128x32xf32, #tpu.memory_space<vmem>>
        %dma_start3A_660 = tpu.memref_squeeze %dma_start3A_659 : memref<1x1x128x32xf32, #tpu.memory_space<vmem>> -> memref<128x32xf32, #tpu.memory_space<vmem>>
        %dma_start3A_661 = arith.constant 0 : i32
        %dma_start3A_662 = tpu.memref_slice %arg5[%dma_start3A_653, %dma_start3A_654, %dma_start3A_661] : memref<2x10x128xi32, #tpu.memory_space<vmem>> -> memref<1x1x128xi32, #tpu.memory_space<vmem>>
        %dma_start3A_663 = tpu.memref_squeeze %dma_start3A_662 : memref<1x1x128xi32, #tpu.memory_space<vmem>> -> memref<128xi32, #tpu.memory_space<vmem>>
        %dma_start3A_664 = arith.constant 0 : i32
        %dma_start3A_665 = arith.constant 0 : i32
        %dma_start3A_666 = tpu.memref_slice %arg2[%dma_start3A_664, %dma_start3A_665] : memref<2612480x32xf32, #tpu.memory_space<hbm>> -> memref<2612480x32xf32, #tpu.memory_space<hbm>>
        tpu.enqueue_indirect_dma source(%dma_start3A_666 : memref<2612480x32xf32, #tpu.memory_space<hbm>>) target(%dma_start3A_660 : memref<128x32xf32, #tpu.memory_space<vmem>>) offsets(%dma_start3A_663 : memref<128xi32, #tpu.memory_space<vmem>>) semaphore(%arg9 : memref<!tpu.dma_semaphore, #tpu.memory_space<semaphore_mem>>)
        %dma_start3A_667 = arith.constant 1 : i32
        %dma_start3A_668 = arith.constant 4 : i32
        %dma_start3A_669 = arith.constant 1 : i32
        %dma_start3A_670 = arith.constant 4 : i32
        %dma_start3A_671 = arith.constant 0 : i32
        %dma_start3A_672 = arith.constant 0 : i32
        %dma_start3A_673 = tpu.memref_slice %arg6[%dma_start3A_669, %dma_start3A_670, %dma_start3A_671, %dma_start3A_672] : memref<2x10x128x32xf32, #tpu.memory_space<vmem>> -> memref<1x1x128x32xf32, #tpu.memory_space<vmem>>
        %dma_start3A_674 = tpu.memref_squeeze %dma_start3A_673 : memref<1x1x128x32xf32, #tpu.memory_space<vmem>> -> memref<128x32xf32, #tpu.memory_space<vmem>>
        %dma_start3A_675 = arith.constant 0 : i32
        %dma_start3A_676 = tpu.memref_slice %arg5[%dma_start3A_667, %dma_start3A_668, %dma_start3A_675] : memref<2x10x128xi32, #tpu.memory_space<vmem>> -> memref<1x1x128xi32, #tpu.memory_space<vmem>>
        %dma_start3A_677 = tpu.memref_squeeze %dma_start3A_676 : memref<1x1x128xi32, #tpu.memory_space<vmem>> -> memref<128xi32, #tpu.memory_space<vmem>>
        %dma_start3A_678 = arith.constant 0 : i32
        %dma_start3A_679 = arith.constant 0 : i32
        %dma_start3A_680 = tpu.memref_slice %arg2[%dma_start3A_678, %dma_start3A_679] : memref<2612480x32xf32, #tpu.memory_space<hbm>> -> memref<2612480x32xf32, #tpu.memory_space<hbm>>
        tpu.enqueue_indirect_dma source(%dma_start3A_680 : memref<2612480x32xf32, #tpu.memory_space<hbm>>) target(%dma_start3A_674 : memref<128x32xf32, #tpu.memory_space<vmem>>) offsets(%dma_start3A_677 : memref<128xi32, #tpu.memory_space<vmem>>) semaphore(%arg9 : memref<!tpu.dma_semaphore, #tpu.memory_space<semaphore_mem>>)
        %dma_start3A_681 = arith.constant 1 : i32
        %dma_start3A_682 = arith.constant 5 : i32
        %dma_start3A_683 = arith.constant 1 : i32
        %dma_start3A_684 = arith.constant 5 : i32
        %dma_start3A_685 = arith.constant 0 : i32
        %dma_start3A_686 = arith.constant 0 : i32
        %dma_start3A_687 = tpu.memref_slice %arg6[%dma_start3A_683, %dma_start3A_684, %dma_start3A_685, %dma_start3A_686] : memref<2x10x128x32xf32, #tpu.memory_space<vmem>> -> memref<1x1x128x32xf32, #tpu.memory_space<vmem>>
        %dma_start3A_688 = tpu.memref_squeeze %dma_start3A_687 : memref<1x1x128x32xf32, #tpu.memory_space<vmem>> -> memref<128x32xf32, #tpu.memory_space<vmem>>
        %dma_start3A_689 = arith.constant 0 : i32
        %dma_start3A_690 = tpu.memref_slice %arg5[%dma_start3A_681, %dma_start3A_682, %dma_start3A_689] : memref<2x10x128xi32, #tpu.memory_space<vmem>> -> memref<1x1x128xi32, #tpu.memory_space<vmem>>
        %dma_start3A_691 = tpu.memref_squeeze %dma_start3A_690 : memref<1x1x128xi32, #tpu.memory_space<vmem>> -> memref<128xi32, #tpu.memory_space<vmem>>
        %dma_start3A_692 = arith.constant 0 : i32
        %dma_start3A_693 = arith.constant 0 : i32
        %dma_start3A_694 = tpu.memref_slice %arg2[%dma_start3A_692, %dma_start3A_693] : memref<2612480x32xf32, #tpu.memory_space<hbm>> -> memref<2612480x32xf32, #tpu.memory_space<hbm>>
        tpu.enqueue_indirect_dma source(%dma_start3A_694 : memref<2612480x32xf32, #tpu.memory_space<hbm>>) target(%dma_start3A_688 : memref<128x32xf32, #tpu.memory_space<vmem>>) offsets(%dma_start3A_691 : memref<128xi32, #tpu.memory_space<vmem>>) semaphore(%arg9 : memref<!tpu.dma_semaphore, #tpu.memory_space<semaphore_mem>>)
        %dma_start3A_695 = arith.constant 1 : i32
        %dma_start3A_696 = arith.constant 6 : i32
        %dma_start3A_697 = arith.constant 1 : i32
        %dma_start3A_698 = arith.constant 6 : i32
        %dma_start3A_699 = arith.constant 0 : i32
        %dma_start3A_700 = arith.constant 0 : i32
        %dma_start3A_701 = tpu.memref_slice %arg6[%dma_start3A_697, %dma_start3A_698, %dma_start3A_699, %dma_start3A_700] : memref<2x10x128x32xf32, #tpu.memory_space<vmem>> -> memref<1x1x128x32xf32, #tpu.memory_space<vmem>>
        %dma_start3A_702 = tpu.memref_squeeze %dma_start3A_701 : memref<1x1x128x32xf32, #tpu.memory_space<vmem>> -> memref<128x32xf32, #tpu.memory_space<vmem>>
        %dma_start3A_703 = arith.constant 0 : i32
        %dma_start3A_704 = tpu.memref_slice %arg5[%dma_start3A_695, %dma_start3A_696, %dma_start3A_703] : memref<2x10x128xi32, #tpu.memory_space<vmem>> -> memref<1x1x128xi32, #tpu.memory_space<vmem>>
        %dma_start3A_705 = tpu.memref_squeeze %dma_start3A_704 : memref<1x1x128xi32, #tpu.memory_space<vmem>> -> memref<128xi32, #tpu.memory_space<vmem>>
        %dma_start3A_706 = arith.constant 0 : i32
        %dma_start3A_707 = arith.constant 0 : i32
        %dma_start3A_708 = tpu.memref_slice %arg2[%dma_start3A_706, %dma_start3A_707] : memref<2612480x32xf32, #tpu.memory_space<hbm>> -> memref<2612480x32xf32, #tpu.memory_space<hbm>>
        tpu.enqueue_indirect_dma source(%dma_start3A_708 : memref<2612480x32xf32, #tpu.memory_space<hbm>>) target(%dma_start3A_702 : memref<128x32xf32, #tpu.memory_space<vmem>>) offsets(%dma_start3A_705 : memref<128xi32, #tpu.memory_space<vmem>>) semaphore(%arg9 : memref<!tpu.dma_semaphore, #tpu.memory_space<semaphore_mem>>)
        %dma_start3A_709 = arith.constant 1 : i32
        %dma_start3A_710 = arith.constant 7 : i32
        %dma_start3A_711 = arith.constant 1 : i32
        %dma_start3A_712 = arith.constant 7 : i32
        %dma_start3A_713 = arith.constant 0 : i32
        %dma_start3A_714 = arith.constant 0 : i32
        %dma_start3A_715 = tpu.memref_slice %arg6[%dma_start3A_711, %dma_start3A_712, %dma_start3A_713, %dma_start3A_714] : memref<2x10x128x32xf32, #tpu.memory_space<vmem>> -> memref<1x1x128x32xf32, #tpu.memory_space<vmem>>
        %dma_start3A_716 = tpu.memref_squeeze %dma_start3A_715 : memref<1x1x128x32xf32, #tpu.memory_space<vmem>> -> memref<128x32xf32, #tpu.memory_space<vmem>>
        %dma_start3A_717 = arith.constant 0 : i32
        %dma_start3A_718 = tpu.memref_slice %arg5[%dma_start3A_709, %dma_start3A_710, %dma_start3A_717] : memref<2x10x128xi32, #tpu.memory_space<vmem>> -> memref<1x1x128xi32, #tpu.memory_space<vmem>>
        %dma_start3A_719 = tpu.memref_squeeze %dma_start3A_718 : memref<1x1x128xi32, #tpu.memory_space<vmem>> -> memref<128xi32, #tpu.memory_space<vmem>>
        %dma_start3A_720 = arith.constant 0 : i32
        %dma_start3A_721 = arith.constant 0 : i32
        %dma_start3A_722 = tpu.memref_slice %arg2[%dma_start3A_720, %dma_start3A_721] : memref<2612480x32xf32, #tpu.memory_space<hbm>> -> memref<2612480x32xf32, #tpu.memory_space<hbm>>
        tpu.enqueue_indirect_dma source(%dma_start3A_722 : memref<2612480x32xf32, #tpu.memory_space<hbm>>) target(%dma_start3A_716 : memref<128x32xf32, #tpu.memory_space<vmem>>) offsets(%dma_start3A_719 : memref<128xi32, #tpu.memory_space<vmem>>) semaphore(%arg9 : memref<!tpu.dma_semaphore, #tpu.memory_space<semaphore_mem>>)
        %dma_start3A_723 = arith.constant 1 : i32
        %dma_start3A_724 = arith.constant 8 : i32
        %dma_start3A_725 = arith.constant 1 : i32
        %dma_start3A_726 = arith.constant 8 : i32
        %dma_start3A_727 = arith.constant 0 : i32
        %dma_start3A_728 = arith.constant 0 : i32
        %dma_start3A_729 = tpu.memref_slice %arg6[%dma_start3A_725, %dma_start3A_726, %dma_start3A_727, %dma_start3A_728] : memref<2x10x128x32xf32, #tpu.memory_space<vmem>> -> memref<1x1x128x32xf32, #tpu.memory_space<vmem>>
        %dma_start3A_730 = tpu.memref_squeeze %dma_start3A_729 : memref<1x1x128x32xf32, #tpu.memory_space<vmem>> -> memref<128x32xf32, #tpu.memory_space<vmem>>
        %dma_start3A_731 = arith.constant 0 : i32
        %dma_start3A_732 = tpu.memref_slice %arg5[%dma_start3A_723, %dma_start3A_724, %dma_start3A_731] : memref<2x10x128xi32, #tpu.memory_space<vmem>> -> memref<1x1x128xi32, #tpu.memory_space<vmem>>
        %dma_start3A_733 = tpu.memref_squeeze %dma_start3A_732 : memref<1x1x128xi32, #tpu.memory_space<vmem>> -> memref<128xi32, #tpu.memory_space<vmem>>
        %dma_start3A_734 = arith.constant 0 : i32
        %dma_start3A_735 = arith.constant 0 : i32
        %dma_start3A_736 = tpu.memref_slice %arg2[%dma_start3A_734, %dma_start3A_735] : memref<2612480x32xf32, #tpu.memory_space<hbm>> -> memref<2612480x32xf32, #tpu.memory_space<hbm>>
        tpu.enqueue_indirect_dma source(%dma_start3A_736 : memref<2612480x32xf32, #tpu.memory_space<hbm>>) target(%dma_start3A_730 : memref<128x32xf32, #tpu.memory_space<vmem>>) offsets(%dma_start3A_733 : memref<128xi32, #tpu.memory_space<vmem>>) semaphore(%arg9 : memref<!tpu.dma_semaphore, #tpu.memory_space<semaphore_mem>>)
        %dma_start3A_737 = arith.constant 1 : i32
        %dma_start3A_738 = arith.constant 9 : i32
        %dma_start3A_739 = arith.constant 1 : i32
        %dma_start3A_740 = arith.constant 9 : i32
        %dma_start3A_741 = arith.constant 0 : i32
        %dma_start3A_742 = arith.constant 0 : i32
        %dma_start3A_743 = tpu.memref_slice %arg6[%dma_start3A_739, %dma_start3A_740, %dma_start3A_741, %dma_start3A_742] : memref<2x10x128x32xf32, #tpu.memory_space<vmem>> -> memref<1x1x128x32xf32, #tpu.memory_space<vmem>>
        %dma_start3A_744 = tpu.memref_squeeze %dma_start3A_743 : memref<1x1x128x32xf32, #tpu.memory_space<vmem>> -> memref<128x32xf32, #tpu.memory_space<vmem>>
        %dma_start3A_745 = arith.constant 0 : i32
        %dma_start3A_746 = tpu.memref_slice %arg5[%dma_start3A_737, %dma_start3A_738, %dma_start3A_745] : memref<2x10x128xi32, #tpu.memory_space<vmem>> -> memref<1x1x128xi32, #tpu.memory_space<vmem>>
        %dma_start3A_747 = tpu.memref_squeeze %dma_start3A_746 : memref<1x1x128xi32, #tpu.memory_space<vmem>> -> memref<128xi32, #tpu.memory_space<vmem>>
        %dma_start3A_748 = arith.constant 0 : i32
        %dma_start3A_749 = arith.constant 0 : i32
        %dma_start3A_750 = tpu.memref_slice %arg2[%dma_start3A_748, %dma_start3A_749] : memref<2612480x32xf32, #tpu.memory_space<hbm>> -> memref<2612480x32xf32, #tpu.memory_space<hbm>>
        tpu.enqueue_indirect_dma source(%dma_start3A_750 : memref<2612480x32xf32, #tpu.memory_space<hbm>>) target(%dma_start3A_744 : memref<128x32xf32, #tpu.memory_space<vmem>>) offsets(%dma_start3A_747 : memref<128xi32, #tpu.memory_space<vmem>>) semaphore(%arg9 : memref<!tpu.dma_semaphore, #tpu.memory_space<semaphore_mem>>)
      } else {
      }
    }
    %scan3A_289 = arith.constant 26 : i32
    return
  }
}

module attributes {stable_mosaic.version = 14 : i64} {
  func.func @_lin_body(%arg0: i32, %arg1: memref<1x32x100000xf32, #tpu.memory_space<vmem>>, %arg2: memref<1x32x128xf32, #tpu.memory_space<vmem>>, %arg3: memref<25120x128xf32, #tpu.memory_space<vmem>>) attributes {dimension_semantics = [#tpu.dimension_semantics<arbitrary>], iteration_bounds = array<i64: 26>, scalar_prefetch = 0 : i64, scratch_operands = 0 : i64, tpu.core_type = #tpu.core_type<tc>, window_params = [{transform_indices = @transform_0, window_bounds = array<i64: 1, 32, 100000>}, {transform_indices = @transform_1, window_bounds = array<i64: 1, 32, 128>}, {transform_indices = @transform_2, window_bounds = array<i64: 25120, 128>}]} {
    %get3A = arith.constant 0 : index
    %get3A_0 = arith.constant 0 : index
    %get3A_1 = arith.constant 0 : index
    %get3A_2 = vector.load %arg1[%get3A, %get3A_0, %get3A_1] : memref<1x32x100000xf32, #tpu.memory_space<vmem>>, vector<1x32x100000xf32>
    %get3A_3 = vector.shape_cast %get3A_2 : vector<1x32x100000xf32> to vector<32x100000xf32>
    %slice3A = vector.extract_strided_slice %get3A_3 {offsets = [0, 0], sizes = [32, 3584], strides = [1, 1]} : vector<32x100000xf32> to vector<32x3584xf32>
    %slice3A_4 = vector.extract_strided_slice %get3A_3 {offsets = [0, 24960], sizes = [32, 3584], strides = [1, 1]} : vector<32x100000xf32> to vector<32x3584xf32>
    %slice3A_5 = vector.extract_strided_slice %get3A_3 {offsets = [0, 49920], sizes = [32, 3584], strides = [1, 1]} : vector<32x100000xf32> to vector<32x3584xf32>
    %slice3A_6 = vector.extract_strided_slice %get3A_3 {offsets = [0, 74880], sizes = [32, 3584], strides = [1, 1]} : vector<32x100000xf32> to vector<32x3584xf32>
    %concatenate3A = tpu.concatenate %slice3A, %slice3A_4, %slice3A_5, %slice3A_6 in 0 : vector<32x3584xf32>, vector<32x3584xf32>, vector<32x3584xf32>, vector<32x3584xf32> -> vector<128x3584xf32>
    %transpose3A = tpu.transpose %concatenate3A, [1, 0] : vector<128x3584xf32> -> vector<3584x128xf32>
    %swap3A = arith.constant 0 : index
    %swap3A_7 = arith.constant 0 : index
    %swap3A_8 = vector.load %arg3[%swap3A, %swap3A_7] : memref<25120x128xf32, #tpu.memory_space<vmem>>, vector<3584x128xf32>
    tpu.vector_store %arg3[%swap3A, %swap3A_7], %transpose3A {strides = array<i32>} : memref<25120x128xf32, #tpu.memory_space<vmem>>, vector<3584x128xf32>,
    %slice3A_9 = vector.extract_strided_slice %get3A_3 {offsets = [0, 3584], sizes = [32, 3584], strides = [1, 1]} : vector<32x100000xf32> to vector<32x3584xf32>
    %slice3A_10 = vector.extract_strided_slice %get3A_3 {offsets = [0, 28544], sizes = [32, 3584], strides = [1, 1]} : vector<32x100000xf32> to vector<32x3584xf32>
    %slice3A_11 = vector.extract_strided_slice %get3A_3 {offsets = [0, 53504], sizes = [32, 3584], strides = [1, 1]} : vector<32x100000xf32> to vector<32x3584xf32>
    %slice3A_12 = vector.extract_strided_slice %get3A_3 {offsets = [0, 78464], sizes = [32, 3584], strides = [1, 1]} : vector<32x100000xf32> to vector<32x3584xf32>
    %concatenate3A_13 = tpu.concatenate %slice3A_9, %slice3A_10, %slice3A_11, %slice3A_12 in 0 : vector<32x3584xf32>, vector<32x3584xf32>, vector<32x3584xf32>, vector<32x3584xf32> -> vector<128x3584xf32>
    %transpose3A_14 = tpu.transpose %concatenate3A_13, [1, 0] : vector<128x3584xf32> -> vector<3584x128xf32>
    %swap3A_15 = arith.constant 3584 : index
    %swap3A_16 = arith.constant 0 : index
    %swap3A_17 = vector.load %arg3[%swap3A_15, %swap3A_16] : memref<25120x128xf32, #tpu.memory_space<vmem>>, vector<3584x128xf32>
    tpu.vector_store %arg3[%swap3A_15, %swap3A_16], %transpose3A_14 {strides = array<i32>} : memref<25120x128xf32, #tpu.memory_space<vmem>>, vector<3584x128xf32>,
    %slice3A_18 = vector.extract_strided_slice %get3A_3 {offsets = [0, 7168], sizes = [32, 3584], strides = [1, 1]} : vector<32x100000xf32> to vector<32x3584xf32>
    %slice3A_19 = vector.extract_strided_slice %get3A_3 {offsets = [0, 32128], sizes = [32, 3584], strides = [1, 1]} : vector<32x100000xf32> to vector<32x3584xf32>
    %slice3A_20 = vector.extract_strided_slice %get3A_3 {offsets = [0, 57088], sizes = [32, 3584], strides = [1, 1]} : vector<32x100000xf32> to vector<32x3584xf32>
    %slice3A_21 = vector.extract_strided_slice %get3A_3 {offsets = [0, 82048], sizes = [32, 3584], strides = [1, 1]} : vector<32x100000xf32> to vector<32x3584xf32>
    %concatenate3A_22 = tpu.concatenate %slice3A_18, %slice3A_19, %slice3A_20, %slice3A_21 in 0 : vector<32x3584xf32>, vector<32x3584xf32>, vector<32x3584xf32>, vector<32x3584xf32> -> vector<128x3584xf32>
    %transpose3A_23 = tpu.transpose %concatenate3A_22, [1, 0] : vector<128x3584xf32> -> vector<3584x128xf32>
    %swap3A_24 = arith.constant 7168 : index
    %swap3A_25 = arith.constant 0 : index
    %swap3A_26 = vector.load %arg3[%swap3A_24, %swap3A_25] : memref<25120x128xf32, #tpu.memory_space<vmem>>, vector<3584x128xf32>
    tpu.vector_store %arg3[%swap3A_24, %swap3A_25], %transpose3A_23 {strides = array<i32>} : memref<25120x128xf32, #tpu.memory_space<vmem>>, vector<3584x128xf32>,
    %slice3A_27 = vector.extract_strided_slice %get3A_3 {offsets = [0, 10752], sizes = [32, 3584], strides = [1, 1]} : vector<32x100000xf32> to vector<32x3584xf32>
    %slice3A_28 = vector.extract_strided_slice %get3A_3 {offsets = [0, 35712], sizes = [32, 3584], strides = [1, 1]} : vector<32x100000xf32> to vector<32x3584xf32>
    %slice3A_29 = vector.extract_strided_slice %get3A_3 {offsets = [0, 60672], sizes = [32, 3584], strides = [1, 1]} : vector<32x100000xf32> to vector<32x3584xf32>
    %slice3A_30 = vector.extract_strided_slice %get3A_3 {offsets = [0, 85632], sizes = [32, 3584], strides = [1, 1]} : vector<32x100000xf32> to vector<32x3584xf32>
    %concatenate3A_31 = tpu.concatenate %slice3A_27, %slice3A_28, %slice3A_29, %slice3A_30 in 0 : vector<32x3584xf32>, vector<32x3584xf32>, vector<32x3584xf32>, vector<32x3584xf32> -> vector<128x3584xf32>
    %transpose3A_32 = tpu.transpose %concatenate3A_31, [1, 0] : vector<128x3584xf32> -> vector<3584x128xf32>
    %swap3A_33 = arith.constant 10752 : index
    %swap3A_34 = arith.constant 0 : index
    %swap3A_35 = vector.load %arg3[%swap3A_33, %swap3A_34] : memref<25120x128xf32, #tpu.memory_space<vmem>>, vector<3584x128xf32>
    tpu.vector_store %arg3[%swap3A_33, %swap3A_34], %transpose3A_32 {strides = array<i32>} : memref<25120x128xf32, #tpu.memory_space<vmem>>, vector<3584x128xf32>,
    %slice3A_36 = vector.extract_strided_slice %get3A_3 {offsets = [0, 14336], sizes = [32, 3584], strides = [1, 1]} : vector<32x100000xf32> to vector<32x3584xf32>
    %slice3A_37 = vector.extract_strided_slice %get3A_3 {offsets = [0, 39296], sizes = [32, 3584], strides = [1, 1]} : vector<32x100000xf32> to vector<32x3584xf32>
    %slice3A_38 = vector.extract_strided_slice %get3A_3 {offsets = [0, 64256], sizes = [32, 3584], strides = [1, 1]} : vector<32x100000xf32> to vector<32x3584xf32>
    %slice3A_39 = vector.extract_strided_slice %get3A_3 {offsets = [0, 89216], sizes = [32, 3584], strides = [1, 1]} : vector<32x100000xf32> to vector<32x3584xf32>
    %concatenate3A_40 = tpu.concatenate %slice3A_36, %slice3A_37, %slice3A_38, %slice3A_39 in 0 : vector<32x3584xf32>, vector<32x3584xf32>, vector<32x3584xf32>, vector<32x3584xf32> -> vector<128x3584xf32>
    %transpose3A_41 = tpu.transpose %concatenate3A_40, [1, 0] : vector<128x3584xf32> -> vector<3584x128xf32>
    %swap3A_42 = arith.constant 14336 : index
    %swap3A_43 = arith.constant 0 : index
    %swap3A_44 = vector.load %arg3[%swap3A_42, %swap3A_43] : memref<25120x128xf32, #tpu.memory_space<vmem>>, vector<3584x128xf32>
    tpu.vector_store %arg3[%swap3A_42, %swap3A_43], %transpose3A_41 {strides = array<i32>} : memref<25120x128xf32, #tpu.memory_space<vmem>>, vector<3584x128xf32>,
    %slice3A_45 = vector.extract_strided_slice %get3A_3 {offsets = [0, 17920], sizes = [32, 3584], strides = [1, 1]} : vector<32x100000xf32> to vector<32x3584xf32>
    %slice3A_46 = vector.extract_strided_slice %get3A_3 {offsets = [0, 42880], sizes = [32, 3584], strides = [1, 1]} : vector<32x100000xf32> to vector<32x3584xf32>
    %slice3A_47 = vector.extract_strided_slice %get3A_3 {offsets = [0, 67840], sizes = [32, 3584], strides = [1, 1]} : vector<32x100000xf32> to vector<32x3584xf32>
    %slice3A_48 = vector.extract_strided_slice %get3A_3 {offsets = [0, 92800], sizes = [32, 3584], strides = [1, 1]} : vector<32x100000xf32> to vector<32x3584xf32>
    %concatenate3A_49 = tpu.concatenate %slice3A_45, %slice3A_46, %slice3A_47, %slice3A_48 in 0 : vector<32x3584xf32>, vector<32x3584xf32>, vector<32x3584xf32>, vector<32x3584xf32> -> vector<128x3584xf32>
    %transpose3A_50 = tpu.transpose %concatenate3A_49, [1, 0] : vector<128x3584xf32> -> vector<3584x128xf32>
    %swap3A_51 = arith.constant 17920 : index
    %swap3A_52 = arith.constant 0 : index
    %swap3A_53 = vector.load %arg3[%swap3A_51, %swap3A_52] : memref<25120x128xf32, #tpu.memory_space<vmem>>, vector<3584x128xf32>
    tpu.vector_store %arg3[%swap3A_51, %swap3A_52], %transpose3A_50 {strides = array<i32>} : memref<25120x128xf32, #tpu.memory_space<vmem>>, vector<3584x128xf32>,
    %slice3A_54 = vector.extract_strided_slice %get3A_3 {offsets = [0, 21504], sizes = [32, 3584], strides = [1, 1]} : vector<32x100000xf32> to vector<32x3584xf32>
    %slice3A_55 = vector.extract_strided_slice %get3A_3 {offsets = [0, 46464], sizes = [32, 3584], strides = [1, 1]} : vector<32x100000xf32> to vector<32x3584xf32>
    %slice3A_56 = vector.extract_strided_slice %get3A_3 {offsets = [0, 71424], sizes = [32, 3584], strides = [1, 1]} : vector<32x100000xf32> to vector<32x3584xf32>
    %slice3A_57 = vector.extract_strided_slice %get3A_3 {offsets = [0, 96384], sizes = [32, 3584], strides = [1, 1]} : vector<32x100000xf32> to vector<32x3584xf32>
    %concatenate3A_58 = tpu.concatenate %slice3A_54, %slice3A_55, %slice3A_56, %slice3A_57 in 0 : vector<32x3584xf32>, vector<32x3584xf32>, vector<32x3584xf32>, vector<32x3584xf32> -> vector<128x3584xf32>
    %transpose3A_59 = tpu.transpose %concatenate3A_58, [1, 0] : vector<128x3584xf32> -> vector<3584x128xf32>
    %swap3A_60 = arith.constant 21504 : index
    %swap3A_61 = arith.constant 0 : index
    %swap3A_62 = vector.load %arg3[%swap3A_60, %swap3A_61] : memref<25120x128xf32, #tpu.memory_space<vmem>>, vector<3584x128xf32>
    tpu.vector_store %arg3[%swap3A_60, %swap3A_61], %transpose3A_59 {strides = array<i32>} : memref<25120x128xf32, #tpu.memory_space<vmem>>, vector<3584x128xf32>,
    %get3A_63 = arith.constant 0 : index
    %get3A_64 = arith.constant 0 : index
    %get3A_65 = arith.constant 0 : index
    %get3A_66 = vector.load %arg2[%get3A_63, %get3A_64, %get3A_65] : memref<1x32x128xf32, #tpu.memory_space<vmem>>, vector<1x32x128xf32>
    %get3A_67 = vector.shape_cast %get3A_66 : vector<1x32x128xf32> to vector<32x128xf32>
    %slice3A_68 = vector.extract_strided_slice %get3A_67 {offsets = [0, 0], sizes = [32, 32], strides = [1, 1]} : vector<32x128xf32> to vector<32x32xf32>
    %get3A_69 = arith.constant 0 : index
    %get3A_70 = arith.constant 0 : index
    %get3A_71 = arith.constant 0 : index
    %get3A_72 = vector.load %arg2[%get3A_69, %get3A_70, %get3A_71] : memref<1x32x128xf32, #tpu.memory_space<vmem>>, vector<1x32x128xf32>
    %get3A_73 = vector.shape_cast %get3A_72 : vector<1x32x128xf32> to vector<32x128xf32>
    %slice3A_74 = vector.extract_strided_slice %get3A_73 {offsets = [0, 32], sizes = [32, 32], strides = [1, 1]} : vector<32x128xf32> to vector<32x32xf32>
    %get3A_75 = arith.constant 0 : index
    %get3A_76 = arith.constant 0 : index
    %get3A_77 = arith.constant 0 : index
    %get3A_78 = vector.load %arg2[%get3A_75, %get3A_76, %get3A_77] : memref<1x32x128xf32, #tpu.memory_space<vmem>>, vector<1x32x128xf32>
    %get3A_79 = vector.shape_cast %get3A_78 : vector<1x32x128xf32> to vector<32x128xf32>
    %slice3A_80 = vector.extract_strided_slice %get3A_79 {offsets = [0, 64], sizes = [32, 32], strides = [1, 1]} : vector<32x128xf32> to vector<32x32xf32>
    %get3A_81 = arith.constant 0 : index
    %get3A_82 = arith.constant 0 : index
    %get3A_83 = arith.constant 0 : index
    %get3A_84 = vector.load %arg2[%get3A_81, %get3A_82, %get3A_83] : memref<1x32x128xf32, #tpu.memory_space<vmem>>, vector<1x32x128xf32>
    %get3A_85 = vector.shape_cast %get3A_84 : vector<1x32x128xf32> to vector<32x128xf32>
    %slice3A_86 = vector.extract_strided_slice %get3A_85 {offsets = [0, 96], sizes = [32, 32], strides = [1, 1]} : vector<32x128xf32> to vector<32x32xf32>
    %concatenate3A_87 = tpu.concatenate %slice3A_68, %slice3A_74, %slice3A_80, %slice3A_86 in 0 : vector<32x32xf32>, vector<32x32xf32>, vector<32x32xf32>, vector<32x32xf32> -> vector<128x32xf32>
    %transpose3A_88 = tpu.transpose %concatenate3A_87, [1, 0] : vector<128x32xf32> -> vector<32x128xf32>
    %swap3A_89 = arith.constant 25088 : index
    %swap3A_90 = arith.constant 0 : index
    %swap3A_91 = vector.load %arg3[%swap3A_89, %swap3A_90] : memref<25120x128xf32, #tpu.memory_space<vmem>>, vector<32x128xf32>
    tpu.vector_store %arg3[%swap3A_89, %swap3A_90], %transpose3A_88 {strides = array<i32>} : memref<25120x128xf32, #tpu.memory_space<vmem>>, vector<32x128xf32>,
    return
  }
  func.func @transform_0(%arg0: i32) -> (i32, i32, i32) {
    %c0_i32 = arith.constant 0 : i32
    %c0_i32_0 = arith.constant 0 : i32
    %c0_i32_1 = arith.constant 0 : i32
    return %arg0, %c0_i32, %c0_i32_0 : i32, i32, i32
  }
  func.func @transform_1(%arg0: i32) -> (i32, i32, i32) {
    %c0_i32 = arith.constant 0 : i32
    %c0_i32_0 = arith.constant 0 : i32
    %c0_i32_1 = arith.constant 0 : i32
    return %arg0, %c0_i32, %c0_i32_0 : i32, i32, i32
  }
  func.func @transform_2(%arg0: i32) -> (i32, i32) {
    %c0_i32 = arith.constant 0 : i32
    %c0_i32_0 = arith.constant 0 : i32
    return %arg0, %c0_i32 : i32, i32
  }
}

module attributes {stable_mosaic.version = 14 : i64} {
  func.func @_head_body(%arg0: i32, %arg1: memref<512x10xf32, #tpu.memory_space<vmem>>, %arg2: memref<10x32xf32, #tpu.memory_space<vmem>>, %arg3: memref<1x32xf32, #tpu.memory_space<vmem>>, %arg4: memref<512x832xf32, #tpu.memory_space<vmem>>, %arg5: memref<32x16xf32, #tpu.memory_space<vmem>>, %arg6: memref<832x16xf32, #tpu.memory_space<vmem>>, %arg7: memref<1x16xf32, #tpu.memory_space<vmem>>, %arg8: memref<512x16xf32, #tpu.memory_space<vmem>>) attributes {dimension_semantics = [#tpu.dimension_semantics<arbitrary>], iteration_bounds = array<i64: 8>, scalar_prefetch = 0 : i64, scratch_operands = 0 : i64, tpu.core_type = #tpu.core_type<tc>, window_params = [{transform_indices = @transform_0, window_bounds = array<i64: 512, 10>}, {pipeline_mode = #tpu.pipeline_mode<synchronous>, transform_indices = @transform_1, window_bounds = array<i64: 10, 32>}, {pipeline_mode = #tpu.pipeline_mode<synchronous>, transform_indices = @transform_2, window_bounds = array<i64: 1, 32>}, {transform_indices = @transform_3, window_bounds = array<i64: 512, 832>}, {pipeline_mode = #tpu.pipeline_mode<synchronous>, transform_indices = @transform_4, window_bounds = array<i64: 32, 16>}, {pipeline_mode = #tpu.pipeline_mode<synchronous>, transform_indices = @transform_5, window_bounds = array<i64: 832, 16>}, {pipeline_mode = #tpu.pipeline_mode<synchronous>, transform_indices = @transform_6, window_bounds = array<i64: 1, 16>}, {transform_indices = @transform_7, window_bounds = array<i64: 512, 16>}]} {
    %get3A = arith.constant 0 : index
    %get3A_0 = arith.constant 0 : index
    %get3A_1 = vector.load %arg1[%get3A, %get3A_0] : memref<512x10xf32, #tpu.memory_space<vmem>>, vector<512x10xf32>
    %get3A_2 = arith.constant 0 : index
    %get3A_3 = arith.constant 0 : index
    %get3A_4 = vector.load %arg2[%get3A_2, %get3A_3] : memref<10x32xf32, #tpu.memory_space<vmem>>, vector<10x32xf32>
    %dot_general3A = arith.constant dense<0.000000e+00> : vector<512x32xf32>
    %dot_general3A_5 = tpu.matmul %get3A_1, %get3A_4, %dot_general3A {dimension_numbers = #tpu.dot_dimension_numbers<[1], [0], [0], [1], [0, 0, 1, 1], [], []>, transpose_lhs_hint = false} : vector<512x10xf32>, vector<10x32xf32>, vector<512x32xf32> -> vector<512x32xf32>
    %get3A_6 = arith.constant 0 : index
    %get3A_7 = arith.constant 0 : index
    %get3A_8 = vector.load %arg3[%get3A_6, %get3A_7] : memref<1x32xf32, #tpu.memory_space<vmem>>, vector<1x32xf32>
    %add3A = vector.broadcast %get3A_8 : vector<1x32xf32> to vector<512x32xf32>
    %add3A_9 = arith.addf %dot_general3A_5, %add3A : vector<512x32xf32>
    %max3A = arith.constant 0.000000e+00 : f32
    %max3A_10 = vector.broadcast %max3A : f32 to vector<512x32xf32>
    %max3A_11 = arith.maximumf %add3A_9, %max3A_10 : vector<512x32xf32>
    %get3A_12 = arith.constant 0 : index
    %get3A_13 = arith.constant 0 : index
    %get3A_14 = vector.load %arg5[%get3A_12, %get3A_13] : memref<32x16xf32, #tpu.memory_space<vmem>>, vector<32x16xf32>
    %dot_general3A_15 = arith.constant dense<0.000000e+00> : vector<512x16xf32>
    %dot_general3A_16 = tpu.matmul %max3A_11, %get3A_14, %dot_general3A_15 {dimension_numbers = #tpu.dot_dimension_numbers<[1], [0], [0], [1], [0, 0, 1, 1], [], []>, transpose_lhs_hint = false} : vector<512x32xf32>, vector<32x16xf32>, vector<512x16xf32> -> vector<512x16xf32>
    %get3A_17 = arith.constant 0 : index
    %get3A_18 = arith.constant 0 : index
    %get3A_19 = vector.load %arg4[%get3A_17, %get3A_18] : memref<512x832xf32, #tpu.memory_space<vmem>>, vector<512x832xf32>
    %get3A_20 = arith.constant 0 : index
    %get3A_21 = arith.constant 0 : index
    %get3A_22 = vector.load %arg6[%get3A_20, %get3A_21] : memref<832x16xf32, #tpu.memory_space<vmem>>, vector<832x16xf32>
    %dot_general3A_23 = arith.constant dense<0.000000e+00> : vector<512x16xf32>
    %dot_general3A_24 = tpu.matmul %get3A_19, %get3A_22, %dot_general3A_23 {dimension_numbers = #tpu.dot_dimension_numbers<[1], [0], [0], [1], [0, 0, 1, 1], [], []>, transpose_lhs_hint = false} : vector<512x832xf32>, vector<832x16xf32>, vector<512x16xf32> -> vector<512x16xf32>
    %add3A_25 = arith.addf %dot_general3A_16, %dot_general3A_24 : vector<512x16xf32>
    %get3A_26 = arith.constant 0 : index
    %get3A_27 = arith.constant 0 : index
    %get3A_28 = vector.load %arg7[%get3A_26, %get3A_27] : memref<1x16xf32, #tpu.memory_space<vmem>>, vector<1x16xf32>
    %add3A_29 = vector.broadcast %get3A_28 : vector<1x16xf32> to vector<512x16xf32>
    %add3A_30 = arith.addf %add3A_25, %add3A_29 : vector<512x16xf32>
    %swap3A = arith.constant 0 : index
    %swap3A_31 = arith.constant 0 : index
    %swap3A_32 = vector.load %arg8[%swap3A, %swap3A_31] : memref<512x16xf32, #tpu.memory_space<vmem>>, vector<512x16xf32>
    tpu.vector_store %arg8[%swap3A, %swap3A_31], %add3A_30 {strides = array<i32>} : memref<512x16xf32, #tpu.memory_space<vmem>>, vector<512x16xf32>,
    return
  }
  func.func @transform_0(%arg0: i32) -> (i32, i32) {
    %c0_i32 = arith.constant 0 : i32
    %c0_i32_0 = arith.constant 0 : i32
    return %arg0, %c0_i32 : i32, i32
  }
  func.func @transform_1(%arg0: i32) -> (i32, i32) {
    %c0_i32 = arith.constant 0 : i32
    %c0_i32_0 = arith.constant 0 : i32
    %c0_i32_1 = arith.constant 0 : i32
    return %c0_i32, %c0_i32_0 : i32, i32
  }
  func.func @transform_2(%arg0: i32) -> (i32, i32) {
    %c0_i32 = arith.constant 0 : i32
    %c0_i32_0 = arith.constant 0 : i32
    %c0_i32_1 = arith.constant 0 : i32
    return %c0_i32, %c0_i32_0 : i32, i32
  }
  func.func @transform_3(%arg0: i32) -> (i32, i32) {
    %c0_i32 = arith.constant 0 : i32
    %c0_i32_0 = arith.constant 0 : i32
    return %arg0, %c0_i32 : i32, i32
  }
  func.func @transform_4(%arg0: i32) -> (i32, i32) {
    %c0_i32 = arith.constant 0 : i32
    %c0_i32_0 = arith.constant 0 : i32
    %c0_i32_1 = arith.constant 0 : i32
    return %c0_i32, %c0_i32_0 : i32, i32
  }
  func.func @transform_5(%arg0: i32) -> (i32, i32) {
    %c0_i32 = arith.constant 0 : i32
    %c0_i32_0 = arith.constant 0 : i32
    %c0_i32_1 = arith.constant 0 : i32
    return %c0_i32, %c0_i32_0 : i32, i32
  }
  func.func @transform_6(%arg0: i32) -> (i32, i32) {
    %c0_i32 = arith.constant 0 : i32
    %c0_i32_0 = arith.constant 0 : i32
    %c0_i32_1 = arith.constant 0 : i32
    return %c0_i32, %c0_i32_0 : i32, i32
  }
  func.func @transform_7(%arg0: i32) -> (i32, i32) {
    %c0_i32 = arith.constant 0 : i32
    %c0_i32_0 = arith.constant 0 : i32
    return %arg0, %c0_i32 : i32, i32
  }
}

</mosaic_0001>

<sc_bundles>
// kernel: kernel.5.cloned.1.call-start
scs
__scs_entry_jumppad:
0x0: {  	(pc) =	sbr.rel $0x88, $3  }
0x1: {  	(tag) =	ssettag $0x0;
	lr =	simm.s32 $0x1  }
0x2: {  	[smem:$0x3F9A] =	sst lr;
	_ =	strace $0xD0000000  }
0x3: {  	_ = 	snop  }
0x4: {  	_ = 	snop  }
0x5: {  	_ = 	snop  }
0x6: {  	_ = 	snop  }
0x7: {  	_ = 	snop  }
__scs_overlays_trampoline_lowered:
0x8: {  	[smem:$0x3FA9] =	sst s0  }
0x9: {  	[smem:$0x3FAA] =	sst s1  }
0xa: {  	[smem:$0x3FAB] =	sst s2  }
0xb: {  	[smem:$0x3FAC] =	sst s3  }
0xc: {  	[smem:$0x3FAD] =	sst s4  }
0xd: {  	[smem:$0x3FAE] =	sst s5  }
0xe: {  	[smem:$0x3FAF] =	sst s6  }
0xf: {  	[smem:$0x3FB0] =	sst s7  }
0x10: {  	[smem:$0x3FB1] =	sst s8  }
0x11: {  	[smem:$0x3FB2] =	sst s9;
	s0 =	simm.s32 @!p0 $0x0  }
0x12: {  	s1 =	sld [smem:$0x3F98];
	s0 =	simm.s32 @p0 $0x1  }
0x13: {  	[smem:$0x3FB3] =	sst s0;
	s0 =	simm.s32 @!p1 $0x0  }
0x14: {  	s2 =	sld [smem:$0x3F97];
	s0 =	simm.s32 @p1 $0x1  }
0x15: {  	[smem:$0x3FB4] =	sst s0;
	s0 =	simm.s32 @!p2 $0x0  }
0x16: {  	s3 =	sld [smem:$0x3FDB];
	s0 =	simm.s32 @p2 $0x1  }
0x17: {  	s4 =	simm.s32 $0x1BF5;
	[smem:$0x3FB6] =	sst s0  }
0x18: {  	s0 =	sld [smem:$0x3F99];
	_ =	swait.ge [sflag:s4], $0x0  }
0x19: {  	s7 =	sld [smem:$0x3F9A]  }
0x1a: {  	s8 =	sadd.s32 $0xFFFFE003, lr  }
0x1b: {  	s9 =	sadd.s32 $0xFFFFFEF7, lr;
	s5 =	simm.s32 $0xFFFFFFFF;
	p2 =	slt.u32 s8, $0xFFFFF086  }
0x1c: {  	p1 =	slt.u32 s9, $0xF7A;
	s5 =	simm.s32 @!p2 $0x0  }
0x1d: {  	s5 =	simm.s32 @p1 $0x1;
	p0 =	seq.s32 s7, s2  }
0x1e: {  	s7 =	smul.u32 @!p0 $0xF7A, s2;
	p2 =	seq.s32 @!p0 s5, $0x0  }
0x1f: {  	s9 =	smul.u32 $0xF7A, s1;
	s8 =	simm.s32 @!p0 $0x1BF5;
	p2 =	por !p2, p0  }
0x20: {  	[sflag:s8] =	ssyncset.s32 @!p0 $0xFFFFF086;
	s6 =	sadd.s32 @!p0 s3, s7;
	s7 =	simm.s32 @!p0 $0x108  }
0x21: {  	s3 =	sadd.s32 s3, s9;
	s6 =	sadd.s32 @!p0 $0x88, s6;
	s7 =	simm.s32 @p2 $0x1082  }
0x22: {  	[simem:s7], [sflag:s8] =	dma.local @!p0 [hbm:s6], $0xF7A  }
0x23: {  	s9 =	sor.u32 $0xD0000000, s2;
	s6 =	simm.s32 $0x108;
	_ =	swait.ge @!p0 [sflag:s8], $0x0  }
0x24: {  	s3 =	sadd.s32 $0x88, s3;
	s6 =	simm.s32 @!p1 $0x1082;
	[sflag:s4] =	ssyncset.s32 $0xFFFFF086  }
0x25: {  	[simem:s6], [sflag:s4] =	dma.local [hbm:s3], $0xF7A  }
0x26: {  	[smem:$0x3F9A] =	sst s1;
	(tag) =	ssettag s2;
	_ =	strace s9  }
0x27: {  	s1 =	sld [smem:$0x3FAA]  }
0x28: {  	s2 =	sld [smem:$0x3FAB]  }
0x29: {  	s4 =	sld [smem:$0x3FAD]  }
0x2a: {  	p0 =	seq.s32 s5, $0x0;
	s5 =	sld [smem:$0x3FAE]  }
0x2b: {  	s6 =	sld [smem:$0x3FAF]  }
0x2c: {  	s7 =	sld [smem:$0x3FB0]  }
0x2d: {  	s3 =	simm.s32 $0x108;
	s8 =	sld [smem:$0x3FB1]  }
0x2e: {  	s3 =	simm.s32 @!p0 $0x1082;
	s9 =	sld [smem:$0x3FB2]  }
0x2f: {  	lr =	sadd.s32 s0, s3;
	s0 =	sld [smem:$0x3FA9]  }
0x30: {  	s3 =	sld [smem:$0x3FAC]  }
0x31: {  	[smem:$0x3FB5] =	sst s10  }
0x32: {  	s10 =	sld [smem:$0x3FB3];
	_ =	sdelay $0x3  }
0x33: {  	p0 =	seq.s32 s10, $0x1;
	s10 =	sld [smem:$0x3FB5];
	_ =	sdelay $0x3  }
0x34: {  	[smem:$0x3FB5] =	sst s10  }
0x35: {  	s10 =	sld [smem:$0x3FB4];
	_ =	sdelay $0x3  }
0x36: {  	p1 =	seq.s32 s10, $0x1;
	s10 =	sld [smem:$0x3FB5];
	_ =	sdelay $0x3  }
0x37: {  	[smem:$0x3FB5] =	sst s10  }
0x38: {  	s10 =	sld [smem:$0x3FB6]  }
0x39: {  	_ = 	snop;
	(pc) =	sbr.ind lr, $3  }
0x3a: {  	_ = 	snop  }
0x3b: {  	_ = 	snop  }
0x3c: {  	p2 =	seq.s32 s10, $0x1;
	s10 =	sld [smem:$0x3FB5]  }
0x3d: {  	_ =	shalt  }
0x3e: {  	_ =	shalt  }
0x3f: {  	_ =	shalt  }
0x40: {  	_ =	shalt  }
0x41: {  	_ =	shalt  }
0x42: {  	_ =	shalt  }
0x43: {  	_ =	shalt  }
0x44: {  	_ =	shalt  }
0x45: {  	_ =	shalt  }
0x46: {  	_ =	shalt  }
0x47: {  	_ =	shalt  }
0x48: {  	_ =	shalt  }
0x49: {  	_ =	shalt  }
0x4a: {  	_ =	shalt  }
0x4b: {  	_ =	shalt  }
0x4c: {  	_ =	shalt  }
0x4d: {  	_ =	shalt  }
0x4e: {  	_ =	shalt  }
0x4f: {  	_ =	shalt  }
0x50: {  	_ =	shalt  }
0x51: {  	_ =	shalt  }
0x52: {  	_ =	shalt  }
0x53: {  	_ =	shalt  }
0x54: {  	_ =	shalt  }
0x55: {  	_ =	shalt  }
0x56: {  	_ =	shalt  }
0x57: {  	_ =	shalt  }
0x58: {  	_ =	shalt  }
0x59: {  	_ =	shalt  }
0x5a: {  	_ =	shalt  }
0x5b: {  	_ =	shalt  }
0x5c: {  	_ =	shalt  }
0x5d: {  	_ =	shalt  }
0x5e: {  	_ =	shalt  }
0x5f: {  	_ =	shalt  }
0x60: {  	_ =	shalt  }
0x61: {  	_ =	shalt  }
0x62: {  	_ =	shalt  }
0x63: {  	_ =	shalt  }
0x64: {  	_ =	shalt  }
0x65: {  	_ =	shalt  }
0x66: {  	_ =	shalt  }
0x67: {  	_ =	shalt  }
0x68: {  	_ =	shalt  }
0x69: {  	_ =	shalt  }
0x6a: {  	_ =	shalt  }
0x6b: {  	_ =	shalt  }
0x6c: {  	_ =	shalt  }
0x6d: {  	_ =	shalt  }
0x6e: {  	_ =	shalt  }
0x6f: {  	_ =	shalt  }
0x70: {  	_ =	shalt  }
0x71: {  	_ =	shalt  }
0x72: {  	_ =	shalt  }
0x73: {  	_ =	shalt  }
0x74: {  	_ =	shalt  }
0x75: {  	_ =	shalt  }
0x76: {  	_ =	shalt  }
0x77: {  	_ =	shalt  }
0x78: {  	_ =	shalt  }
0x79: {  	_ =	shalt  }
0x7a: {  	_ =	shalt  }
0x7b: {  	_ =	shalt  }
0x7c: {  	_ =	shalt  }
0x7d: {  	_ =	shalt  }
0x7e: {  	_ =	shalt  }
0x7f: {  	_ =	shalt  }
0x80: {  	_ =	shalt  }
0x81: {  	_ =	shalt  }
0x82: {  	_ =	shalt  }
0x83: {  	_ =	shalt  }
0x84: {  	_ =	shalt  }
0x85: {  	_ =	shalt  }
0x86: {  	_ =	shalt  }
0x87: {  	_ =	shalt  }
.Lfunc_end0:
.L_simem_size_0:
called_computation_lowered:
.L_overlay_start_0:
0x88: {  	s2 =	sld [smem:$0x3FD9]  }
0x89: {  	s3 =	sld [smem:$0x3FFE];
	_ =	sdelay $0x1  }
0x8a: {  	s1 =	srdreg.scid  }
0x8b: {  	s0 =	sand.u32 $0x1, s1  }
0x8c: {  	s16 =	sshll.u32 s0, $0xA;
	s2 =	sadd.s32 s3, s2  }
0x8d: {  	s2 =	sadd.s32 s2, s16  }
0x8e: {  	[smem:$0x3FC1] =	sst s2  }
0x8f: {  	_ = 	snop  }
0x90: {  	(tm) =	ssettm $0x1  }
0x91: {  	s17 =	sld [smem:$0x3FFB];
	_ =	sdelay $0x3  }
0x92: {  	_ =	strace s17  }
0x93: {  	s2 =	sld [smem:$0x3FFC];
	_ =	sdelay $0x3  }
0x94: {  	_ =	strace s2  }
0x95: {  	s2 =	sld [smem:$0x3FFD];
	_ =	sdelay $0x3  }
0x96: {  	_ =	strace s2  }
0x97: {  	_ =	strace $0x8FFFFFFF  }
0x98: {  	s18 =	sld [smem:$0x3FDB];
	_ =	sdelay $0x1  }
0x99: {  	s19 =	simm.s32 $_scs_section_size  }
0x9a: {  	s4 =	simm.s32 $_size__tile_overlayer_lowered;
	s5 =	simm.s32 $_tile_overlayer_lowered  }
0x9b: {  	s22 =	simm.s32 $0x1BFF;
	s21 =	sshll.u32 s5, $0x1;
	s2 =	sadd.s32 s19, s18  }
0x9c: {  	s6 =	simm.s32 $0x0;
	s20 =	sshll.u32 s4, $0x1;
	s4 =	sadd.s32 s21, s2  }
0x9d: {  	[timem:s6], [sflag:s22] =	dma.local [hbm:s4], s20  }
0x9e: {  	_ =	swait.ge [sflag:s22], s20  }
0x9f: {  	s3 =	ssub.s32 $0x0, s20;
	[sflag:s22] =	ssyncset.done $0x0  }
0xa0: {  	[sflag:s22] =	ssyncadd.s32 s3;
	_ =	sdelay $0x1  }
0xa1: {  	s23 =	simm.s32 $0x1B8B  }
0xa2: {  	_ =	swait.ge [sflag:s23], $0x1  }
0xa3: {  	[sflag:s23] =	ssyncset.done $0x0  }
0xa4: {  	s25 =	simm.s32 $0x1B8E;
	s24 =	sld [smem:$0x3FFE];
	[sflag:s23] =	ssyncadd.s32 $0xFFFFFFFF  }
0xa5: {  	s26 =	simm.s32 $execute0_lowered;
	[smem:$0x3FD2] =	sst s25  }
0xa6: {  	s4 =	sshll.u32 s26, $0x1;
	_ =	strace $0x80000046;
	[dreg:$0x1] =	wrdreg $0xFFFFFFFF  }
0xa7: {  	s28 =	simm.s32 $_size_execute0_lowered;
	s2 =	sadd.s32 s2, s4;
	[dreg:$0x0] =	wrdreg $0x0  }
0xa8: {  	s4 =	sshll.u32 s28, $0x1;
	[dreg:$0x2] =	wrdreg s2  }
0xa9: {  	[dreg:$0x3] =	wrdreg s4  }
0xaa: {  	[dreg:$0x4] =	wrdreg $0xC0  }
0xab: {  	_ =	task [dreg:s6], $0x5FFFF  }
0xac: {  	[dreg:$0x1] =	wrdreg $0xFFFFFFFF  }
0xad: {  	[dreg:$0x0] =	wrdreg $0x60  }
0xae: {  	[dreg:$0x2] =	wrdreg s24  }
0xaf: {  	[dreg:$0x3] =	wrdreg $0x9  }
0xb0: {  	_ =	task.clear_ibuf [dreg:s6], $0x4FFFF;
	_ =	strace $0x90000046  }
0xb1: {  	s29 =	simm.s32 $0x9;
	_ =	strace $0x80000048  }
0xb2: {  	_ =	swait.ge [sflag:s29], $0x1  }
0xb3: {  	[sflag:s29] =	ssyncadd.s32 $0xFFFFFFFF  }
0xb4: {  	_ =	strace $0x90000048  }
0xb5: {  	_ =	sfence  }
0xb6: {  	s30 =	sld [smem:$0x0];
	_ =	sdelay $0x2  }
0xb7: {  	s31 =	sshll.u32 s1, $0xD;
	s1 =	sshrl.u32 s1, $0x2  }
0xb8: {  	s3 =	sand.u32 $0x4000, s31;
	s1 =	sadd.s32 s1, s30  }
0xb9: {  	s0 =	sor.u32 s3, s0;
	s1 =	sshll.u32 s1, $0x11  }
0xba: {  	s0 =	sor.u32 s1, s0  }
0xbb: {  	s0 =	sadd.s32 $0x8F2B, s0  }
0xbc: {  	[sflag:s0] =	ssyncadd.remote.s32 $0x1  }
0xbd: {  	_ =	sfence.sel $0xFFFF  }
0xbe: {  	[dreg:$0x0] =	wrdreg $0xFFFFFFFF;
	(pc) =	sbr.abs _section_cstart, $3  }
0xbf: {  	[dreg:$0x1] =	wrdreg $0xFFFFFFFF  }
0xc0: {  	_ =	task.clear_ibuf [dreg:s6], $0x2FFFF;
	_ =	strace $0x9FFFFFFF  }
0xc1: {  	(tm) =	ssettm $0x7FFFFFFF  }
tec
execute0_lowered:
.L_overlay_start_1:
0x0: {  	(tag) =	ssettag $0x1  }
0x1: {  	s0 =	rddreg [dreg:$0x0];
	s2 =	simm.s32 $0x0  }
0x2: {  	s1 =	srdreg.scid;
	s3 =	stileid.u32;
	s13 =	simm.s32 $0x3  }
0x3: {  	s14 =	simm.s32 $0x80;
	s15 =	simm.s32 $0x500;
	s30 =	simm.s32 $0x880  }
0x4: {  	s31 =	simm.s32 $0x11A00;
	s12 =	simm.s32 $0x1;
	s16 =	simm.s32 $0x14A00  }
0x5: {  	s17 =	simm.s32 $0x2;
	s1 =	sand.u32 $0x1, s1;
	s3 =	sshll.u32 s3, $0x1  }
0x6: {  	s18 =	simm.s32 $0x15200;
	s20 =	simm.s32 $0x0;
	s6 =	sor.u32 s1, s3  }
0x7: {  	[smem:$0x7FF] =	sst s2;
	s4 =	sadd.s32 $0x201400, s0;
	s7 =	smul.u32 $0x10400, s6  }
0x8: {  	_ =	strace $0x80000047;
	s1 =	ssub.s32 $0x2, s1;
	s5 =	smul.u32 $0x34, s6  }
0x9: {  	s3 =	sadd.s32 $0x242400, s0;
	s8 =	sshrl.u32 s1, $0x1;
	s9 =	smul.u32 $0x2080, s6  }
0xa: {  	s6 =	sadd.s32 $0x1400, s0;
	s26 =	ssub.s32 s1, s8;
	s8 =	simm.s32 $0x13A00  }
.Ltmp0:
0xb: {  	s7 =	sshrl.u32 s7, $0x3;
	s29 =	sadd.s32 s4, s9;
	(pc) =	sbr.rel .LBB2_1-.Ltmp0, $4  }
0xc: {  	s9 =	sor.u32 $0x2, s5;
	s10 =	sor.u32 $0x1, s5;
	s11 =	sor.u32 $0x3, s5  }
0xd: {  	s0 =	smax.u32 s26, $0x1;
	s28 =	sadd.s32 s4, s7;
	[dreg:$0x2] =	wrdreg s29  }
0xe: {  	[dreg:$0x4] =	wrdreg s0;
	s0 =	simm.s32 $0x900;
	s1 =	sadd.s32 $0xA0, s28  }
0xf: {  	s7 =	simm.s32 $0x980;
	[dreg:$0x3] =	wrdreg s1;
	s1 =	simm.s32 $0x12A00  }
.LBB2_8:
0x10: {  	s20 =	rddreg [dreg:$0x5]  }
0x11: {  	s19 =	rddreg [dreg:$0x4];
	s20 =	sadd.s32 $0x1, s20  }
0x12: {  	p0 =	sne.s32 s20, s19  }
.Ltmp1:
0x13: {  	_ = 	snop;
	(pc) =	sbr.rel @!p0 .LBB2_9-.Ltmp1, $1  }
0x14: {  	_ =	sdelay $0x3  }
.LBB2_1:
0x15: {  	[dreg:$0x5] =	wrdreg s20  }
0x16: {  	s19 =	rddreg [dreg:$0x2]  }
0x17: {  	[tilespmem:s2], [sflag:$0x3] =	stream.linear.gather [hbm4b:s19+s2], $0x500, $0x38;
	[tilespmem:$0x15A00] =	vst v63  }
0x18: {  	_ =	swait.ge [sflag:s13], $0x500  }
0x19: {  	[sflag:s13] =	ssyncset.done $0x0  }
0x1a: {  	s21 =	simm.s32 $0xA00;
	[sflag:s13] =	ssyncadd.s32 $0xFFFFFB00  }
0x1b: {  	[tilespmem:s21], [sflag:$0x1] =	stream.indirect.gather [hbm4b:s3+s14], $0x20, s2, s14, $0xb8;
	[tilespmem:$0x15A00] =	vst v63  }
0x1c: {  	s22 =	simm.s32 $0x1A00  }
0x1d: {  	[tilespmem:s22], [sflag:$0x1] =	stream.indirect.gather [hbm4b:s3+s14], $0x20, s14, s14, $0xb8;
	[tilespmem:$0x15A00] =	vst v63  }
0x1e: {  	s23 =	simm.s32 $0x100;
	s24 =	simm.s32 $0x2A00  }
0x1f: {  	[tilespmem:s24], [sflag:$0x1] =	stream.indirect.gather [hbm4b:s3+s14], $0x20, s23, s14, $0xb8;
	[tilespmem:$0x15A00] =	vst v63  }
0x20: {  	s25 =	simm.s32 $0x180;
	s26 =	simm.s32 $0x3A00  }
0x21: {  	[tilespmem:s26], [sflag:$0x1] =	stream.indirect.gather [hbm4b:s3+s14], $0x20, s25, s14, $0xb8;
	[tilespmem:$0x15A00] =	vst v63  }
0x22: {  	s28 =	simm.s32 $0x200;
	s29 =	simm.s32 $0x4A00  }
0x23: {  	[tilespmem:s29], [sflag:$0x1] =	stream.indirect.gather [hbm4b:s3+s14], $0x20, s28, s14, $0xb8;
	[tilespmem:$0x15A00] =	vst v63  }
0x24: {  	s21 =	simm.s32 $0x280;
	s22 =	simm.s32 $0x5A00  }
0x25: {  	[tilespmem:s22], [sflag:$0x1] =	stream.indirect.gather [hbm4b:s3+s14], $0x20, s21, s14, $0xb8;
	[tilespmem:$0x15A00] =	vst v63  }
0x26: {  	s23 =	simm.s32 $0x300;
	s24 =	simm.s32 $0x6A00  }
0x27: {  	[tilespmem:s24], [sflag:$0x1] =	stream.indirect.gather [hbm4b:s3+s14], $0x20, s23, s14, $0xb8;
	[tilespmem:$0x15A00] =	vst v63  }
0x28: {  	s25 =	simm.s32 $0x380;
	s26 =	simm.s32 $0x7A00  }
0x29: {  	[tilespmem:s26], [sflag:$0x1] =	stream.indirect.gather [hbm4b:s3+s14], $0x20, s25, s14, $0xb8;
	[tilespmem:$0x15A00] =	vst v63  }
0x2a: {  	s28 =	simm.s32 $0x400;
	s29 =	simm.s32 $0x8A00  }
0x2b: {  	[tilespmem:s29], [sflag:$0x1] =	stream.indirect.gather [hbm4b:s3+s14], $0x20, s28, s14, $0xb8;
	[tilespmem:$0x15A00] =	vst v63  }
0x2c: {  	s21 =	simm.s32 $0x480;
	s22 =	simm.s32 $0x9A00  }
0x2d: {  	[tilespmem:s22], [sflag:$0x1] =	stream.indirect.gather [hbm4b:s3+s14], $0x20, s21, s14, $0xb8;
	[tilespmem:$0x15A00] =	vst v63  }
0x2e: {  	s23 =	rddreg [dreg:$0x3]  }
0x2f: {  	[tilespmem:s15], [sflag:$0x3] =	stream.linear.gather [hbm4b:s23+s2], $0x500, $0x38;
	[tilespmem:$0x15A00] =	vst v63  }
0x30: {  	_ =	swait.ge [sflag:s13], $0x500  }
0x31: {  	[sflag:s13] =	ssyncset.done $0x0  }
0x32: {  	s24 =	simm.s32 $0xAA00;
	[sflag:s13] =	ssyncadd.s32 $0xFFFFFB00  }
0x33: {  	[tilespmem:s24], [sflag:$0x2] =	stream.indirect.gather [hbm4b:s3+s14], $0x20, s15, s14, $0xb8;
	[tilespmem:$0x15A00] =	vst v63  }
0x34: {  	s25 =	simm.s32 $0x580;
	s26 =	simm.s32 $0xBA00  }
0x35: {  	[tilespmem:s26], [sflag:$0x2] =	stream.indirect.gather [hbm4b:s3+s14], $0x20, s25, s14, $0xb8;
	[tilespmem:$0x15A00] =	vst v63  }
0x36: {  	s28 =	simm.s32 $0x600;
	s29 =	simm.s32 $0xCA00  }
0x37: {  	[tilespmem:s29], [sflag:$0x2] =	stream.indirect.gather [hbm4b:s3+s14], $0x20, s28, s14, $0xb8;
	[tilespmem:$0x15A00] =	vst v63  }
0x38: {  	s21 =	simm.s32 $0x680;
	s22 =	simm.s32 $0xDA00  }
0x39: {  	[tilespmem:s22], [sflag:$0x2] =	stream.indirect.gather [hbm4b:s3+s14], $0x20, s21, s14, $0xb8;
	[tilespmem:$0x15A00] =	vst v63  }
0x3a: {  	s23 =	simm.s32 $0x700;
	s24 =	simm.s32 $0xEA00  }
0x3b: {  	[tilespmem:s24], [sflag:$0x2] =	stream.indirect.gather [hbm4b:s3+s14], $0x20, s23, s14, $0xb8;
	[tilespmem:$0x15A00] =	vst v63  }
0x3c: {  	s25 =	simm.s32 $0x780;
	s26 =	simm.s32 $0xFA00  }
0x3d: {  	[tilespmem:s26], [sflag:$0x2] =	stream.indirect.gather [hbm4b:s3+s14], $0x20, s25, s14, $0xb8;
	[tilespmem:$0x15A00] =	vst v63  }
0x3e: {  	s28 =	simm.s32 $0x800;
	s29 =	simm.s32 $0x10A00  }
0x3f: {  	[tilespmem:s29], [sflag:$0x2] =	stream.indirect.gather [hbm4b:s3+s14], $0x20, s28, s14, $0xb8;
	[tilespmem:$0x15A00] =	vst v63  }
0x40: {  	_ = 	snop  }
0x41: {  	[tilespmem:s31], [sflag:$0x2] =	stream.indirect.gather [hbm4b:s3+s14], $0x20, s30, s14, $0xb8;
	[tilespmem:$0x15A00] =	vst v63  }
0x42: {  	_ = 	snop  }
0x43: {  	[tilespmem:s1], [sflag:$0x2] =	stream.indirect.gather [hbm4b:s3+s14], $0x20, s0, s14, $0xb8;
	[tilespmem:$0x15A00] =	vst v63  }
0x44: {  	s19 =	simm.s32 $0x0  }
0x45: {  	[tilespmem:s8], [sflag:$0x2] =	stream.indirect.gather [hbm4b:s3+s14], $0x20, s7, s14, $0xb8;
	[tilespmem:$0x15A00] =	vst v63  }
.LBB2_2:
0x46: {  	_ =	swait.ge [sflag:s12], $0x1000  }
0x47: {  	[sflag:s12] =	ssyncset.done $0x0  }
0x48: {  	[sflag:s12] =	ssyncadd.s32 $0xFFFFF000  }
0x49: {  	_ =	swait.ge [sflag:s12], $0x1000  }
0x4a: {  	[sflag:s12] =	ssyncset.done $0x0  }
0x4b: {  	[sflag:s12] =	ssyncadd.s32 $0xFFFFF000  }
0x4c: {  	_ =	swait.ge [sflag:s12], $0x1000  }
0x4d: {  	[sflag:s12] =	ssyncset.done $0x0  }
0x4e: {  	[sflag:s12] =	ssyncadd.s32 $0xFFFFF000  }
0x4f: {  	_ =	swait.ge [sflag:s12], $0x1000  }
0x50: {  	[sflag:s12] =	ssyncset.done $0x0  }
0x51: {  	[sflag:s12] =	ssyncadd.s32 $0xFFFFF000  }
0x52: {  	_ =	swait.ge [sflag:s12], $0x1000  }
0x53: {  	[sflag:s12] =	ssyncset.done $0x0  }
0x54: {  	[sflag:s12] =	ssyncadd.s32 $0xFFFFF000  }
0x55: {  	_ =	swait.ge [sflag:s12], $0x1000  }
0x56: {  	[sflag:s12] =	ssyncset.done $0x0  }
0x57: {  	[sflag:s12] =	ssyncadd.s32 $0xFFFFF000  }
0x58: {  	_ =	swait.ge [sflag:s12], $0x1000  }
0x59: {  	[sflag:s12] =	ssyncset.done $0x0  }
0x5a: {  	[sflag:s12] =	ssyncadd.s32 $0xFFFFF000  }
0x5b: {  	_ =	swait.ge [sflag:s12], $0x1000  }
0x5c: {  	[sflag:s12] =	ssyncset.done $0x0  }
0x5d: {  	[sflag:s12] =	ssyncadd.s32 $0xFFFFF000  }
0x5e: {  	_ =	swait.ge [sflag:s12], $0x1000  }
0x5f: {  	[sflag:s12] =	ssyncset.done $0x0  }
0x60: {  	[sflag:s12] =	ssyncadd.s32 $0xFFFFF000  }
0x61: {  	_ =	swait.ge [sflag:s12], $0x1000  }
0x62: {  	[sflag:s12] =	ssyncset.done $0x0  }
0x63: {  	s22 =	simm.s32 $0xB40;
	[sflag:s12] =	ssyncadd.s32 $0xFFFFF000  }
0x64: {  	s20 =	simm.s32 $0x0;
	v0 =	vld [tilespmem:s22+$0xFFFFFED0]  }
0x65: {  	s23 =	sand.u32 $0xFF80, s20;
	v4 =	vld [tilespmem:s22+$0xFFFFFEC0]  }
0x66: {  	v5 =	vld [tilespmem:s23+$0xA20]  }
0x67: {  	v3 =	vld [tilespmem:s23+$0xA30]  }
0x68: {  	s24 =	simm.s32 $0x14A10;
	v2 =	vld [tilespmem:s23+$0xA40]  }
0x69: {  	s25 =	simm.s32 $0x280;
	s21 =	simm.s32 $0x14A10;
	s20 =	simm.s32 $0xB40;
	v1 =	vld [tilespmem:s23+$0xA50]  }
.LBB2_3:
0x6a: {  	p0 =	sne.s32 s25, $0x9D80;
	v6 =	vld [tilespmem:s23+$0xA60];
	s24 =	sadd.s32 $0x20, s24;
	s22 =	sadd.s32 $0x280, s22  }
0x6b: {  	v4 =	vadd.f32 v5, v4;
	v5 =	vld [tilespmem:s23+$0xA70];
	s23 =	smov.u32 s25;
	s25 =	sadd.s32 $0x280, s25  }
0x6c: {  	v0 =	vadd.f32 v3, v0;
	v3 =	vld [tilespmem:s20+$0xFFFFFF40]  }
0x6d: {  	s23 =	sand.u32 $0xFF80, s23;
	v2 =	vadd.f32 v2, v4;
	v4 =	vld [tilespmem:s20+$0xFFFFFF50]  }
0x6e: {  	v0 =	vadd.f32 v1, v0;
	v1 =	vld [tilespmem:s20+$0xFFFFFF60]  }
0x6f: {  	v2 =	vadd.f32 v6, v2;
	v6 =	vld [tilespmem:s20+$0xFFFFFF70]  }
0x70: {  	v0 =	vadd.f32 v5, v0;
	v5 =	vld [tilespmem:s20+$0xFFFFFF80]  }
0x71: {  	v2 =	vadd.f32 v3, v2;
	v3 =	vld [tilespmem:s20+$0xFFFFFF90]  }
0x72: {  	v0 =	vadd.f32 v4, v0;
	v4 =	vld [tilespmem:s20+$0xFFFFFFA0]  }
0x73: {  	v1 =	vadd.f32 v1, v2;
	v2 =	vld [tilespmem:s20+$0xFFFFFFB0]  }
0x74: {  	v0 =	vadd.f32 v6, v0;
	v6 =	vld [tilespmem:s20+$0xFFFFFFC0]  }
0x75: {  	v1 =	vadd.f32 v5, v1;
	v5 =	vld [tilespmem:s20+$0xFFFFFFD0]  }
0x76: {  	v0 =	vadd.f32 v3, v0;
	v3 =	vld [tilespmem:s20+$0xFFFFFFE0]  }
0x77: {  	v1 =	vadd.f32 v4, v1;
	v4 =	vld [tilespmem:s20+$0xFFFFFFF0]  }
0x78: {  	v0 =	vadd.f32 v2, v0;
	v2 =	vld [tilespmem:s20+$0x0]  }
0x79: {  	v1 =	vadd.f32 v6, v1;
	v6 =	vld [tilespmem:s20+$0x10]  }
0x7a: {  	v0 =	vadd.f32 v5, v0;
	v5 =	vld [tilespmem:s20+$0x20]  }
0x7b: {  	v1 =	vadd.f32 v3, v1;
	v3 =	vld [tilespmem:s20+$0x30]  }
0x7c: {  	v0 =	vadd.f32 v4, v0;
	v4 =	vld [tilespmem:s20+$0x40]  }
0x7d: {  	v1 =	vadd.f32 v2, v1;
	v2 =	vld [tilespmem:s20+$0x50]  }
0x7e: {  	v0 =	vadd.f32 v6, v0;
	v6 =	vld [tilespmem:s20+$0x60]  }
0x7f: {  	v1 =	vadd.f32 v5, v1;
	v5 =	vld [tilespmem:s20+$0x70]  }
0x80: {  	v0 =	vadd.f32 v3, v0;
	v3 =	vld [tilespmem:s20+$0x80]  }
0x81: {  	v1 =	vadd.f32 v4, v1;
	v4 =	vld [tilespmem:s20+$0x90]  }
0x82: {  	v0 =	vadd.f32 v2, v0;
	v2 =	vld [tilespmem:s20+$0xA0]  }
0x83: {  	v1 =	vadd.f32 v6, v1;
	v6 =	vld [tilespmem:s20+$0xB0]  }
0x84: {  	v0 =	vadd.f32 v5, v0;
	v5 =	vld [tilespmem:s20+$0xC0]  }
0x85: {  	v1 =	vadd.f32 v3, v1;
	v3 =	vld [tilespmem:s20+$0xD0]  }
0x86: {  	v0 =	vadd.f32 v4, v0;
	v4 =	vld [tilespmem:s20+$0xE0]  }
0x87: {  	v1 =	vadd.f32 v2, v1;
	v2 =	vld [tilespmem:s20+$0xF0]  }
0x88: {  	v0 =	vadd.f32 v6, v0;
	v6 =	vld [tilespmem:s20+$0x100]  }
0x89: {  	v1 =	vadd.f32 v5, v1;
	v5 =	vld [tilespmem:s20+$0x110]  }
0x8a: {  	v0 =	vadd.f32 v3, v0;
	v3 =	vld [tilespmem:s20+$0x120]  }
0x8b: {  	v1 =	vadd.f32 v4, v1;
	v4 =	vld [tilespmem:s20+$0x130];
	s20 =	smov.u32 s22  }
0x8c: {  	v0 =	vadd.f32 v2, v0  }
0x8d: {  	v1 =	vadd.f32 v6, v1  }
0x8e: {  	v0 =	vadd.f32 v5, v0  }
0x8f: {  	v1 =	vadd.f32 v3, v1  }
0x90: {  	v0 =	vadd.f32 v4, v0  }
0x91: {  	[tilespmem:s21+$0xFFFFFFF0] =	vst v1  }
0x92: {  	[tilespmem:s21+$0x0] =	vst v0;
	s21 =	smov.u32 s24  }
0x93: {  	v0 =	vld [tilespmem:s22+$0xFFFFFED0]  }
.Ltmp2:
0x94: {  	v4 =	vld [tilespmem:s22+$0xFFFFFEC0];
	(pc) =	sbr.rel @p0 .LBB2_3-.Ltmp2, $4  }
0x95: {  	v5 =	vld [tilespmem:s23+$0xA20]  }
0x96: {  	v3 =	vld [tilespmem:s23+$0xA30]  }
0x97: {  	v2 =	vld [tilespmem:s23+$0xA40]  }
0x98: {  	v1 =	vld [tilespmem:s23+$0xA50]  }
0x99: {  	v6 =	vld [tilespmem:s23+$0xA60]  }
0x9a: {  	v4 =	vadd.f32 v5, v4;
	v5 =	vld [tilespmem:s23+$0xA70]  }
0x9b: {  	v0 =	vadd.f32 v3, v0;
	v3 =	vld [tilespmem:s20+$0xFFFFFF40]  }
0x9c: {  	v2 =	vadd.f32 v2, v4;
	v4 =	vld [tilespmem:s20+$0xFFFFFF50]  }
0x9d: {  	v0 =	vadd.f32 v1, v0;
	v1 =	vld [tilespmem:s20+$0xFFFFFF60]  }
0x9e: {  	v2 =	vadd.f32 v6, v2;
	v6 =	vld [tilespmem:s20+$0xFFFFFF70]  }
0x9f: {  	v0 =	vadd.f32 v5, v0;
	v5 =	vld [tilespmem:s20+$0xFFFFFF80]  }
0xa0: {  	v2 =	vadd.f32 v3, v2;
	v3 =	vld [tilespmem:s20+$0xFFFFFF90]  }
0xa1: {  	v0 =	vadd.f32 v4, v0;
	v4 =	vld [tilespmem:s20+$0xFFFFFFA0]  }
0xa2: {  	v1 =	vadd.f32 v1, v2;
	v2 =	vld [tilespmem:s20+$0xFFFFFFB0]  }
0xa3: {  	v0 =	vadd.f32 v6, v0;
	v6 =	vld [tilespmem:s20+$0xFFFFFFC0]  }
0xa4: {  	v1 =	vadd.f32 v5, v1;
	v5 =	vld [tilespmem:s20+$0xFFFFFFD0]  }
0xa5: {  	v0 =	vadd.f32 v3, v0;
	v3 =	vld [tilespmem:s20+$0xFFFFFFE0]  }
0xa6: {  	v1 =	vadd.f32 v4, v1;
	v4 =	vld [tilespmem:s20+$0xFFFFFFF0]  }
0xa7: {  	v0 =	vadd.f32 v2, v0;
	v2 =	vld [tilespmem:s20+$0x0]  }
0xa8: {  	v1 =	vadd.f32 v6, v1;
	v6 =	vld [tilespmem:s20+$0x10]  }
0xa9: {  	v0 =	vadd.f32 v5, v0;
	v5 =	vld [tilespmem:s20+$0x20]  }
0xaa: {  	v1 =	vadd.f32 v3, v1;
	v3 =	vld [tilespmem:s20+$0x30]  }
0xab: {  	v0 =	vadd.f32 v4, v0;
	v4 =	vld [tilespmem:s20+$0x40]  }
0xac: {  	v1 =	vadd.f32 v2, v1;
	v2 =	vld [tilespmem:s20+$0x50]  }
0xad: {  	v0 =	vadd.f32 v6, v0;
	v6 =	vld [tilespmem:s20+$0x60]  }
0xae: {  	v1 =	vadd.f32 v5, v1;
	v5 =	vld [tilespmem:s20+$0x70]  }
0xaf: {  	v0 =	vadd.f32 v3, v0;
	v3 =	vld [tilespmem:s20+$0x80]  }
0xb0: {  	v1 =	vadd.f32 v4, v1;
	v4 =	vld [tilespmem:s20+$0x90]  }
0xb1: {  	v0 =	vadd.f32 v2, v0;
	v2 =	vld [tilespmem:s20+$0xA0]  }
0xb2: {  	v1 =	vadd.f32 v6, v1;
	v6 =	vld [tilespmem:s20+$0xB0]  }
0xb3: {  	v0 =	vadd.f32 v5, v0;
	v5 =	vld [tilespmem:s20+$0xC0]  }
0xb4: {  	v1 =	vadd.f32 v3, v1;
	v3 =	vld [tilespmem:s20+$0xD0]  }
0xb5: {  	v0 =	vadd.f32 v4, v0;
	v4 =	vld [tilespmem:s20+$0xE0]  }
0xb6: {  	v1 =	vadd.f32 v2, v1;
	v2 =	vld [tilespmem:s20+$0xF0]  }
0xb7: {  	v0 =	vadd.f32 v6, v0;
	v6 =	vld [tilespmem:s20+$0x100]  }
0xb8: {  	v1 =	vadd.f32 v5, v1;
	v5 =	vld [tilespmem:s20+$0x110]  }
0xb9: {  	v0 =	vadd.f32 v3, v0;
	v3 =	vld [tilespmem:s20+$0x120]  }
0xba: {  	v1 =	vadd.f32 v4, v1;
	v4 =	vld [tilespmem:s20+$0x130]  }
0xbb: {  	v0 =	vadd.f32 v2, v0  }
0xbc: {  	v1 =	vadd.f32 v6, v1  }
0xbd: {  	v0 =	vadd.f32 v5, v0  }
0xbe: {  	s20 =	sshll.u32 s19, $0x1;
	v1 =	vadd.f32 v3, v1  }
0xbf: {  	s22 =	sadd.s32 s5, s20;
	v0 =	vadd.f32 v4, v0  }
0xc0: {  	p0 =	seq.s32 s19, $0x19;
	s22 =	sshll.u32 s22, $0x8;
	[tilespmem:s21+$0xFFFFFFF0] =	vst v1  }
0xc1: {  	s28 =	sadd.s32 s6, s22;
	[tilespmem:s21+$0x0] =	vst v0;
	s21 =	sadd.s32 @!p0 s20, s9  }
0xc2: {  	[hbm4b:s28+s2] =	stream.linear.scatter [tilespmem:s16], [sflag:$0x3], $0x800, $0x38;
	[tilespmem:$0x15A00] =	vst v63  }
0xc3: {  	s21 =	smul.u32 @!p0 $0xA0, s21;
	_ =	swait.ge [sflag:s13], $0x800  }
0xc4: {  	[sflag:s13] =	ssyncset.done $0x0  }
0xc5: {  	s22 =	simm.s32 @!p0 $0x0;
	s21 =	sadd.s32 @!p0 s4, s21;
	[sflag:s13] =	ssyncadd.s32 $0xFFFFF800  }
0xc6: {  	[tilespmem:s22], [sflag:$0x3] =	stream.linear.gather @!p0 [hbm4b:s21+s22], $0x500, $0x38;
	[tilespmem:$0x15A00] =	vst v63  }
0xc7: {  	s21 =	simm.s32 @!p0 $0x3  }
0xc8: {  	_ =	swait.ge @!p0 [sflag:s21], $0x500  }
0xc9: {  	[sflag:s21] =	ssyncset.done @!p0 $0x0  }
0xca: {  	s23 =	simm.s32 @!p0 $0xA00;
	[sflag:s21] =	ssyncadd.s32 @!p0 $0xFFFFFB00;
	s21 =	simm.s32 @!p0 $0x80  }
0xcb: {  	[tilespmem:s23], [sflag:$0x1] =	stream.indirect.gather @!p0 [hbm4b:s3+s21], $0x20, s22, s21, $0xb8;
	[tilespmem:$0x15A00] =	vst v63  }
0xcc: {  	s22 =	simm.s32 @!p0 $0x1A00  }
0xcd: {  	[tilespmem:s22], [sflag:$0x1] =	stream.indirect.gather @!p0 [hbm4b:s3+s21], $0x20, s21, s21, $0xb8;
	[tilespmem:$0x15A00] =	vst v63  }
0xce: {  	s23 =	simm.s32 @!p0 $0x2A00;
	s22 =	simm.s32 @!p0 $0x100  }
0xcf: {  	[tilespmem:s23], [sflag:$0x1] =	stream.indirect.gather @!p0 [hbm4b:s3+s21], $0x20, s22, s21, $0xb8;
	[tilespmem:$0x15A00] =	vst v63  }
0xd0: {  	s22 =	simm.s32 @!p0 $0x180;
	s23 =	simm.s32 @!p0 $0x3A00  }
0xd1: {  	[tilespmem:s23], [sflag:$0x1] =	stream.indirect.gather @!p0 [hbm4b:s3+s21], $0x20, s22, s21, $0xb8;
	[tilespmem:$0x15A00] =	vst v63  }
0xd2: {  	s22 =	simm.s32 @!p0 $0x200;
	s23 =	simm.s32 @!p0 $0x4A00  }
0xd3: {  	[tilespmem:s23], [sflag:$0x1] =	stream.indirect.gather @!p0 [hbm4b:s3+s21], $0x20, s22, s21, $0xb8;
	[tilespmem:$0x15A00] =	vst v63  }
0xd4: {  	s22 =	simm.s32 @!p0 $0x280;
	s23 =	simm.s32 @!p0 $0x5A00  }
0xd5: {  	[tilespmem:s23], [sflag:$0x1] =	stream.indirect.gather @!p0 [hbm4b:s3+s21], $0x20, s22, s21, $0xb8;
	[tilespmem:$0x15A00] =	vst v63  }
0xd6: {  	s22 =	simm.s32 @!p0 $0x300;
	s23 =	simm.s32 @!p0 $0x6A00  }
0xd7: {  	[tilespmem:s23], [sflag:$0x1] =	stream.indirect.gather @!p0 [hbm4b:s3+s21], $0x20, s22, s21, $0xb8;
	[tilespmem:$0x15A00] =	vst v63  }
0xd8: {  	s22 =	simm.s32 @!p0 $0x380;
	s23 =	simm.s32 @!p0 $0x7A00  }
0xd9: {  	[tilespmem:s23], [sflag:$0x1] =	stream.indirect.gather @!p0 [hbm4b:s3+s21], $0x20, s22, s21, $0xb8;
	[tilespmem:$0x15A00] =	vst v63  }
0xda: {  	s22 =	simm.s32 @!p0 $0x400;
	s23 =	simm.s32 @!p0 $0x8A00  }
0xdb: {  	[tilespmem:s23], [sflag:$0x1] =	stream.indirect.gather @!p0 [hbm4b:s3+s21], $0x20, s22, s21, $0xb8;
	[tilespmem:$0x15A00] =	vst v63  }
0xdc: {  	s22 =	simm.s32 @!p0 $0x480;
	s23 =	simm.s32 @!p0 $0x9A00  }
0xdd: {  	[tilespmem:s23], [sflag:$0x1] =	stream.indirect.gather @!p0 [hbm4b:s3+s21], $0x20, s22, s21, $0xb8;
	[tilespmem:$0x15A00] =	vst v63  }
0xde: {  	_ =	swait.ge [sflag:s17], $0x1000  }
0xdf: {  	[sflag:s17] =	ssyncset.done $0x0  }
0xe0: {  	[sflag:s17] =	ssyncadd.s32 $0xFFFFF000  }
0xe1: {  	_ =	swait.ge [sflag:s17], $0x1000  }
0xe2: {  	[sflag:s17] =	ssyncset.done $0x0  }
0xe3: {  	[sflag:s17] =	ssyncadd.s32 $0xFFFFF000  }
0xe4: {  	_ =	swait.ge [sflag:s17], $0x1000  }
0xe5: {  	[sflag:s17] =	ssyncset.done $0x0  }
0xe6: {  	[sflag:s17] =	ssyncadd.s32 $0xFFFFF000  }
0xe7: {  	_ =	swait.ge [sflag:s17], $0x1000  }
0xe8: {  	[sflag:s17] =	ssyncset.done $0x0  }
0xe9: {  	[sflag:s17] =	ssyncadd.s32 $0xFFFFF000  }
0xea: {  	_ =	swait.ge [sflag:s17], $0x1000  }
0xeb: {  	[sflag:s17] =	ssyncset.done $0x0  }
0xec: {  	[sflag:s17] =	ssyncadd.s32 $0xFFFFF000  }
0xed: {  	_ =	swait.ge [sflag:s17], $0x1000  }
0xee: {  	[sflag:s17] =	ssyncset.done $0x0  }
0xef: {  	[sflag:s17] =	ssyncadd.s32 $0xFFFFF000  }
0xf0: {  	_ =	swait.ge [sflag:s17], $0x1000  }
0xf1: {  	[sflag:s17] =	ssyncset.done $0x0  }
0xf2: {  	[sflag:s17] =	ssyncadd.s32 $0xFFFFF000  }
0xf3: {  	_ =	swait.ge [sflag:s17], $0x1000  }
0xf4: {  	[sflag:s17] =	ssyncset.done $0x0  }
0xf5: {  	[sflag:s17] =	ssyncadd.s32 $0xFFFFF000  }
0xf6: {  	_ =	swait.ge [sflag:s17], $0x1000  }
0xf7: {  	[sflag:s17] =	ssyncset.done $0x0  }
0xf8: {  	[sflag:s17] =	ssyncadd.s32 $0xFFFFF000  }
0xf9: {  	_ =	swait.ge [sflag:s17], $0x1000  }
0xfa: {  	s29 =	simm.s32 $0x0;
	[sflag:s17] =	ssyncset.done $0x0  }
0xfb: {  	s23 =	sand.u32 $0xFF80, s29;
	[sflag:s17] =	ssyncadd.s32 $0xFFFFF000  }
0xfc: {  	v0 =	vld [tilespmem:s23+$0xAA30]  }
0xfd: {  	v4 =	vld [tilespmem:s23+$0xAA00]  }
0xfe: {  	v5 =	vld [tilespmem:s23+$0xAA20]  }
0xff: {  	v3 =	vld [tilespmem:s23+$0xAA10]  }
0x100: {  	s24 =	simm.s32 $0x15210;
	v2 =	vld [tilespmem:s23+$0xAA40]  }
0x101: {  	s25 =	simm.s32 $0x4E0;
	s22 =	simm.s32 $0x260;
	s21 =	simm.s32 $0x15210;
	v1 =	vld [tilespmem:s23+$0xAA50]  }
.LBB2_5:
0x102: {  	p1 =	sne.s32 s25, $0x9FE0;
	v6 =	vld [tilespmem:s23+$0xAA60];
	s26 =	sadd.s32 $0xFFFFFE20, s22;
	s24 =	sadd.s32 $0x20, s24  }
0x103: {  	v4 =	vadd.f32 v5, v4;
	v5 =	vld [tilespmem:s23+$0xAA70];
	s28 =	sand.u32 $0x1FF80, s26;
	s26 =	smov.u32 s25;
	s25 =	sadd.s32 $0x280, s25  }
0x104: {  	s29 =	sadd.s32 $0xFFFFFE40, s22;
	s23 =	sadd.s32 $0xFFFFFDA0, s26;
	v0 =	vadd.f32 v0, v3;
	v3 =	vld [tilespmem:s28+$0xAA00]  }
0x105: {  	s23 =	sand.u32 $0xFF80, s23;
	v2 =	vadd.f32 v2, v4;
	v4 =	vld [tilespmem:s28+$0xAA10];
	s28 =	sand.u32 $0x1FFA0, s29  }
0x106: {  	s29 =	sadd.s32 $0xFFFFFE60, s22;
	v0 =	vadd.f32 v1, v0;
	v1 =	vld [tilespmem:s28+$0xAA00]  }
0x107: {  	v2 =	vadd.f32 v6, v2;
	v6 =	vld [tilespmem:s28+$0xAA10];
	s28 =	sand.u32 $0x1FFC0, s29  }
0x108: {  	s29 =	sadd.s32 $0xFFFFFE80, s22;
	v0 =	vadd.f32 v5, v0;
	v5 =	vld [tilespmem:s28+$0xAA00]  }
0x109: {  	v2 =	vadd.f32 v3, v2;
	v3 =	vld [tilespmem:s28+$0xAA10];
	s28 =	sand.u32 $0x1FFE0, s29  }
0x10a: {  	s29 =	sadd.s32 $0xFFFFFEA0, s22;
	v0 =	vadd.f32 v4, v0;
	v4 =	vld [tilespmem:s28+$0xAA00]  }
0x10b: {  	v1 =	vadd.f32 v1, v2;
	v2 =	vld [tilespmem:s28+$0xAA10];
	s28 =	sand.u32 $0x1FF80, s29  }
0x10c: {  	s29 =	sadd.s32 $0xFFFFFEC0, s22;
	v0 =	vadd.f32 v6, v0;
	v6 =	vld [tilespmem:s28+$0xAA00]  }
0x10d: {  	v1 =	vadd.f32 v5, v1;
	v5 =	vld [tilespmem:s28+$0xAA10];
	s28 =	sand.u32 $0x1FFA0, s29  }
0x10e: {  	s29 =	sadd.s32 $0xFFFFFEE0, s22;
	v0 =	vadd.f32 v3, v0;
	v3 =	vld [tilespmem:s28+$0xAA00]  }
0x10f: {  	v1 =	vadd.f32 v4, v1;
	v4 =	vld [tilespmem:s28+$0xAA10];
	s28 =	sand.u32 $0x1FFC0, s29  }
0x110: {  	s29 =	sadd.s32 $0xFFFFFF00, s22;
	v0 =	vadd.f32 v2, v0;
	v2 =	vld [tilespmem:s28+$0xAA00]  }
0x111: {  	v1 =	vadd.f32 v6, v1;
	v6 =	vld [tilespmem:s28+$0xAA10];
	s28 =	sand.u32 $0x1FFE0, s29  }
0x112: {  	s29 =	sadd.s32 $0xFFFFFF20, s22;
	v0 =	vadd.f32 v5, v0;
	v5 =	vld [tilespmem:s28+$0xAA00]  }
0x113: {  	v1 =	vadd.f32 v3, v1;
	v3 =	vld [tilespmem:s28+$0xAA10];
	s28 =	sand.u32 $0x1FF80, s29  }
0x114: {  	s29 =	sadd.s32 $0xFFFFFF40, s22;
	v0 =	vadd.f32 v4, v0;
	v4 =	vld [tilespmem:s28+$0xAA00]  }
0x115: {  	v1 =	vadd.f32 v2, v1;
	v2 =	vld [tilespmem:s28+$0xAA10];
	s28 =	sand.u32 $0x1FFA0, s29  }
0x116: {  	s29 =	sadd.s32 $0xFFFFFF60, s22;
	v0 =	vadd.f32 v6, v0;
	v6 =	vld [tilespmem:s28+$0xAA00]  }
0x117: {  	v1 =	vadd.f32 v5, v1;
	v5 =	vld [tilespmem:s28+$0xAA10];
	s28 =	sand.u32 $0x1FFC0, s29  }
0x118: {  	s29 =	sadd.s32 $0xFFFFFF80, s22;
	v0 =	vadd.f32 v3, v0;
	v3 =	vld [tilespmem:s28+$0xAA00]  }
0x119: {  	v1 =	vadd.f32 v4, v1;
	v4 =	vld [tilespmem:s28+$0xAA10];
	s28 =	sand.u32 $0x1FFE0, s29  }
0x11a: {  	s29 =	sadd.s32 $0xFFFFFFA0, s22;
	v0 =	vadd.f32 v2, v0;
	v2 =	vld [tilespmem:s28+$0xAA00]  }
0x11b: {  	v1 =	vadd.f32 v6, v1;
	v6 =	vld [tilespmem:s28+$0xAA10];
	s28 =	sand.u32 $0x1FF80, s29  }
0x11c: {  	s29 =	sadd.s32 $0xFFFFFFC0, s22;
	v0 =	vadd.f32 v5, v0;
	v5 =	vld [tilespmem:s28+$0xAA00]  }
0x11d: {  	v1 =	vadd.f32 v3, v1;
	v3 =	vld [tilespmem:s28+$0xAA10];
	s28 =	sand.u32 $0x1FFA0, s29  }
0x11e: {  	s29 =	sadd.s32 $0xFFFFFFE0, s22;
	v0 =	vadd.f32 v4, v0;
	v4 =	vld [tilespmem:s28+$0xAA00]  }
0x11f: {  	v1 =	vadd.f32 v2, v1;
	v2 =	vld [tilespmem:s28+$0xAA10];
	s28 =	sand.u32 $0x1FFC0, s29  }
0x120: {  	v0 =	vadd.f32 v6, v0;
	v6 =	vld [tilespmem:s28+$0xAA00]  }
0x121: {  	v1 =	vadd.f32 v5, v1;
	v5 =	vld [tilespmem:s28+$0xAA10];
	s28 =	sand.u32 $0x1FFE0, s22;
	s22 =	smov.u32 s26  }
0x122: {  	v0 =	vadd.f32 v3, v0;
	v3 =	vld [tilespmem:s28+$0xAA00]  }
0x123: {  	v1 =	vadd.f32 v4, v1;
	v4 =	vld [tilespmem:s28+$0xAA10]  }
0x124: {  	v0 =	vadd.f32 v2, v0  }
0x125: {  	v1 =	vadd.f32 v6, v1  }
0x126: {  	v0 =	vadd.f32 v5, v0  }
0x127: {  	v1 =	vadd.f32 v3, v1  }
0x128: {  	v0 =	vadd.f32 v4, v0  }
0x129: {  	[tilespmem:s21+$0xFFFFFFF0] =	vst v1  }
0x12a: {  	[tilespmem:s21+$0x0] =	vst v0;
	s21 =	smov.u32 s24  }
0x12b: {  	v0 =	vld [tilespmem:s23+$0xAA30]  }
.Ltmp3:
0x12c: {  	v4 =	vld [tilespmem:s23+$0xAA00];
	(pc) =	sbr.rel @p1 .LBB2_5-.Ltmp3, $4  }
0x12d: {  	v5 =	vld [tilespmem:s23+$0xAA20]  }
0x12e: {  	v3 =	vld [tilespmem:s23+$0xAA10]  }
0x12f: {  	v2 =	vld [tilespmem:s23+$0xAA40]  }
0x130: {  	v1 =	vld [tilespmem:s23+$0xAA50]  }
0x131: {  	v6 =	vld [tilespmem:s23+$0xAA60];
	s24 =	sadd.s32 $0xFFFFFE20, s22  }
0x132: {  	v31 =	vld [tilespmem:s23+$0xAA70];
	v4 =	vadd.f32 v5, v4;
	s25 =	sand.u32 $0x1FF80, s24  }
0x133: {  	s26 =	sadd.s32 $0xFFFFFE40, s22;
	v0 =	vadd.f32 v0, v3;
	v32 =	vld [tilespmem:s25+$0xAA00]  }
0x134: {  	s28 =	sand.u32 $0x1FFA0, s26;
	v33 =	vld [tilespmem:s25+$0xAA10];
	v2 =	vadd.f32 v2, v4  }
0x135: {  	s29 =	sadd.s32 $0xFFFFFE60, s22;
	v34 =	vld [tilespmem:s28+$0xAA00];
	v0 =	vadd.f32 v1, v0  }
0x136: {  	v35 =	vld [tilespmem:s28+$0xAA10];
	s25 =	sand.u32 $0x1FFC0, s29;
	v2 =	vadd.f32 v6, v2  }
0x137: {  	s26 =	sadd.s32 $0xFFFFFE80, s22;
	v36 =	vld [tilespmem:s25+$0xAA00];
	v0 =	vadd.f32 v31, v0  }
0x138: {  	s28 =	sand.u32 $0x1FFE0, s26;
	v37 =	vld [tilespmem:s25+$0xAA10];
	v2 =	vadd.f32 v32, v2  }
0x139: {  	s29 =	sadd.s32 $0xFFFFFEA0, s22;
	v38 =	vld [tilespmem:s28+$0xAA00];
	v0 =	vadd.f32 v33, v0  }
0x13a: {  	v39 =	vld [tilespmem:s28+$0xAA10];
	s25 =	sand.u32 $0x1FF80, s29;
	v1 =	vadd.f32 v34, v2  }
0x13b: {  	s26 =	sadd.s32 $0xFFFFFEC0, s22;
	v40 =	vld [tilespmem:s25+$0xAA00];
	v0 =	vadd.f32 v35, v0  }
0x13c: {  	s28 =	sand.u32 $0x1FFA0, s26;
	v41 =	vld [tilespmem:s25+$0xAA10];
	v1 =	vadd.f32 v36, v1  }
0x13d: {  	s29 =	sadd.s32 $0xFFFFFEE0, s22;
	v42 =	vld [tilespmem:s28+$0xAA00];
	v0 =	vadd.f32 v37, v0  }
0x13e: {  	v43 =	vld [tilespmem:s28+$0xAA10];
	s25 =	sand.u32 $0x1FFC0, s29;
	v1 =	vadd.f32 v38, v1  }
0x13f: {  	s26 =	sadd.s32 $0xFFFFFF00, s22;
	v44 =	vld [tilespmem:s25+$0xAA00];
	v0 =	vadd.f32 v39, v0  }
0x140: {  	s28 =	sand.u32 $0x1FFE0, s26;
	v45 =	vld [tilespmem:s25+$0xAA10];
	v1 =	vadd.f32 v40, v1  }
0x141: {  	s29 =	sadd.s32 $0xFFFFFF20, s22;
	v46 =	vld [tilespmem:s28+$0xAA00];
	v0 =	vadd.f32 v41, v0  }
0x142: {  	v47 =	vld [tilespmem:s28+$0xAA10];
	s25 =	sand.u32 $0x1FF80, s29;
	v1 =	vadd.f32 v42, v1  }
0x143: {  	s26 =	sadd.s32 $0xFFFFFF40, s22;
	v48 =	vld [tilespmem:s25+$0xAA00];
	v0 =	vadd.f32 v43, v0  }
0x144: {  	s28 =	sand.u32 $0x1FFA0, s26;
	v49 =	vld [tilespmem:s25+$0xAA10];
	v1 =	vadd.f32 v44, v1  }
0x145: {  	s29 =	sadd.s32 $0xFFFFFF60, s22;
	v50 =	vld [tilespmem:s28+$0xAA00];
	v0 =	vadd.f32 v45, v0  }
0x146: {  	v51 =	vld [tilespmem:s28+$0xAA10];
	s25 =	sand.u32 $0x1FFC0, s29;
	v1 =	vadd.f32 v46, v1  }
0x147: {  	s26 =	sadd.s32 $0xFFFFFF80, s22;
	v52 =	vld [tilespmem:s25+$0xAA00];
	v0 =	vadd.f32 v47, v0  }
0x148: {  	s28 =	sand.u32 $0x1FFE0, s26;
	v53 =	vld [tilespmem:s25+$0xAA10];
	v1 =	vadd.f32 v48, v1  }
0x149: {  	s29 =	sadd.s32 $0xFFFFFFA0, s22;
	v54 =	vld [tilespmem:s28+$0xAA00];
	v0 =	vadd.f32 v49, v0  }
0x14a: {  	v55 =	vld [tilespmem:s28+$0xAA10];
	s25 =	sand.u32 $0x1FF80, s29;
	v1 =	vadd.f32 v50, v1  }
0x14b: {  	s26 =	sadd.s32 $0xFFFFFFC0, s22;
	v56 =	vld [tilespmem:s25+$0xAA00];
	v0 =	vadd.f32 v51, v0  }
0x14c: {  	s28 =	sand.u32 $0x1FFA0, s26;
	v57 =	vld [tilespmem:s25+$0xAA10];
	v1 =	vadd.f32 v52, v1  }
0x14d: {  	s29 =	sadd.s32 $0xFFFFFFE0, s22;
	v58 =	vld [tilespmem:s28+$0xAA00];
	v0 =	vadd.f32 v53, v0  }
0x14e: {  	v59 =	vld [tilespmem:s28+$0xAA10];
	s25 =	sand.u32 $0x1FFC0, s29;
	v1 =	vadd.f32 v54, v1  }
0x14f: {  	v60 =	vld [tilespmem:s25+$0xAA00];
	v0 =	vadd.f32 v55, v0  }
0x150: {  	s26 =	sand.u32 $0x1FFE0, s22;
	v61 =	vld [tilespmem:s25+$0xAA10];
	v1 =	vadd.f32 v56, v1  }
0x151: {  	v62 =	vld [tilespmem:s26+$0xAA00];
	v0 =	vadd.f32 v57, v0  }
0x152: {  	v63 =	vld [tilespmem:s26+$0xAA10];
	v1 =	vadd.f32 v58, v1  }
0x153: {  	v0 =	vadd.f32 v59, v0  }
0x154: {  	v1 =	vadd.f32 v60, v1  }
0x155: {  	v0 =	vadd.f32 v61, v0  }
0x156: {  	s28 =	sadd.s32 s20, s10;
	v1 =	vadd.f32 v62, v1  }
0x157: {  	s22 =	sshll.u32 s28, $0x8;
	v0 =	vadd.f32 v63, v0  }
0x158: {  	s22 =	sand.u32 $0x1FFFFF00, s22;
	[tilespmem:s21+$0xFFFFFFF0] =	vst v1  }
.Ltmp4:
0x159: {  	s29 =	sadd.s32 s6, s22;
	[tilespmem:s21+$0x0] =	vst v0;
	(pc) =	sbr.rel @p0 .LBB2_8-.Ltmp4, $4  }
0x15a: {  	[hbm4b:s29+s2] =	stream.linear.scatter [tilespmem:s18], [sflag:$0x3], $0x800, $0x38;
	[tilespmem:$0x15A00] =	vst v63  }
0x15b: {  	_ =	swait.ge [sflag:s13], $0x800  }
0x15c: {  	[sflag:s13] =	ssyncset.done $0x0  }
0x15d: {  	[sflag:s13] =	ssyncadd.s32 $0xFFFFF800  }
0x15e: {  	s20 =	sadd.s32 s20, s11  }
0x15f: {  	s20 =	smul.u32 $0xA0, s20;
	_ =	sdelay $0x1  }
0x160: {  	s20 =	sadd.s32 s4, s20  }
0x161: {  	[tilespmem:s15], [sflag:$0x3] =	stream.linear.gather [hbm4b:s20+s2], $0x500, $0x38;
	[tilespmem:$0x15A00] =	vst v63  }
0x162: {  	_ =	swait.ge [sflag:s13], $0x500  }
0x163: {  	[sflag:s13] =	ssyncset.done $0x0  }
0x164: {  	s25 =	simm.s32 $0xAA00;
	[sflag:s13] =	ssyncadd.s32 $0xFFFFFB00  }
0x165: {  	[tilespmem:s25], [sflag:$0x2] =	stream.indirect.gather [hbm4b:s3+s14], $0x20, s15, s14, $0xb8;
	[tilespmem:$0x15A00] =	vst v63  }
0x166: {  	s26 =	simm.s32 $0x580;
	s21 =	simm.s32 $0xBA00  }
0x167: {  	[tilespmem:s21], [sflag:$0x2] =	stream.indirect.gather [hbm4b:s3+s14], $0x20, s26, s14, $0xb8;
	[tilespmem:$0x15A00] =	vst v63  }
0x168: {  	s28 =	simm.s32 $0x600;
	s29 =	simm.s32 $0xCA00  }
0x169: {  	[tilespmem:s29], [sflag:$0x2] =	stream.indirect.gather [hbm4b:s3+s14], $0x20, s28, s14, $0xb8;
	[tilespmem:$0x15A00] =	vst v63  }
0x16a: {  	s22 =	simm.s32 $0xDA00;
	s21 =	simm.s32 $0x680  }
0x16b: {  	[tilespmem:s22], [sflag:$0x2] =	stream.indirect.gather [hbm4b:s3+s14], $0x20, s21, s14, $0xb8;
	[tilespmem:$0x15A00] =	vst v63  }
0x16c: {  	s23 =	simm.s32 $0x700;
	s24 =	simm.s32 $0xEA00  }
0x16d: {  	[tilespmem:s24], [sflag:$0x2] =	stream.indirect.gather [hbm4b:s3+s14], $0x20, s23, s14, $0xb8;
	[tilespmem:$0x15A00] =	vst v63  }
0x16e: {  	s25 =	simm.s32 $0x780;
	s26 =	simm.s32 $0xFA00  }
0x16f: {  	[tilespmem:s26], [sflag:$0x2] =	stream.indirect.gather [hbm4b:s3+s14], $0x20, s25, s14, $0xb8;
	[tilespmem:$0x15A00] =	vst v63  }
0x170: {  	s28 =	simm.s32 $0x800;
	s29 =	simm.s32 $0x10A00  }
0x171: {  	[tilespmem:s29], [sflag:$0x2] =	stream.indirect.gather [hbm4b:s3+s14], $0x20, s28, s14, $0xb8;
	[tilespmem:$0x15A00] =	vst v63  }
0x172: {  	_ = 	snop  }
0x173: {  	[tilespmem:s31], [sflag:$0x2] =	stream.indirect.gather [hbm4b:s3+s14], $0x20, s30, s14, $0xb8;
	[tilespmem:$0x15A00] =	vst v63  }
.Ltmp5:
0x174: {  	_ = 	snop;
	(pc) =	sbr.rel .LBB2_2-.Ltmp5, $4  }
0x175: {  	_ = 	snop  }
0x176: {  	[tilespmem:s1], [sflag:$0x2] =	stream.indirect.gather [hbm4b:s3+s14], $0x20, s0, s14, $0xb8;
	[tilespmem:$0x15A00] =	vst v63  }
0x177: {  	s19 =	sadd.s32 $0x1, s19  }
0x178: {  	[tilespmem:s8], [sflag:$0x2] =	stream.indirect.gather [hbm4b:s3+s14], $0x20, s7, s14, $0xb8;
	[tilespmem:$0x15A00] =	vst v63  }
.LBB2_9:
0x179: {  	_ =	sfence.sel $0x180000  }
0x17a: {  	[bflag:$0x0] =	sbarrier.arrive $0xFFFF  }
0x17b: {  	_ =	strace $0x90000047  }
0x17c: {  	s0 =	stileid.u32;
	[bflag:$0x2] =	sbarrier.arrive $0xFFFF  }
0x17d: {  	p0 =	sne.s32 s0, $0x0;
	s0 =	rddreg [dreg:$0x1]  }
0x17e: {  	s0 =	sadd.s32 @!p0 $0x100000, s0  }
0x17f: {  	[sflag:s0] =	ssyncadd.tile.s32 @!p0 $0x1;
	_ =	shalt  }
.Lfunc_end2:
_tile_overlayer_lowered:
.L_overlay_start_2:
0x180: {  	(tag) =	ssettag $0x2  }
0x181: {  	s0 =	rddreg [dreg:$0x0];
	s2 =	stileid.u32  }
0x182: {  	s1 =	rddreg [dreg:$0x1];
	p0 =	sne.s32 s2, $0x0  }
0x183: {  	s3 =	rddreg [dreg:$0x2];
	[bflag:$0x3] =	sbarrier.arrive $0xFFFF;
	s2 =	simm.s32 @!p0 $0x1C03  }
0x184: {  	[timem:s3], [sflag:s2] =	dma.local @!p0 [hbm:s0], s1  }
0x185: {  	s0 =	simm.s32 @!p0 $0x3  }
0x186: {  	_ =	swait.ge @!p0 [sflag:s0], s1  }
0x187: {  	s1 =	ssub.s32 @!p0 $0x0, s1;
	[sflag:s0] =	ssyncset.done @!p0 $0x0  }
0x188: {  	[sflag:s0] =	ssyncadd.s32 @!p0 s1  }
0x189: {  	[bflag:$0x3] =	sbarrier.arrive $0xFFFF  }
0x18a: {  	_ =	shalt  }

</sc_bundles>
